<compile_context>
chip_gen: v7x
topology: tpu7x:2x2x1
jax: 0.10.2.dev20260603
libtpu: 0.0.44.dev20260713+nightly
codegen_flags: <defaults>
</compile_context>

<pallas_src>
import functools

import jax
import jax.numpy as jnp
from jax import lax
from jax.experimental import pallas as pl
from jax.experimental.pallas import tpu as pltpu
from jax.experimental.pallas import tpu_sc as plsc

NC = 2
NS = 16
NW = NC * NS
_CHUNK = 40
_NBUF = 6
_BLK = 1000


def _sc_mesh():
    return plsc.VectorSubcoreMesh(core_axis_name="c", subcore_axis_name="s")


def _rows_copy(N, s, srcfn, dstfn):
    rpt0 = (-(-N // NS) + 7) // 8 * 8
    last = N - (NS - 1) * rpt0

    @pl.when(s < NS - 1)
    def _():
        sl = pl.ds(s * rpt0, rpt0)
        pltpu.sync_copy(srcfn(sl), dstfn(sl))

    @pl.when(s == NS - 1)
    def _():
        sl = pl.ds((NS - 1) * rpt0, last)
        pltpu.sync_copy(srcfn(sl), dstfn(sl))


@functools.cache
def _make_deg(E, N):
    ept = E // NW
    nvec = ept // 16
    nchunk = N // 16
    R = 8

    @functools.partial(
        pl.kernel,
        out_type=jax.ShapeDtypeStruct((NW * N,), jnp.float32),
        mesh=_sc_mesh(),
        compiler_params=pltpu.CompilerParams(needs_layout_passes=False),
        scratch_types=[
            pltpu.VMEM((ept,), jnp.int32),
            pltpu.VMEM((R * N,), jnp.float32),
            pltpu.VMEM((N,), jnp.float32),
        ],
    )
    def deg_k(dst_hbm, zeros_hbm, out_hbm, dst_v, tab_v, red_v):
        c = lax.axis_index("c")
        s = lax.axis_index("s")
        w = c * NS + s
        pltpu.sync_copy(dst_hbm.at[pl.ds(w * ept, ept)], dst_v)
        pltpu.sync_copy(zeros_hbm, tab_v)
        lane = lax.iota(jnp.int32, 16)
        offs = (lane % R) * N
        lo = lane < R
        hi = lane >= R
        ones = jnp.ones((16,), jnp.float32)

        def count(j, carry):
            idx = dst_v[pl.ds(j * 16, 16)] + offs
            plsc.addupdate_scatter(tab_v, [idx], ones, mask=lo)
            plsc.addupdate_scatter(tab_v, [idx], ones, mask=hi)
            return carry

        lax.fori_loop(0, nvec, count, 0)

        def reduce(m, carry):
            acc = tab_v[pl.ds(m * 16, 16)]
            for r in range(1, R):
                acc = acc + tab_v[pl.ds(r * N + m * 16, 16)]
            red_v[pl.ds(m * 16, 16)] = acc
            return carry

        lax.fori_loop(0, nchunk, reduce, 0)
        pltpu.sync_copy(red_v, out_hbm.at[pl.ds(w * N, N)])

    return deg_k


@functools.cache
def _make_agg(E, N, dim):
    ept = E // NW
    steps = ept // _CHUNK
    nbuf = _NBUF

    @functools.partial(
        pl.kernel,
        out_type=jax.ShapeDtypeStruct((NC, N, dim), jnp.float32),
        mesh=_sc_mesh(),
        scratch_types=(
            [pltpu.VMEM((ept,), jnp.int32),
             pltpu.VMEM((ept,), jnp.int32)]
            + [pltpu.VMEM((_CHUNK, dim), jnp.float32)] * nbuf
            + [pltpu.VMEM_SHARED((N, dim), jnp.float32)]
            + [pltpu.SemaphoreType.DMA] * nbuf
        ),
    )
    def agg_k(src_hbm, dst_hbm, table_hbm, zeros_hbm, out_hbm,
              src_v, dst_v, *rest):
        rows = rest[:nbuf]
        acc_sh = rest[nbuf]
        sems = rest[nbuf + 1:]
        c = lax.axis_index("c")
        s = lax.axis_index("s")
        _rows_copy(N, s, lambda sl: zeros_hbm.at[sl], lambda sl: acc_sh.at[sl])
        w = c * NS + s
        ebase = w * ept
        pltpu.sync_copy(src_hbm.at[pl.ds(ebase, ept)], src_v)
        pltpu.sync_copy(dst_hbm.at[pl.ds(ebase, ept)], dst_v)
        plsc.subcore_barrier()

        def gather_start(k, b):
            pltpu.async_copy(
                table_hbm.at[src_v.at[pl.ds(k * _CHUNK, _CHUNK)]],
                rows[b], sems[b])

        def gather_wait(k, b):
            pltpu.make_async_copy(
                table_hbm.at[src_v.at[pl.ds(k * _CHUNK, _CHUNK)]],
                rows[b], sems[b]).wait()

        def scatter_start(k, b):
            pltpu.async_copy(
                rows[b], acc_sh.at[dst_v.at[pl.ds(k * _CHUNK, _CHUNK)]],
                sems[b], add=True)

        def scatter_wait(k, b):
            pltpu.make_async_copy(
                rows[b], acc_sh.at[dst_v.at[pl.ds(k * _CHUNK, _CHUNK)]],
                sems[b]).wait()

        for i in range(nbuf - 1):
            gather_start(i, i)

        def group(t, carry):
            for j in range(nbuf):
                k = t * nbuf + j
                gather_wait(k, j)
                scatter_start(k, j)
                if j == 0:
                    @pl.when(t > 0)
                    def _():
                        scatter_wait(k - 1, nbuf - 1)
                else:
                    scatter_wait(k - 1, j - 1)

                @pl.when(k + nbuf - 1 < steps)
                def _():
                    gather_start(k + nbuf - 1, (j + nbuf - 1) % nbuf)
            return carry

        lax.fori_loop(0, steps // nbuf, group, 0)
        for k in range((steps // nbuf) * nbuf, steps):
            gather_wait(k, k % nbuf)
            scatter_start(k, k % nbuf)
            scatter_wait(k - 1, (k - 1) % nbuf)
        scatter_wait(steps - 1, (steps - 1) % nbuf)
        plsc.subcore_barrier()
        _rows_copy(N, s, lambda sl: acc_sh.at[sl], lambda sl: out_hbm.at[c, sl])

    return agg_k


def _dinv_of(degp_ref):
    deg = jnp.sum(degp_ref[...], axis=1, keepdims=True) + 1.0
    return lax.rsqrt(deg)


@functools.cache
def _make_scale(N, D):
    grid = N // _BLK

    def body(x_ref, degp_ref, xs_ref):
        xs_ref[...] = x_ref[...] * _dinv_of(degp_ref)

    return pl.pallas_call(
        body,
        grid=(grid,),
        in_specs=[
            pl.BlockSpec((_BLK, D), lambda i: (i, 0)),
            pl.BlockSpec((_BLK, NW), lambda i: (i, 0)),
        ],
        out_specs=pl.BlockSpec((_BLK, D), lambda i: (i, 0)),
        out_shape=jax.ShapeDtypeStruct((N, D), jnp.float32),
    )


@functools.cache
def _make_mid(N, D, H1, H2):
    grid = N // _BLK

    def body(aggp_ref, xs_ref, degp_ref, W1_ref, b1_ref, W2_ref, hs2_ref):
        dinv = _dinv_of(degp_ref)
        t1 = (aggp_ref[0] + aggp_ref[1] + xs_ref[...]) * dinv
        out1 = jnp.maximum(
            jnp.dot(t1, W1_ref[...], preferred_element_type=jnp.float32)
            + b1_ref[...], 0.0)
        hs2 = jnp.dot(
            out1, W2_ref[...], preferred_element_type=jnp.float32) * dinv
        hs2_ref[...] = jnp.concatenate(
            [hs2, jnp.zeros((_BLK, 128 - H2), jnp.float32)], axis=1)

    return pl.pallas_call(
        body,
        grid=(grid,),
        in_specs=[
            pl.BlockSpec((NC, _BLK, D), lambda i: (0, i, 0)),
            pl.BlockSpec((_BLK, D), lambda i: (i, 0)),
            pl.BlockSpec((_BLK, NW), lambda i: (i, 0)),
            pl.BlockSpec((D, H1), lambda i: (0, 0)),
            pl.BlockSpec((1, H1), lambda i: (0, 0)),
            pl.BlockSpec((H1, H2), lambda i: (0, 0)),
        ],
        out_specs=pl.BlockSpec((_BLK, 128), lambda i: (i, 0)),
        out_shape=jax.ShapeDtypeStruct((N, 128), jnp.float32),
    )


@functools.cache
def _make_final(N, H2, Z, G):
    grid = N // _BLK

    def body(aggp_ref, hs2_ref, degp_ref, b2_ref, batch_ref, Wmu_ref, bmu_ref,
             z_ref, ps, cnt):
        i = pl.program_id(0)

        @pl.when(i == 0)
        def _init():
            ps[...] = jnp.zeros_like(ps)
            cnt[...] = jnp.zeros_like(cnt)

        dinv = _dinv_of(degp_ref)
        out2 = jnp.maximum(
            (aggp_ref[0, :, :H2] + aggp_ref[1, :, :H2] + hs2_ref[:, :H2])
            * dinv + b2_ref[...],
            0.0)
        b = batch_ref[0, 0, :]
        gids = lax.broadcasted_iota(jnp.int32, (G, _BLK), 0)
        M = (b[None, :] == gids).astype(jnp.float32)
        ps[...] += jnp.dot(M, out2, preferred_element_type=jnp.float32)
        csum = jnp.sum(M, axis=1, keepdims=True)
        cnt[...] += jnp.broadcast_to(csum, cnt.shape)

        @pl.when(i == grid - 1)
        def _fin():
            pooled = ps[...] / jnp.maximum(cnt[:, 0:1], 1.0)
            z_ref[...] = jnp.dot(
                pooled, Wmu_ref[...], preferred_element_type=jnp.float32
            ) + bmu_ref[...]

    return pl.pallas_call(
        body,
        grid=(grid,),
        in_specs=[
            pl.BlockSpec((NC, _BLK, 128), lambda i: (0, i, 0)),
            pl.BlockSpec((_BLK, 128), lambda i: (i, 0)),
            pl.BlockSpec((_BLK, NW), lambda i: (i, 0)),
            pl.BlockSpec((1, H2), lambda i: (0, 0)),
            pl.BlockSpec((1, 1, _BLK), lambda i: (i, 0, 0)),
            pl.BlockSpec((H2, Z), lambda i: (0, 0)),
            pl.BlockSpec((1, Z), lambda i: (0, 0)),
        ],
        out_specs=pl.BlockSpec((G, Z), lambda i: (0, 0)),
        out_shape=jax.ShapeDtypeStruct((G, Z), jnp.float32),
        scratch_shapes=[
            pltpu.VMEM((G, H2), jnp.float32),
            pltpu.VMEM((G, H2), jnp.float32),
        ],
    )


def kernel(x, edge_index, batch, W1, b1, W2, b2, Wmu, bmu):
    N, D = x.shape
    E = edge_index.shape[1]
    H1 = W1.shape[1]
    H2 = W2.shape[1]
    Z = Wmu.shape[1]
    G = 64

    src = edge_index[0]
    dst = edge_index[1]

    degp = _make_deg(E, N)(
        dst, jnp.zeros((8 * N,), jnp.float32)).reshape(NW, N).T
    xs = _make_scale(N, D)(x, degp)
    agg1 = _make_agg(E, N, D)(src, dst, xs, jnp.zeros((N, D), jnp.float32))
    hs2 = _make_mid(N, D, H1, H2)(
        agg1, xs, degp, W1, b1.reshape(1, H1), W2)
    agg2 = _make_agg(E, N, 128)(src, dst, hs2, jnp.zeros((N, 128), jnp.float32))
    z = _make_final(N, H2, Z, G)(
        agg2, hs2, degp, b2.reshape(1, H2),
        batch.reshape(N // _BLK, 1, _BLK), Wmu, bmu.reshape(1, Z))
    return z

# --- scband reference (transcript-rebuilt; emitter-appended) ---
"""Pipeline reference for scband-encoder-46042049413177 (READ-ONLY COPY).

The authoritative reference and input builder live on the scoring server;
editing this copy changes nothing except your own understanding.
"""

import jax, jax.numpy as jnp
import numpy as np

N = 10000
E = 320000
D = 128
H1 = 160
H2 = 80
Z = 64
G = 64


def setup_inputs(seed: int = 0) -> dict:
    key = jax.random.key(seed)
    ks = jax.random.split(key, 10)
    x = jax.random.normal(ks[0], (N, D), dtype=jnp.float32)
    edge_index = jax.random.randint(ks[1], (2, E), 0, N, dtype=jnp.int32)
    batch = jnp.sort(jax.random.randint(ks[2], (N,), 0, G, dtype=jnp.int32))
    W1 = jax.random.normal(ks[3], (D, H1), dtype=jnp.float32) * 0.05
    b1 = jnp.zeros((H1,), dtype=jnp.float32)
    W2 = jax.random.normal(ks[4], (H1, H2), dtype=jnp.float32) * 0.05
    b2 = jnp.zeros((H2,), dtype=jnp.float32)
    Wmu = jax.random.normal(ks[5], (H2, Z), dtype=jnp.float32) * 0.05
    bmu = jnp.zeros((Z,), dtype=jnp.float32)
    return {"x": x, "edge_index": edge_index, "batch": batch,
            "W1": W1, "b1": b1, "W2": W2, "b2": b2, "Wmu": Wmu, "bmu": bmu}


def _gcn_conv(x, edge_index, W, b):
    # PyG GCNConv: add self-loops, symmetric normalization D^-1/2 (A+I) D^-1/2 (X W) + b
    src = edge_index[0]
    dst = edge_index[1]
    loop = jnp.arange(N, dtype=src.dtype)
    src = jnp.concatenate([src, loop])
    dst = jnp.concatenate([dst, loop])
    deg = jnp.zeros((N,), dtype=x.dtype).at[dst].add(1.0)
    dinv = jax.lax.rsqrt(jnp.maximum(deg, 1e-12))
    norm = dinv[src] * dinv[dst]
    h = x @ W
    msg = h[src] * norm[:, None]
    out = jnp.zeros((N, W.shape[1]), dtype=x.dtype).at[dst].add(msg)
    return out + b


def _global_mean_pool(h, batch):
    sums = jax.ops.segment_sum(h, batch, num_segments=G)
    cnt = jax.ops.segment_sum(jnp.ones((N, 1), dtype=h.dtype), batch, num_segments=G)
    return sums / jnp.maximum(cnt, 1.0)


def reference(x, edge_index, batch, W1, b1, W2, b2, Wmu, bmu):
    h = jax.nn.relu(_gcn_conv(x, edge_index, W1, b1))
    h = jax.nn.relu(_gcn_conv(h, edge_index, W2, b2))
    pooled = _global_mean_pool(h, batch)
    z = pooled @ Wmu + bmu
    return z

if __name__ == "__main__":
    import jax
    _d = setup_inputs()
    print(jax.jit(kernel)(*tuple(_d.values())))

</pallas_src>

<mosaic_0001>
#map = affine_map<(d0, d1) -> (0)>
module attributes {stable_mosaic.version = 14 : i64} {
  func.func @deg_k(%arg0: i32, %arg1: i32, %arg2: memref<320000xi32, #tpu.memory_space<hbm>>, %arg3: memref<80000xf32, #tpu.memory_space<hbm>>, %arg4: memref<320000xf32, #tpu.memory_space<hbm>>, %arg5: memref<10000xi32, #tpu.memory_space<vmem>>, %arg6: memref<80000xf32, #tpu.memory_space<vmem>>, %arg7: memref<10000xf32, #tpu.memory_space<vmem>>) attributes {dimension_semantics = [#tpu.dimension_semantics<core_parallel>, #tpu.dimension_semantics<subcore_parallel>], iteration_bounds = array<i64: 2, 16>, scalar_prefetch = 0 : i64, scratch_operands = 3 : i64, tpu.core_type = #tpu.core_type<sc_vector_subcore>, window_params = [{transform_indices = #map}, {transform_indices = #map}, {transform_indices = #map}]} {
    %mul3A = arith.constant 16 : i32
    %mul3A_0 = arith.muli %arg0, %mul3A : i32
    %add3A = arith.addi %mul3A_0, %arg1 : i32
    %mul3A_1 = arith.constant 10000 : i32
    %mul3A_2 = arith.muli %add3A, %mul3A_1 : i32
    "tpu.region"() ({
      %run_scoped3A = tpu.sem_alloc : memref<!tpu.dma_semaphore, #tpu.memory_space<semaphore_mem>>
      %dma_start3A = tpu.memref_slice %arg2[%mul3A_2] : memref<320000xi32, #tpu.memory_space<hbm>> -> memref<10000xi32, #tpu.memory_space<hbm>>
      %dma_start3A_40 = tpu.memref_slice %arg2[%mul3A_2] : memref<320000xi32, #tpu.memory_space<hbm>> -> memref<10000xi32, #tpu.memory_space<hbm>>
      tpu.enqueue_dma source(%dma_start3A_40 : memref<10000xi32, #tpu.memory_space<hbm>>) target(%arg5 : memref<10000xi32, #tpu.memory_space<vmem>>) target_semaphore(%run_scoped3A : memref<!tpu.dma_semaphore, #tpu.memory_space<semaphore_mem>>)
      %dma_wait3A = tpu.memref_slice %arg2[%mul3A_2] : memref<320000xi32, #tpu.memory_space<hbm>> -> memref<10000xi32, #tpu.memory_space<hbm>>
      %dma_wait3A_41 = tpu.memref_slice %arg2[%mul3A_2] : memref<320000xi32, #tpu.memory_space<hbm>> -> memref<10000xi32, #tpu.memory_space<hbm>>
      tpu.wait_dma2 semaphore(%run_scoped3A : memref<!tpu.dma_semaphore, #tpu.memory_space<semaphore_mem>>) src(%dma_wait3A_41 : memref<10000xi32, #tpu.memory_space<hbm>>) dst(%arg5 : memref<10000xi32, #tpu.memory_space<vmem>>)
      tpu.yield
    }) : () -> ()
    "tpu.region"() ({
      %run_scoped3A = tpu.sem_alloc : memref<!tpu.dma_semaphore, #tpu.memory_space<semaphore_mem>>
      tpu.enqueue_dma source(%arg3 : memref<80000xf32, #tpu.memory_space<hbm>>) target(%arg6 : memref<80000xf32, #tpu.memory_space<vmem>>) target_semaphore(%run_scoped3A : memref<!tpu.dma_semaphore, #tpu.memory_space<semaphore_mem>>)
      tpu.wait_dma2 semaphore(%run_scoped3A : memref<!tpu.dma_semaphore, #tpu.memory_space<semaphore_mem>>) src(%arg3 : memref<80000xf32, #tpu.memory_space<hbm>>) dst(%arg6 : memref<80000xf32, #tpu.memory_space<vmem>>)
      tpu.yield
    }) : () -> ()
    %iota3A = tpu.iota {dimensions = array<i32: 0>} : vector<16xi32>
    %jit3A = arith.constant 8 : i32
    %eq3A = arith.constant 0 : i32
    %eq3A_3 = arith.cmpi eq, %jit3A, %eq3A : i32
    %jit3A_4 = arith.constant 1 : i32
    %select_n3A = arith.select %eq3A_3, %jit3A_4, %jit3A : i32
    %rem3A = vector.broadcast %select_n3A : i32 to vector<16xi32>
    %rem3A_5 = arith.remsi %iota3A, %rem3A : vector<16xi32>
    %ne3A = arith.constant 0 : i32
    %ne3A_6 = vector.broadcast %ne3A : i32 to vector<16xi32>
    %ne3A_7 = arith.cmpi ne, %rem3A_5, %ne3A_6 : vector<16xi32>
    %lt3A = arith.constant 0 : i32
    %lt3A_8 = vector.broadcast %lt3A : i32 to vector<16xi32>
    %lt3A_9 = arith.cmpi slt, %rem3A_5, %lt3A_8 : vector<16xi32>
    %lt3A_10 = arith.constant 0 : i32
    %lt3A_11 = arith.cmpi slt, %select_n3A, %lt3A_10 : i32
    %ne3A_12 = vector.broadcast %lt3A_11 : i1 to vector<16xi1>
    %ne3A_13 = vector.broadcast %ne3A_12 : vector<16xi1> to vector<16xi1>
    %ne3A_14 = arith.xori %lt3A_9, %ne3A_13 : vector<16xi1>
    %and3A = arith.andi %ne3A_14, %ne3A_7 : vector<16xi1>
    %add3A_15 = vector.broadcast %select_n3A : i32 to vector<16xi32>
    %add3A_16 = arith.addi %rem3A_5, %add3A_15 : vector<16xi32>
    %select_n3A_17 = arith.select %and3A, %add3A_16, %rem3A_5 : vector<16xi1>, vector<16xi32>
    %mul3A_18 = arith.constant 10000 : i32
    %mul3A_19 = vector.broadcast %mul3A_18 : i32 to vector<16xi32>
    %mul3A_20 = arith.muli %select_n3A_17, %mul3A_19 : vector<16xi32>
    %lt3A_21 = arith.constant 8 : i32
    %lt3A_22 = vector.broadcast %lt3A_21 : i32 to vector<16xi32>
    %lt3A_23 = arith.cmpi slt, %iota3A, %lt3A_22 : vector<16xi32>
    %ge3A = arith.constant 8 : i32
    %ge3A_24 = vector.broadcast %ge3A : i32 to vector<16xi32>
    %ge3A_25 = arith.cmpi sge, %iota3A, %ge3A_24 : vector<16xi32>
    %broadcast_in_dim3A = arith.constant 1.000000e+00 : f32
    %broadcast_in_dim3A_26 = vector.broadcast %broadcast_in_dim3A : f32 to vector<16xf32>
    %scan3A = arith.constant 0 : i32
    %scan3A_27 = arith.constant 0 : i32
    %scan3A_28 = arith.constant 625 : i32
    %scan3A_29 = arith.addi %scan3A_27, %scan3A_28 : i32
    %scan3A_30 = arith.constant 1 : i32
    scf.for %scan3A_40 = %scan3A_27 to %scan3A_29 step %scan3A_30  : i32 {
      %mul3A_41 = arith.constant 16 : i32
      %mul3A_42 = arith.muli %scan3A_40, %mul3A_41 : i32
      %get3A = arith.index_cast %mul3A_42 : i32 to index
      %get3A_43 = tpu.vector_load %arg5[%get3A] {strides = array<i32>} : memref<10000xi32, #tpu.memory_space<vmem>>, vector<16xi32>,
      %add3A_44 = arith.addi %get3A_43, %mul3A_20 : vector<16xi32>
      tpu.vector_store_idx %arg6[%add3A_44], %broadcast_in_dim3A_26 masked %lt3A_23 {add = true} : memref<80000xf32, #tpu.memory_space<vmem>>[vector<16xi32>], vector<16xf32>, vector<16xi1>
      tpu.vector_store_idx %arg6[%add3A_44], %broadcast_in_dim3A_26 masked %ge3A_25 {add = true} : memref<80000xf32, #tpu.memory_space<vmem>>[vector<16xi32>], vector<16xf32>, vector<16xi1>
    }
    %scan3A_31 = arith.constant 625 : i32
    %scan3A_32 = arith.constant 0 : i32
    %scan3A_33 = arith.constant 0 : i32
    %scan3A_34 = arith.constant 625 : i32
    %scan3A_35 = arith.addi %scan3A_33, %scan3A_34 : i32
    %scan3A_36 = arith.constant 1 : i32
    scf.for %scan3A_40 = %scan3A_33 to %scan3A_35 step %scan3A_36  : i32 {
      %mul3A_41 = arith.constant 16 : i32
      %mul3A_42 = arith.muli %scan3A_40, %mul3A_41 : i32
      %get3A = arith.index_cast %mul3A_42 : i32 to index
      %get3A_43 = tpu.vector_load %arg6[%get3A] {strides = array<i32>} : memref<80000xf32, #tpu.memory_space<vmem>>, vector<16xf32>,
      %mul3A_44 = arith.constant 16 : i32
      %mul3A_45 = arith.muli %scan3A_40, %mul3A_44 : i32
      %add3A_46 = arith.constant 10000 : i32
      %add3A_47 = arith.addi %add3A_46, %mul3A_45 : i32
      %get3A_48 = arith.index_cast %add3A_47 : i32 to index
      %get3A_49 = tpu.vector_load %arg6[%get3A_48] {strides = array<i32>} : memref<80000xf32, #tpu.memory_space<vmem>>, vector<16xf32>,
      %add3A_50 = arith.addf %get3A_43, %get3A_49 : vector<16xf32>
      %mul3A_51 = arith.constant 16 : i32
      %mul3A_52 = arith.muli %scan3A_40, %mul3A_51 : i32
      %add3A_53 = arith.constant 20000 : i32
      %add3A_54 = arith.addi %add3A_53, %mul3A_52 : i32
      %get3A_55 = arith.index_cast %add3A_54 : i32 to index
      %get3A_56 = tpu.vector_load %arg6[%get3A_55] {strides = array<i32>} : memref<80000xf32, #tpu.memory_space<vmem>>, vector<16xf32>,
      %add3A_57 = arith.addf %add3A_50, %get3A_56 : vector<16xf32>
      %mul3A_58 = arith.constant 16 : i32
      %mul3A_59 = arith.muli %scan3A_40, %mul3A_58 : i32
      %add3A_60 = arith.constant 30000 : i32
      %add3A_61 = arith.addi %add3A_60, %mul3A_59 : i32
      %get3A_62 = arith.index_cast %add3A_61 : i32 to index
      %get3A_63 = tpu.vector_load %arg6[%get3A_62] {strides = array<i32>} : memref<80000xf32, #tpu.memory_space<vmem>>, vector<16xf32>,
      %add3A_64 = arith.addf %add3A_57, %get3A_63 : vector<16xf32>
      %mul3A_65 = arith.constant 16 : i32
      %mul3A_66 = arith.muli %scan3A_40, %mul3A_65 : i32
      %add3A_67 = arith.constant 40000 : i32
      %add3A_68 = arith.addi %add3A_67, %mul3A_66 : i32
      %get3A_69 = arith.index_cast %add3A_68 : i32 to index
      %get3A_70 = tpu.vector_load %arg6[%get3A_69] {strides = array<i32>} : memref<80000xf32, #tpu.memory_space<vmem>>, vector<16xf32>,
      %add3A_71 = arith.addf %add3A_64, %get3A_70 : vector<16xf32>
      %mul3A_72 = arith.constant 16 : i32
      %mul3A_73 = arith.muli %scan3A_40, %mul3A_72 : i32
      %add3A_74 = arith.constant 50000 : i32
      %add3A_75 = arith.addi %add3A_74, %mul3A_73 : i32
      %get3A_76 = arith.index_cast %add3A_75 : i32 to index
      %get3A_77 = tpu.vector_load %arg6[%get3A_76] {strides = array<i32>} : memref<80000xf32, #tpu.memory_space<vmem>>, vector<16xf32>,
      %add3A_78 = arith.addf %add3A_71, %get3A_77 : vector<16xf32>
      %mul3A_79 = arith.constant 16 : i32
      %mul3A_80 = arith.muli %scan3A_40, %mul3A_79 : i32
      %add3A_81 = arith.constant 60000 : i32
      %add3A_82 = arith.addi %add3A_81, %mul3A_80 : i32
      %get3A_83 = arith.index_cast %add3A_82 : i32 to index
      %get3A_84 = tpu.vector_load %arg6[%get3A_83] {strides = array<i32>} : memref<80000xf32, #tpu.memory_space<vmem>>, vector<16xf32>,
      %add3A_85 = arith.addf %add3A_78, %get3A_84 : vector<16xf32>
      %mul3A_86 = arith.constant 16 : i32
      %mul3A_87 = arith.muli %scan3A_40, %mul3A_86 : i32
      %add3A_88 = arith.constant 70000 : i32
      %add3A_89 = arith.addi %add3A_88, %mul3A_87 : i32
      %get3A_90 = arith.index_cast %add3A_89 : i32 to index
      %get3A_91 = tpu.vector_load %arg6[%get3A_90] {strides = array<i32>} : memref<80000xf32, #tpu.memory_space<vmem>>, vector<16xf32>,
      %add3A_92 = arith.addf %add3A_85, %get3A_91 : vector<16xf32>
      %mul3A_93 = arith.constant 16 : i32
      %mul3A_94 = arith.muli %scan3A_40, %mul3A_93 : i32
      %swap3A = arith.index_cast %mul3A_94 : i32 to index
      %swap3A_95 = tpu.vector_load %arg7[%swap3A] {strides = array<i32>} : memref<10000xf32, #tpu.memory_space<vmem>>, vector<16xf32>,
      tpu.vector_store %arg7[%swap3A], %add3A_92 {strides = array<i32>} : memref<10000xf32, #tpu.memory_space<vmem>>, vector<16xf32>,
    }
    %scan3A_37 = arith.constant 625 : i32
    %mul3A_38 = arith.constant 10000 : i32
    %mul3A_39 = arith.muli %add3A, %mul3A_38 : i32
    "tpu.region"() ({
      %run_scoped3A = tpu.sem_alloc : memref<!tpu.dma_semaphore, #tpu.memory_space<semaphore_mem>>
      %dma_start3A = tpu.memref_slice %arg4[%mul3A_39] : memref<320000xf32, #tpu.memory_space<hbm>> -> memref<10000xf32, #tpu.memory_space<hbm>>
      %dma_start3A_40 = tpu.memref_slice %arg4[%mul3A_39] : memref<320000xf32, #tpu.memory_space<hbm>> -> memref<10000xf32, #tpu.memory_space<hbm>>
      tpu.enqueue_dma source(%arg7 : memref<10000xf32, #tpu.memory_space<vmem>>) target(%dma_start3A_40 : memref<10000xf32, #tpu.memory_space<hbm>>) target_semaphore(%run_scoped3A : memref<!tpu.dma_semaphore, #tpu.memory_space<semaphore_mem>>)
      %dma_wait3A = tpu.memref_slice %arg4[%mul3A_39] : memref<320000xf32, #tpu.memory_space<hbm>> -> memref<10000xf32, #tpu.memory_space<hbm>>
      %dma_wait3A_41 = tpu.memref_slice %arg4[%mul3A_39] : memref<320000xf32, #tpu.memory_space<hbm>> -> memref<10000xf32, #tpu.memory_space<hbm>>
      tpu.wait_dma2 semaphore(%run_scoped3A : memref<!tpu.dma_semaphore, #tpu.memory_space<semaphore_mem>>) src(%arg7 : memref<10000xf32, #tpu.memory_space<vmem>>) dst(%dma_wait3A_41 : memref<10000xf32, #tpu.memory_space<hbm>>)
      tpu.yield
    }) : () -> ()
    return
  }
}

#map = affine_map<(d0, d1) -> (0)>
#map1 = affine_map<(d0, d1) -> (0, 0)>
#map2 = affine_map<(d0, d1) -> (0, 0, 0)>
module attributes {stable_mosaic.version = 14 : i64} {
  func.func @agg_k(%arg0: i32, %arg1: i32, %arg2: memref<320000xi32, #tpu.memory_space<hbm>>, %arg3: memref<320000xi32, #tpu.memory_space<hbm>>, %arg4: memref<10000x128xf32, #tpu.memory_space<hbm>>, %arg5: memref<10000x128xf32, #tpu.memory_space<hbm>>, %arg6: memref<2x10000x128xf32, #tpu.memory_space<hbm>>, %arg7: memref<10000xi32, #tpu.memory_space<vmem>>, %arg8: memref<10000xi32, #tpu.memory_space<vmem>>, %arg9: memref<40x128xf32, #tpu.memory_space<vmem>>, %arg10: memref<40x128xf32, #tpu.memory_space<vmem>>, %arg11: memref<40x128xf32, #tpu.memory_space<vmem>>, %arg12: memref<40x128xf32, #tpu.memory_space<vmem>>, %arg13: memref<40x128xf32, #tpu.memory_space<vmem>>, %arg14: memref<40x128xf32, #tpu.memory_space<vmem>>, %arg15: memref<10000x128xf32, #tpu.memory_space<vmem_shared>>, %arg16: memref<!tpu.dma_semaphore, #tpu.memory_space<semaphore_mem>>, %arg17: memref<!tpu.dma_semaphore, #tpu.memory_space<semaphore_mem>>, %arg18: memref<!tpu.dma_semaphore, #tpu.memory_space<semaphore_mem>>, %arg19: memref<!tpu.dma_semaphore, #tpu.memory_space<semaphore_mem>>, %arg20: memref<!tpu.dma_semaphore, #tpu.memory_space<semaphore_mem>>, %arg21: memref<!tpu.dma_semaphore, #tpu.memory_space<semaphore_mem>>) attributes {dimension_semantics = [#tpu.dimension_semantics<core_parallel>, #tpu.dimension_semantics<subcore_parallel>], iteration_bounds = array<i64: 2, 16>, scalar_prefetch = 0 : i64, scratch_operands = 15 : i64, tpu.core_type = #tpu.core_type<sc_vector_subcore>, window_params = [{transform_indices = #map}, {transform_indices = #map}, {transform_indices = #map1}, {transform_indices = #map1}, {transform_indices = #map2}]} {
    %lt3A = arith.constant 15 : i32
    %lt3A_0 = arith.cmpi slt, %arg1, %lt3A : i32
    %convert_element_type3A = arith.extui %lt3A_0 : i1 to i32
    %cond3A = arith.constant 0 : i32
    %cond3A_1 = arith.cmpi ne, %convert_element_type3A, %cond3A : i32
    scf.if %cond3A_1 {
      %mul3A_113 = arith.constant 632 : i32
      %mul3A_114 = arith.muli %arg1, %mul3A_113 : i32
      "tpu.region"() ({
        %run_scoped3A = tpu.sem_alloc : memref<!tpu.dma_semaphore, #tpu.memory_space<semaphore_mem>>
        %dma_start3A_115 = arith.constant 0 : i32
        %dma_start3A_116 = tpu.memref_slice %arg15[%mul3A_114, %dma_start3A_115] : memref<10000x128xf32, #tpu.memory_space<vmem_shared>> -> memref<632x128xf32, #tpu.memory_space<vmem_shared>>
        %dma_start3A_117 = arith.constant 0 : i32
        %dma_start3A_118 = tpu.memref_slice %arg5[%mul3A_114, %dma_start3A_117] : memref<10000x128xf32, #tpu.memory_space<hbm>> -> memref<632x128xf32, #tpu.memory_space<hbm>>
        tpu.enqueue_dma source(%dma_start3A_118 : memref<632x128xf32, #tpu.memory_space<hbm>>) target(%dma_start3A_116 : memref<632x128xf32, #tpu.memory_space<vmem_shared>>) target_semaphore(%run_scoped3A : memref<!tpu.dma_semaphore, #tpu.memory_space<semaphore_mem>>)
        %dma_wait3A_119 = arith.constant 0 : i32
        %dma_wait3A_120 = tpu.memref_slice %arg15[%mul3A_114, %dma_wait3A_119] : memref<10000x128xf32, #tpu.memory_space<vmem_shared>> -> memref<632x128xf32, #tpu.memory_space<vmem_shared>>
        %dma_wait3A_121 = arith.constant 0 : i32
        %dma_wait3A_122 = tpu.memref_slice %arg5[%mul3A_114, %dma_wait3A_121] : memref<10000x128xf32, #tpu.memory_space<hbm>> -> memref<632x128xf32, #tpu.memory_space<hbm>>
        tpu.wait_dma2 semaphore(%run_scoped3A : memref<!tpu.dma_semaphore, #tpu.memory_space<semaphore_mem>>) src(%dma_wait3A_122 : memref<632x128xf32, #tpu.memory_space<hbm>>) dst(%dma_wait3A_120 : memref<632x128xf32, #tpu.memory_space<vmem_shared>>)
        tpu.yield
      }) : () -> ()
    } else {
    }
    %eq3A = arith.constant 15 : i32
    %eq3A_2 = arith.cmpi eq, %arg1, %eq3A : i32
    %convert_element_type3A_3 = arith.extui %eq3A_2 : i1 to i32
    %cond3A_4 = arith.constant 0 : i32
    %cond3A_5 = arith.cmpi ne, %convert_element_type3A_3, %cond3A_4 : i32
    scf.if %cond3A_5 {
      "tpu.region"() ({
        %run_scoped3A = tpu.sem_alloc : memref<!tpu.dma_semaphore, #tpu.memory_space<semaphore_mem>>
        %dma_start3A_113 = arith.constant 9480 : i32
        %dma_start3A_114 = arith.constant 0 : i32
        %dma_start3A_115 = tpu.memref_slice %arg15[%dma_start3A_113, %dma_start3A_114] : memref<10000x128xf32, #tpu.memory_space<vmem_shared>> -> memref<520x128xf32, #tpu.memory_space<vmem_shared>>
        %dma_start3A_116 = arith.constant 9480 : i32
        %dma_start3A_117 = arith.constant 0 : i32
        %dma_start3A_118 = tpu.memref_slice %arg5[%dma_start3A_116, %dma_start3A_117] : memref<10000x128xf32, #tpu.memory_space<hbm>> -> memref<520x128xf32, #tpu.memory_space<hbm>>
        tpu.enqueue_dma source(%dma_start3A_118 : memref<520x128xf32, #tpu.memory_space<hbm>>) target(%dma_start3A_115 : memref<520x128xf32, #tpu.memory_space<vmem_shared>>) target_semaphore(%run_scoped3A : memref<!tpu.dma_semaphore, #tpu.memory_space<semaphore_mem>>)
        %dma_wait3A_119 = arith.constant 9480 : i32
        %dma_wait3A_120 = arith.constant 0 : i32
        %dma_wait3A_121 = tpu.memref_slice %arg15[%dma_wait3A_119, %dma_wait3A_120] : memref<10000x128xf32, #tpu.memory_space<vmem_shared>> -> memref<520x128xf32, #tpu.memory_space<vmem_shared>>
        %dma_wait3A_122 = arith.constant 9480 : i32
        %dma_wait3A_123 = arith.constant 0 : i32
        %dma_wait3A_124 = tpu.memref_slice %arg5[%dma_wait3A_122, %dma_wait3A_123] : memref<10000x128xf32, #tpu.memory_space<hbm>> -> memref<520x128xf32, #tpu.memory_space<hbm>>
        tpu.wait_dma2 semaphore(%run_scoped3A : memref<!tpu.dma_semaphore, #tpu.memory_space<semaphore_mem>>) src(%dma_wait3A_124 : memref<520x128xf32, #tpu.memory_space<hbm>>) dst(%dma_wait3A_121 : memref<520x128xf32, #tpu.memory_space<vmem_shared>>)
        tpu.yield
      }) : () -> ()
    } else {
    }
    %mul3A = arith.constant 16 : i32
    %mul3A_6 = arith.muli %arg0, %mul3A : i32
    %add3A = arith.addi %mul3A_6, %arg1 : i32
    %mul3A_7 = arith.constant 10000 : i32
    %mul3A_8 = arith.muli %add3A, %mul3A_7 : i32
    "tpu.region"() ({
      %run_scoped3A = tpu.sem_alloc : memref<!tpu.dma_semaphore, #tpu.memory_space<semaphore_mem>>
      %dma_start3A_113 = tpu.memref_slice %arg2[%mul3A_8] : memref<320000xi32, #tpu.memory_space<hbm>> -> memref<10000xi32, #tpu.memory_space<hbm>>
      %dma_start3A_114 = tpu.memref_slice %arg2[%mul3A_8] : memref<320000xi32, #tpu.memory_space<hbm>> -> memref<10000xi32, #tpu.memory_space<hbm>>
      tpu.enqueue_dma source(%dma_start3A_114 : memref<10000xi32, #tpu.memory_space<hbm>>) target(%arg7 : memref<10000xi32, #tpu.memory_space<vmem>>) target_semaphore(%run_scoped3A : memref<!tpu.dma_semaphore, #tpu.memory_space<semaphore_mem>>)
      %dma_wait3A_115 = tpu.memref_slice %arg2[%mul3A_8] : memref<320000xi32, #tpu.memory_space<hbm>> -> memref<10000xi32, #tpu.memory_space<hbm>>
      %dma_wait3A_116 = tpu.memref_slice %arg2[%mul3A_8] : memref<320000xi32, #tpu.memory_space<hbm>> -> memref<10000xi32, #tpu.memory_space<hbm>>
      tpu.wait_dma2 semaphore(%run_scoped3A : memref<!tpu.dma_semaphore, #tpu.memory_space<semaphore_mem>>) src(%dma_wait3A_116 : memref<10000xi32, #tpu.memory_space<hbm>>) dst(%arg7 : memref<10000xi32, #tpu.memory_space<vmem>>)
      tpu.yield
    }) : () -> ()
    "tpu.region"() ({
      %run_scoped3A = tpu.sem_alloc : memref<!tpu.dma_semaphore, #tpu.memory_space<semaphore_mem>>
      %dma_start3A_113 = tpu.memref_slice %arg3[%mul3A_8] : memref<320000xi32, #tpu.memory_space<hbm>> -> memref<10000xi32, #tpu.memory_space<hbm>>
      %dma_start3A_114 = tpu.memref_slice %arg3[%mul3A_8] : memref<320000xi32, #tpu.memory_space<hbm>> -> memref<10000xi32, #tpu.memory_space<hbm>>
      tpu.enqueue_dma source(%dma_start3A_114 : memref<10000xi32, #tpu.memory_space<hbm>>) target(%arg8 : memref<10000xi32, #tpu.memory_space<vmem>>) target_semaphore(%run_scoped3A : memref<!tpu.dma_semaphore, #tpu.memory_space<semaphore_mem>>)
      %dma_wait3A_115 = tpu.memref_slice %arg3[%mul3A_8] : memref<320000xi32, #tpu.memory_space<hbm>> -> memref<10000xi32, #tpu.memory_space<hbm>>
      %dma_wait3A_116 = tpu.memref_slice %arg3[%mul3A_8] : memref<320000xi32, #tpu.memory_space<hbm>> -> memref<10000xi32, #tpu.memory_space<hbm>>
      tpu.wait_dma2 semaphore(%run_scoped3A : memref<!tpu.dma_semaphore, #tpu.memory_space<semaphore_mem>>) src(%dma_wait3A_116 : memref<10000xi32, #tpu.memory_space<hbm>>) dst(%arg8 : memref<10000xi32, #tpu.memory_space<vmem>>)
      tpu.yield
    }) : () -> ()
    %barrier3A = arith.constant 0 : index
    tpu.barrier barrier_id(%barrier3A)
    %dma_start3A = arith.constant 0 : i32
    %dma_start3A_9 = tpu.memref_slice %arg7[%dma_start3A] : memref<10000xi32, #tpu.memory_space<vmem>> -> memref<40xi32, #tpu.memory_space<vmem>>
    %dma_start3A_10 = arith.constant 0 : i32
    %dma_start3A_11 = arith.constant 0 : i32
    %dma_start3A_12 = tpu.memref_slice %arg4[%dma_start3A_10, %dma_start3A_11] : memref<10000x128xf32, #tpu.memory_space<hbm>> -> memref<10000x128xf32, #tpu.memory_space<hbm>>
    tpu.enqueue_indirect_dma source(%dma_start3A_12 : memref<10000x128xf32, #tpu.memory_space<hbm>>) target(%arg9 : memref<40x128xf32, #tpu.memory_space<vmem>>) offsets(%dma_start3A_9 : memref<40xi32, #tpu.memory_space<vmem>>) semaphore(%arg16 : memref<!tpu.dma_semaphore, #tpu.memory_space<semaphore_mem>>)
    %dma_start3A_13 = arith.constant 40 : i32
    %dma_start3A_14 = tpu.memref_slice %arg7[%dma_start3A_13] : memref<10000xi32, #tpu.memory_space<vmem>> -> memref<40xi32, #tpu.memory_space<vmem>>
    %dma_start3A_15 = arith.constant 0 : i32
    %dma_start3A_16 = arith.constant 0 : i32
    %dma_start3A_17 = tpu.memref_slice %arg4[%dma_start3A_15, %dma_start3A_16] : memref<10000x128xf32, #tpu.memory_space<hbm>> -> memref<10000x128xf32, #tpu.memory_space<hbm>>
    tpu.enqueue_indirect_dma source(%dma_start3A_17 : memref<10000x128xf32, #tpu.memory_space<hbm>>) target(%arg10 : memref<40x128xf32, #tpu.memory_space<vmem>>) offsets(%dma_start3A_14 : memref<40xi32, #tpu.memory_space<vmem>>) semaphore(%arg17 : memref<!tpu.dma_semaphore, #tpu.memory_space<semaphore_mem>>)
    %dma_start3A_18 = arith.constant 80 : i32
    %dma_start3A_19 = tpu.memref_slice %arg7[%dma_start3A_18] : memref<10000xi32, #tpu.memory_space<vmem>> -> memref<40xi32, #tpu.memory_space<vmem>>
    %dma_start3A_20 = arith.constant 0 : i32
    %dma_start3A_21 = arith.constant 0 : i32
    %dma_start3A_22 = tpu.memref_slice %arg4[%dma_start3A_20, %dma_start3A_21] : memref<10000x128xf32, #tpu.memory_space<hbm>> -> memref<10000x128xf32, #tpu.memory_space<hbm>>
    tpu.enqueue_indirect_dma source(%dma_start3A_22 : memref<10000x128xf32, #tpu.memory_space<hbm>>) target(%arg11 : memref<40x128xf32, #tpu.memory_space<vmem>>) offsets(%dma_start3A_19 : memref<40xi32, #tpu.memory_space<vmem>>) semaphore(%arg18 : memref<!tpu.dma_semaphore, #tpu.memory_space<semaphore_mem>>)
    %dma_start3A_23 = arith.constant 120 : i32
    %dma_start3A_24 = tpu.memref_slice %arg7[%dma_start3A_23] : memref<10000xi32, #tpu.memory_space<vmem>> -> memref<40xi32, #tpu.memory_space<vmem>>
    %dma_start3A_25 = arith.constant 0 : i32
    %dma_start3A_26 = arith.constant 0 : i32
    %dma_start3A_27 = tpu.memref_slice %arg4[%dma_start3A_25, %dma_start3A_26] : memref<10000x128xf32, #tpu.memory_space<hbm>> -> memref<10000x128xf32, #tpu.memory_space<hbm>>
    tpu.enqueue_indirect_dma source(%dma_start3A_27 : memref<10000x128xf32, #tpu.memory_space<hbm>>) target(%arg12 : memref<40x128xf32, #tpu.memory_space<vmem>>) offsets(%dma_start3A_24 : memref<40xi32, #tpu.memory_space<vmem>>) semaphore(%arg19 : memref<!tpu.dma_semaphore, #tpu.memory_space<semaphore_mem>>)
    %dma_start3A_28 = arith.constant 160 : i32
    %dma_start3A_29 = tpu.memref_slice %arg7[%dma_start3A_28] : memref<10000xi32, #tpu.memory_space<vmem>> -> memref<40xi32, #tpu.memory_space<vmem>>
    %dma_start3A_30 = arith.constant 0 : i32
    %dma_start3A_31 = arith.constant 0 : i32
    %dma_start3A_32 = tpu.memref_slice %arg4[%dma_start3A_30, %dma_start3A_31] : memref<10000x128xf32, #tpu.memory_space<hbm>> -> memref<10000x128xf32, #tpu.memory_space<hbm>>
    tpu.enqueue_indirect_dma source(%dma_start3A_32 : memref<10000x128xf32, #tpu.memory_space<hbm>>) target(%arg13 : memref<40x128xf32, #tpu.memory_space<vmem>>) offsets(%dma_start3A_29 : memref<40xi32, #tpu.memory_space<vmem>>) semaphore(%arg20 : memref<!tpu.dma_semaphore, #tpu.memory_space<semaphore_mem>>)
    %scan3A = arith.constant 0 : i32
    %scan3A_33 = arith.constant 0 : i32
    %scan3A_34 = arith.constant 41 : i32
    %scan3A_35 = arith.addi %scan3A_33, %scan3A_34 : i32
    %scan3A_36 = arith.constant 1 : i32
    scf.for %scan3A_113 = %scan3A_33 to %scan3A_35 step %scan3A_36  : i32 {
      %mul3A_114 = arith.constant 6 : i32
      %mul3A_115 = arith.muli %scan3A_113, %mul3A_114 : i32
      %add3A_116 = arith.constant 0 : i32
      %add3A_117 = arith.addi %mul3A_115, %add3A_116 : i32
      %mul3A_118 = arith.constant 40 : i32
      %mul3A_119 = arith.muli %add3A_117, %mul3A_118 : i32
      %dma_wait3A_120 = tpu.memref_slice %arg7[%mul3A_119] : memref<10000xi32, #tpu.memory_space<vmem>> -> memref<40xi32, #tpu.memory_space<vmem>>
      %dma_wait3A_121 = arith.constant 0 : i32
      %dma_wait3A_122 = arith.constant 0 : i32
      %dma_wait3A_123 = tpu.memref_slice %arg4[%dma_wait3A_121, %dma_wait3A_122] : memref<10000x128xf32, #tpu.memory_space<hbm>> -> memref<10000x128xf32, #tpu.memory_space<hbm>>
      tpu.wait_indirect_dma semaphore(%arg16 : memref<!tpu.dma_semaphore, #tpu.memory_space<semaphore_mem>>) src(%dma_wait3A_123 : memref<10000x128xf32, #tpu.memory_space<hbm>>) dst(%arg9 : memref<40x128xf32, #tpu.memory_space<vmem>>)
      %mul3A_124 = arith.constant 40 : i32
      %mul3A_125 = arith.muli %add3A_117, %mul3A_124 : i32
      %dma_start3A_126 = tpu.memref_slice %arg8[%mul3A_125] : memref<10000xi32, #tpu.memory_space<vmem>> -> memref<40xi32, #tpu.memory_space<vmem>>
      %dma_start3A_127 = arith.constant 0 : i32
      %dma_start3A_128 = arith.constant 0 : i32
      %dma_start3A_129 = tpu.memref_slice %arg15[%dma_start3A_127, %dma_start3A_128] : memref<10000x128xf32, #tpu.memory_space<vmem_shared>> -> memref<10000x128xf32, #tpu.memory_space<vmem_shared>>
      tpu.enqueue_indirect_dma source(%arg9 : memref<40x128xf32, #tpu.memory_space<vmem>>) target(%dma_start3A_129 : memref<10000x128xf32, #tpu.memory_space<vmem_shared>>) offsets(%dma_start3A_126 : memref<40xi32, #tpu.memory_space<vmem>>) semaphore(%arg16 : memref<!tpu.dma_semaphore, #tpu.memory_space<semaphore_mem>>) {add = true}
      %gt3A = arith.constant 0 : i32
      %gt3A_130 = arith.cmpi sgt, %scan3A_113, %gt3A : i32
      %convert_element_type3A_131 = arith.extui %gt3A_130 : i1 to i32
      %cond3A_132 = arith.constant 0 : i32
      %cond3A_133 = arith.cmpi ne, %convert_element_type3A_131, %cond3A_132 : i32
      scf.if %cond3A_133 {
        %sub3A_307 = arith.constant 1 : i32
        %sub3A_308 = arith.subi %add3A_117, %sub3A_307 : i32
        %mul3A_309 = arith.constant 40 : i32
        %mul3A_310 = arith.muli %sub3A_308, %mul3A_309 : i32
        %dma_wait3A_311 = tpu.memref_slice %arg8[%mul3A_310] : memref<10000xi32, #tpu.memory_space<vmem>> -> memref<40xi32, #tpu.memory_space<vmem>>
        %dma_wait3A_312 = arith.constant 0 : i32
        %dma_wait3A_313 = arith.constant 0 : i32
        %dma_wait3A_314 = tpu.memref_slice %arg15[%dma_wait3A_312, %dma_wait3A_313] : memref<10000x128xf32, #tpu.memory_space<vmem_shared>> -> memref<10000x128xf32, #tpu.memory_space<vmem_shared>>
        tpu.wait_indirect_dma semaphore(%arg21 : memref<!tpu.dma_semaphore, #tpu.memory_space<semaphore_mem>>) src(%arg14 : memref<40x128xf32, #tpu.memory_space<vmem>>) dst(%dma_wait3A_314 : memref<10000x128xf32, #tpu.memory_space<vmem_shared>>)
      } else {
      }
      %add3A_134 = arith.constant 6 : i32
      %add3A_135 = arith.addi %add3A_117, %add3A_134 : i32
      %sub3A = arith.constant 1 : i32
      %sub3A_136 = arith.subi %add3A_135, %sub3A : i32
      %lt3A_137 = arith.constant 250 : i32
      %lt3A_138 = arith.cmpi slt, %sub3A_136, %lt3A_137 : i32
      %convert_element_type3A_139 = arith.extui %lt3A_138 : i1 to i32
      %cond3A_140 = arith.constant 0 : i32
      %cond3A_141 = arith.cmpi ne, %convert_element_type3A_139, %cond3A_140 : i32
      scf.if %cond3A_141 {
        %add3A_307 = arith.constant 6 : i32
        %add3A_308 = arith.addi %add3A_117, %add3A_307 : i32
        %sub3A_309 = arith.constant 1 : i32
        %sub3A_310 = arith.subi %add3A_308, %sub3A_309 : i32
        %mul3A_311 = arith.constant 40 : i32
        %mul3A_312 = arith.muli %sub3A_310, %mul3A_311 : i32
        %dma_start3A_313 = tpu.memref_slice %arg7[%mul3A_312] : memref<10000xi32, #tpu.memory_space<vmem>> -> memref<40xi32, #tpu.memory_space<vmem>>
        %dma_start3A_314 = arith.constant 0 : i32
        %dma_start3A_315 = arith.constant 0 : i32
        %dma_start3A_316 = tpu.memref_slice %arg4[%dma_start3A_314, %dma_start3A_315] : memref<10000x128xf32, #tpu.memory_space<hbm>> -> memref<10000x128xf32, #tpu.memory_space<hbm>>
        tpu.enqueue_indirect_dma source(%dma_start3A_316 : memref<10000x128xf32, #tpu.memory_space<hbm>>) target(%arg14 : memref<40x128xf32, #tpu.memory_space<vmem>>) offsets(%dma_start3A_313 : memref<40xi32, #tpu.memory_space<vmem>>) semaphore(%arg21 : memref<!tpu.dma_semaphore, #tpu.memory_space<semaphore_mem>>)
      } else {
      }
      %mul3A_142 = arith.constant 6 : i32
      %mul3A_143 = arith.muli %scan3A_113, %mul3A_142 : i32
      %add3A_144 = arith.constant 1 : i32
      %add3A_145 = arith.addi %mul3A_143, %add3A_144 : i32
      %mul3A_146 = arith.constant 40 : i32
      %mul3A_147 = arith.muli %add3A_145, %mul3A_146 : i32
      %dma_wait3A_148 = tpu.memref_slice %arg7[%mul3A_147] : memref<10000xi32, #tpu.memory_space<vmem>> -> memref<40xi32, #tpu.memory_space<vmem>>
      %dma_wait3A_149 = arith.constant 0 : i32
      %dma_wait3A_150 = arith.constant 0 : i32
      %dma_wait3A_151 = tpu.memref_slice %arg4[%dma_wait3A_149, %dma_wait3A_150] : memref<10000x128xf32, #tpu.memory_space<hbm>> -> memref<10000x128xf32, #tpu.memory_space<hbm>>
      tpu.wait_indirect_dma semaphore(%arg17 : memref<!tpu.dma_semaphore, #tpu.memory_space<semaphore_mem>>) src(%dma_wait3A_151 : memref<10000x128xf32, #tpu.memory_space<hbm>>) dst(%arg10 : memref<40x128xf32, #tpu.memory_space<vmem>>)
      %mul3A_152 = arith.constant 40 : i32
      %mul3A_153 = arith.muli %add3A_145, %mul3A_152 : i32
      %dma_start3A_154 = tpu.memref_slice %arg8[%mul3A_153] : memref<10000xi32, #tpu.memory_space<vmem>> -> memref<40xi32, #tpu.memory_space<vmem>>
      %dma_start3A_155 = arith.constant 0 : i32
      %dma_start3A_156 = arith.constant 0 : i32
      %dma_start3A_157 = tpu.memref_slice %arg15[%dma_start3A_155, %dma_start3A_156] : memref<10000x128xf32, #tpu.memory_space<vmem_shared>> -> memref<10000x128xf32, #tpu.memory_space<vmem_shared>>
      tpu.enqueue_indirect_dma source(%arg10 : memref<40x128xf32, #tpu.memory_space<vmem>>) target(%dma_start3A_157 : memref<10000x128xf32, #tpu.memory_space<vmem_shared>>) offsets(%dma_start3A_154 : memref<40xi32, #tpu.memory_space<vmem>>) semaphore(%arg17 : memref<!tpu.dma_semaphore, #tpu.memory_space<semaphore_mem>>) {add = true}
      %sub3A_158 = arith.constant 1 : i32
      %sub3A_159 = arith.subi %add3A_145, %sub3A_158 : i32
      %mul3A_160 = arith.constant 40 : i32
      %mul3A_161 = arith.muli %sub3A_159, %mul3A_160 : i32
      %dma_wait3A_162 = tpu.memref_slice %arg8[%mul3A_161] : memref<10000xi32, #tpu.memory_space<vmem>> -> memref<40xi32, #tpu.memory_space<vmem>>
      %dma_wait3A_163 = arith.constant 0 : i32
      %dma_wait3A_164 = arith.constant 0 : i32
      %dma_wait3A_165 = tpu.memref_slice %arg15[%dma_wait3A_163, %dma_wait3A_164] : memref<10000x128xf32, #tpu.memory_space<vmem_shared>> -> memref<10000x128xf32, #tpu.memory_space<vmem_shared>>
      tpu.wait_indirect_dma semaphore(%arg16 : memref<!tpu.dma_semaphore, #tpu.memory_space<semaphore_mem>>) src(%arg9 : memref<40x128xf32, #tpu.memory_space<vmem>>) dst(%dma_wait3A_165 : memref<10000x128xf32, #tpu.memory_space<vmem_shared>>)
      %add3A_166 = arith.constant 6 : i32
      %add3A_167 = arith.addi %add3A_145, %add3A_166 : i32
      %sub3A_168 = arith.constant 1 : i32
      %sub3A_169 = arith.subi %add3A_167, %sub3A_168 : i32
      %lt3A_170 = arith.constant 250 : i32
      %lt3A_171 = arith.cmpi slt, %sub3A_169, %lt3A_170 : i32
      %convert_element_type3A_172 = arith.extui %lt3A_171 : i1 to i32
      %cond3A_173 = arith.constant 0 : i32
      %cond3A_174 = arith.cmpi ne, %convert_element_type3A_172, %cond3A_173 : i32
      scf.if %cond3A_174 {
        %add3A_307 = arith.constant 6 : i32
        %add3A_308 = arith.addi %add3A_145, %add3A_307 : i32
        %sub3A_309 = arith.constant 1 : i32
        %sub3A_310 = arith.subi %add3A_308, %sub3A_309 : i32
        %mul3A_311 = arith.constant 40 : i32
        %mul3A_312 = arith.muli %sub3A_310, %mul3A_311 : i32
        %dma_start3A_313 = tpu.memref_slice %arg7[%mul3A_312] : memref<10000xi32, #tpu.memory_space<vmem>> -> memref<40xi32, #tpu.memory_space<vmem>>
        %dma_start3A_314 = arith.constant 0 : i32
        %dma_start3A_315 = arith.constant 0 : i32
        %dma_start3A_316 = tpu.memref_slice %arg4[%dma_start3A_314, %dma_start3A_315] : memref<10000x128xf32, #tpu.memory_space<hbm>> -> memref<10000x128xf32, #tpu.memory_space<hbm>>
        tpu.enqueue_indirect_dma source(%dma_start3A_316 : memref<10000x128xf32, #tpu.memory_space<hbm>>) target(%arg9 : memref<40x128xf32, #tpu.memory_space<vmem>>) offsets(%dma_start3A_313 : memref<40xi32, #tpu.memory_space<vmem>>) semaphore(%arg16 : memref<!tpu.dma_semaphore, #tpu.memory_space<semaphore_mem>>)
      } else {
      }
      %mul3A_175 = arith.constant 6 : i32
      %mul3A_176 = arith.muli %scan3A_113, %mul3A_175 : i32
      %add3A_177 = arith.constant 2 : i32
      %add3A_178 = arith.addi %mul3A_176, %add3A_177 : i32
      %mul3A_179 = arith.constant 40 : i32
      %mul3A_180 = arith.muli %add3A_178, %mul3A_179 : i32
      %dma_wait3A_181 = tpu.memref_slice %arg7[%mul3A_180] : memref<10000xi32, #tpu.memory_space<vmem>> -> memref<40xi32, #tpu.memory_space<vmem>>
      %dma_wait3A_182 = arith.constant 0 : i32
      %dma_wait3A_183 = arith.constant 0 : i32
      %dma_wait3A_184 = tpu.memref_slice %arg4[%dma_wait3A_182, %dma_wait3A_183] : memref<10000x128xf32, #tpu.memory_space<hbm>> -> memref<10000x128xf32, #tpu.memory_space<hbm>>
      tpu.wait_indirect_dma semaphore(%arg18 : memref<!tpu.dma_semaphore, #tpu.memory_space<semaphore_mem>>) src(%dma_wait3A_184 : memref<10000x128xf32, #tpu.memory_space<hbm>>) dst(%arg11 : memref<40x128xf32, #tpu.memory_space<vmem>>)
      %mul3A_185 = arith.constant 40 : i32
      %mul3A_186 = arith.muli %add3A_178, %mul3A_185 : i32
      %dma_start3A_187 = tpu.memref_slice %arg8[%mul3A_186] : memref<10000xi32, #tpu.memory_space<vmem>> -> memref<40xi32, #tpu.memory_space<vmem>>
      %dma_start3A_188 = arith.constant 0 : i32
      %dma_start3A_189 = arith.constant 0 : i32
      %dma_start3A_190 = tpu.memref_slice %arg15[%dma_start3A_188, %dma_start3A_189] : memref<10000x128xf32, #tpu.memory_space<vmem_shared>> -> memref<10000x128xf32, #tpu.memory_space<vmem_shared>>
      tpu.enqueue_indirect_dma source(%arg11 : memref<40x128xf32, #tpu.memory_space<vmem>>) target(%dma_start3A_190 : memref<10000x128xf32, #tpu.memory_space<vmem_shared>>) offsets(%dma_start3A_187 : memref<40xi32, #tpu.memory_space<vmem>>) semaphore(%arg18 : memref<!tpu.dma_semaphore, #tpu.memory_space<semaphore_mem>>) {add = true}
      %sub3A_191 = arith.constant 1 : i32
      %sub3A_192 = arith.subi %add3A_178, %sub3A_191 : i32
      %mul3A_193 = arith.constant 40 : i32
      %mul3A_194 = arith.muli %sub3A_192, %mul3A_193 : i32
      %dma_wait3A_195 = tpu.memref_slice %arg8[%mul3A_194] : memref<10000xi32, #tpu.memory_space<vmem>> -> memref<40xi32, #tpu.memory_space<vmem>>
      %dma_wait3A_196 = arith.constant 0 : i32
      %dma_wait3A_197 = arith.constant 0 : i32
      %dma_wait3A_198 = tpu.memref_slice %arg15[%dma_wait3A_196, %dma_wait3A_197] : memref<10000x128xf32, #tpu.memory_space<vmem_shared>> -> memref<10000x128xf32, #tpu.memory_space<vmem_shared>>
      tpu.wait_indirect_dma semaphore(%arg17 : memref<!tpu.dma_semaphore, #tpu.memory_space<semaphore_mem>>) src(%arg10 : memref<40x128xf32, #tpu.memory_space<vmem>>) dst(%dma_wait3A_198 : memref<10000x128xf32, #tpu.memory_space<vmem_shared>>)
      %add3A_199 = arith.constant 6 : i32
      %add3A_200 = arith.addi %add3A_178, %add3A_199 : i32
      %sub3A_201 = arith.constant 1 : i32
      %sub3A_202 = arith.subi %add3A_200, %sub3A_201 : i32
      %lt3A_203 = arith.constant 250 : i32
      %lt3A_204 = arith.cmpi slt, %sub3A_202, %lt3A_203 : i32
      %convert_element_type3A_205 = arith.extui %lt3A_204 : i1 to i32
      %cond3A_206 = arith.constant 0 : i32
      %cond3A_207 = arith.cmpi ne, %convert_element_type3A_205, %cond3A_206 : i32
      scf.if %cond3A_207 {
        %add3A_307 = arith.constant 6 : i32
        %add3A_308 = arith.addi %add3A_178, %add3A_307 : i32
        %sub3A_309 = arith.constant 1 : i32
        %sub3A_310 = arith.subi %add3A_308, %sub3A_309 : i32
        %mul3A_311 = arith.constant 40 : i32
        %mul3A_312 = arith.muli %sub3A_310, %mul3A_311 : i32
        %dma_start3A_313 = tpu.memref_slice %arg7[%mul3A_312] : memref<10000xi32, #tpu.memory_space<vmem>> -> memref<40xi32, #tpu.memory_space<vmem>>
        %dma_start3A_314 = arith.constant 0 : i32
        %dma_start3A_315 = arith.constant 0 : i32
        %dma_start3A_316 = tpu.memref_slice %arg4[%dma_start3A_314, %dma_start3A_315] : memref<10000x128xf32, #tpu.memory_space<hbm>> -> memref<10000x128xf32, #tpu.memory_space<hbm>>
        tpu.enqueue_indirect_dma source(%dma_start3A_316 : memref<10000x128xf32, #tpu.memory_space<hbm>>) target(%arg10 : memref<40x128xf32, #tpu.memory_space<vmem>>) offsets(%dma_start3A_313 : memref<40xi32, #tpu.memory_space<vmem>>) semaphore(%arg17 : memref<!tpu.dma_semaphore, #tpu.memory_space<semaphore_mem>>)
      } else {
      }
      %mul3A_208 = arith.constant 6 : i32
      %mul3A_209 = arith.muli %scan3A_113, %mul3A_208 : i32
      %add3A_210 = arith.constant 3 : i32
      %add3A_211 = arith.addi %mul3A_209, %add3A_210 : i32
      %mul3A_212 = arith.constant 40 : i32
      %mul3A_213 = arith.muli %add3A_211, %mul3A_212 : i32
      %dma_wait3A_214 = tpu.memref_slice %arg7[%mul3A_213] : memref<10000xi32, #tpu.memory_space<vmem>> -> memref<40xi32, #tpu.memory_space<vmem>>
      %dma_wait3A_215 = arith.constant 0 : i32
      %dma_wait3A_216 = arith.constant 0 : i32
      %dma_wait3A_217 = tpu.memref_slice %arg4[%dma_wait3A_215, %dma_wait3A_216] : memref<10000x128xf32, #tpu.memory_space<hbm>> -> memref<10000x128xf32, #tpu.memory_space<hbm>>
      tpu.wait_indirect_dma semaphore(%arg19 : memref<!tpu.dma_semaphore, #tpu.memory_space<semaphore_mem>>) src(%dma_wait3A_217 : memref<10000x128xf32, #tpu.memory_space<hbm>>) dst(%arg12 : memref<40x128xf32, #tpu.memory_space<vmem>>)
      %mul3A_218 = arith.constant 40 : i32
      %mul3A_219 = arith.muli %add3A_211, %mul3A_218 : i32
      %dma_start3A_220 = tpu.memref_slice %arg8[%mul3A_219] : memref<10000xi32, #tpu.memory_space<vmem>> -> memref<40xi32, #tpu.memory_space<vmem>>
      %dma_start3A_221 = arith.constant 0 : i32
      %dma_start3A_222 = arith.constant 0 : i32
      %dma_start3A_223 = tpu.memref_slice %arg15[%dma_start3A_221, %dma_start3A_222] : memref<10000x128xf32, #tpu.memory_space<vmem_shared>> -> memref<10000x128xf32, #tpu.memory_space<vmem_shared>>
      tpu.enqueue_indirect_dma source(%arg12 : memref<40x128xf32, #tpu.memory_space<vmem>>) target(%dma_start3A_223 : memref<10000x128xf32, #tpu.memory_space<vmem_shared>>) offsets(%dma_start3A_220 : memref<40xi32, #tpu.memory_space<vmem>>) semaphore(%arg19 : memref<!tpu.dma_semaphore, #tpu.memory_space<semaphore_mem>>) {add = true}
      %sub3A_224 = arith.constant 1 : i32
      %sub3A_225 = arith.subi %add3A_211, %sub3A_224 : i32
      %mul3A_226 = arith.constant 40 : i32
      %mul3A_227 = arith.muli %sub3A_225, %mul3A_226 : i32
      %dma_wait3A_228 = tpu.memref_slice %arg8[%mul3A_227] : memref<10000xi32, #tpu.memory_space<vmem>> -> memref<40xi32, #tpu.memory_space<vmem>>
      %dma_wait3A_229 = arith.constant 0 : i32
      %dma_wait3A_230 = arith.constant 0 : i32
      %dma_wait3A_231 = tpu.memref_slice %arg15[%dma_wait3A_229, %dma_wait3A_230] : memref<10000x128xf32, #tpu.memory_space<vmem_shared>> -> memref<10000x128xf32, #tpu.memory_space<vmem_shared>>
      tpu.wait_indirect_dma semaphore(%arg18 : memref<!tpu.dma_semaphore, #tpu.memory_space<semaphore_mem>>) src(%arg11 : memref<40x128xf32, #tpu.memory_space<vmem>>) dst(%dma_wait3A_231 : memref<10000x128xf32, #tpu.memory_space<vmem_shared>>)
      %add3A_232 = arith.constant 6 : i32
      %add3A_233 = arith.addi %add3A_211, %add3A_232 : i32
      %sub3A_234 = arith.constant 1 : i32
      %sub3A_235 = arith.subi %add3A_233, %sub3A_234 : i32
      %lt3A_236 = arith.constant 250 : i32
      %lt3A_237 = arith.cmpi slt, %sub3A_235, %lt3A_236 : i32
      %convert_element_type3A_238 = arith.extui %lt3A_237 : i1 to i32
      %cond3A_239 = arith.constant 0 : i32
      %cond3A_240 = arith.cmpi ne, %convert_element_type3A_238, %cond3A_239 : i32
      scf.if %cond3A_240 {
        %add3A_307 = arith.constant 6 : i32
        %add3A_308 = arith.addi %add3A_211, %add3A_307 : i32
        %sub3A_309 = arith.constant 1 : i32
        %sub3A_310 = arith.subi %add3A_308, %sub3A_309 : i32
        %mul3A_311 = arith.constant 40 : i32
        %mul3A_312 = arith.muli %sub3A_310, %mul3A_311 : i32
        %dma_start3A_313 = tpu.memref_slice %arg7[%mul3A_312] : memref<10000xi32, #tpu.memory_space<vmem>> -> memref<40xi32, #tpu.memory_space<vmem>>
        %dma_start3A_314 = arith.constant 0 : i32
        %dma_start3A_315 = arith.constant 0 : i32
        %dma_start3A_316 = tpu.memref_slice %arg4[%dma_start3A_314, %dma_start3A_315] : memref<10000x128xf32, #tpu.memory_space<hbm>> -> memref<10000x128xf32, #tpu.memory_space<hbm>>
        tpu.enqueue_indirect_dma source(%dma_start3A_316 : memref<10000x128xf32, #tpu.memory_space<hbm>>) target(%arg11 : memref<40x128xf32, #tpu.memory_space<vmem>>) offsets(%dma_start3A_313 : memref<40xi32, #tpu.memory_space<vmem>>) semaphore(%arg18 : memref<!tpu.dma_semaphore, #tpu.memory_space<semaphore_mem>>)
      } else {
      }
      %mul3A_241 = arith.constant 6 : i32
      %mul3A_242 = arith.muli %scan3A_113, %mul3A_241 : i32
      %add3A_243 = arith.constant 4 : i32
      %add3A_244 = arith.addi %mul3A_242, %add3A_243 : i32
      %mul3A_245 = arith.constant 40 : i32
      %mul3A_246 = arith.muli %add3A_244, %mul3A_245 : i32
      %dma_wait3A_247 = tpu.memref_slice %arg7[%mul3A_246] : memref<10000xi32, #tpu.memory_space<vmem>> -> memref<40xi32, #tpu.memory_space<vmem>>
      %dma_wait3A_248 = arith.constant 0 : i32
      %dma_wait3A_249 = arith.constant 0 : i32
      %dma_wait3A_250 = tpu.memref_slice %arg4[%dma_wait3A_248, %dma_wait3A_249] : memref<10000x128xf32, #tpu.memory_space<hbm>> -> memref<10000x128xf32, #tpu.memory_space<hbm>>
      tpu.wait_indirect_dma semaphore(%arg20 : memref<!tpu.dma_semaphore, #tpu.memory_space<semaphore_mem>>) src(%dma_wait3A_250 : memref<10000x128xf32, #tpu.memory_space<hbm>>) dst(%arg13 : memref<40x128xf32, #tpu.memory_space<vmem>>)
      %mul3A_251 = arith.constant 40 : i32
      %mul3A_252 = arith.muli %add3A_244, %mul3A_251 : i32
      %dma_start3A_253 = tpu.memref_slice %arg8[%mul3A_252] : memref<10000xi32, #tpu.memory_space<vmem>> -> memref<40xi32, #tpu.memory_space<vmem>>
      %dma_start3A_254 = arith.constant 0 : i32
      %dma_start3A_255 = arith.constant 0 : i32
      %dma_start3A_256 = tpu.memref_slice %arg15[%dma_start3A_254, %dma_start3A_255] : memref<10000x128xf32, #tpu.memory_space<vmem_shared>> -> memref<10000x128xf32, #tpu.memory_space<vmem_shared>>
      tpu.enqueue_indirect_dma source(%arg13 : memref<40x128xf32, #tpu.memory_space<vmem>>) target(%dma_start3A_256 : memref<10000x128xf32, #tpu.memory_space<vmem_shared>>) offsets(%dma_start3A_253 : memref<40xi32, #tpu.memory_space<vmem>>) semaphore(%arg20 : memref<!tpu.dma_semaphore, #tpu.memory_space<semaphore_mem>>) {add = true}
      %sub3A_257 = arith.constant 1 : i32
      %sub3A_258 = arith.subi %add3A_244, %sub3A_257 : i32
      %mul3A_259 = arith.constant 40 : i32
      %mul3A_260 = arith.muli %sub3A_258, %mul3A_259 : i32
      %dma_wait3A_261 = tpu.memref_slice %arg8[%mul3A_260] : memref<10000xi32, #tpu.memory_space<vmem>> -> memref<40xi32, #tpu.memory_space<vmem>>
      %dma_wait3A_262 = arith.constant 0 : i32
      %dma_wait3A_263 = arith.constant 0 : i32
      %dma_wait3A_264 = tpu.memref_slice %arg15[%dma_wait3A_262, %dma_wait3A_263] : memref<10000x128xf32, #tpu.memory_space<vmem_shared>> -> memref<10000x128xf32, #tpu.memory_space<vmem_shared>>
      tpu.wait_indirect_dma semaphore(%arg19 : memref<!tpu.dma_semaphore, #tpu.memory_space<semaphore_mem>>) src(%arg12 : memref<40x128xf32, #tpu.memory_space<vmem>>) dst(%dma_wait3A_264 : memref<10000x128xf32, #tpu.memory_space<vmem_shared>>)
      %add3A_265 = arith.constant 6 : i32
      %add3A_266 = arith.addi %add3A_244, %add3A_265 : i32
      %sub3A_267 = arith.constant 1 : i32
      %sub3A_268 = arith.subi %add3A_266, %sub3A_267 : i32
      %lt3A_269 = arith.constant 250 : i32
      %lt3A_270 = arith.cmpi slt, %sub3A_268, %lt3A_269 : i32
      %convert_element_type3A_271 = arith.extui %lt3A_270 : i1 to i32
      %cond3A_272 = arith.constant 0 : i32
      %cond3A_273 = arith.cmpi ne, %convert_element_type3A_271, %cond3A_272 : i32
      scf.if %cond3A_273 {
        %add3A_307 = arith.constant 6 : i32
        %add3A_308 = arith.addi %add3A_244, %add3A_307 : i32
        %sub3A_309 = arith.constant 1 : i32
        %sub3A_310 = arith.subi %add3A_308, %sub3A_309 : i32
        %mul3A_311 = arith.constant 40 : i32
        %mul3A_312 = arith.muli %sub3A_310, %mul3A_311 : i32
        %dma_start3A_313 = tpu.memref_slice %arg7[%mul3A_312] : memref<10000xi32, #tpu.memory_space<vmem>> -> memref<40xi32, #tpu.memory_space<vmem>>
        %dma_start3A_314 = arith.constant 0 : i32
        %dma_start3A_315 = arith.constant 0 : i32
        %dma_start3A_316 = tpu.memref_slice %arg4[%dma_start3A_314, %dma_start3A_315] : memref<10000x128xf32, #tpu.memory_space<hbm>> -> memref<10000x128xf32, #tpu.memory_space<hbm>>
        tpu.enqueue_indirect_dma source(%dma_start3A_316 : memref<10000x128xf32, #tpu.memory_space<hbm>>) target(%arg12 : memref<40x128xf32, #tpu.memory_space<vmem>>) offsets(%dma_start3A_313 : memref<40xi32, #tpu.memory_space<vmem>>) semaphore(%arg19 : memref<!tpu.dma_semaphore, #tpu.memory_space<semaphore_mem>>)
      } else {
      }
      %mul3A_274 = arith.constant 6 : i32
      %mul3A_275 = arith.muli %scan3A_113, %mul3A_274 : i32
      %add3A_276 = arith.constant 5 : i32
      %add3A_277 = arith.addi %mul3A_275, %add3A_276 : i32
      %mul3A_278 = arith.constant 40 : i32
      %mul3A_279 = arith.muli %add3A_277, %mul3A_278 : i32
      %dma_wait3A_280 = tpu.memref_slice %arg7[%mul3A_279] : memref<10000xi32, #tpu.memory_space<vmem>> -> memref<40xi32, #tpu.memory_space<vmem>>
      %dma_wait3A_281 = arith.constant 0 : i32
      %dma_wait3A_282 = arith.constant 0 : i32
      %dma_wait3A_283 = tpu.memref_slice %arg4[%dma_wait3A_281, %dma_wait3A_282] : memref<10000x128xf32, #tpu.memory_space<hbm>> -> memref<10000x128xf32, #tpu.memory_space<hbm>>
      tpu.wait_indirect_dma semaphore(%arg21 : memref<!tpu.dma_semaphore, #tpu.memory_space<semaphore_mem>>) src(%dma_wait3A_283 : memref<10000x128xf32, #tpu.memory_space<hbm>>) dst(%arg14 : memref<40x128xf32, #tpu.memory_space<vmem>>)
      %mul3A_284 = arith.constant 40 : i32
      %mul3A_285 = arith.muli %add3A_277, %mul3A_284 : i32
      %dma_start3A_286 = tpu.memref_slice %arg8[%mul3A_285] : memref<10000xi32, #tpu.memory_space<vmem>> -> memref<40xi32, #tpu.memory_space<vmem>>
      %dma_start3A_287 = arith.constant 0 : i32
      %dma_start3A_288 = arith.constant 0 : i32
      %dma_start3A_289 = tpu.memref_slice %arg15[%dma_start3A_287, %dma_start3A_288] : memref<10000x128xf32, #tpu.memory_space<vmem_shared>> -> memref<10000x128xf32, #tpu.memory_space<vmem_shared>>
      tpu.enqueue_indirect_dma source(%arg14 : memref<40x128xf32, #tpu.memory_space<vmem>>) target(%dma_start3A_289 : memref<10000x128xf32, #tpu.memory_space<vmem_shared>>) offsets(%dma_start3A_286 : memref<40xi32, #tpu.memory_space<vmem>>) semaphore(%arg21 : memref<!tpu.dma_semaphore, #tpu.memory_space<semaphore_mem>>) {add = true}
      %sub3A_290 = arith.constant 1 : i32
      %sub3A_291 = arith.subi %add3A_277, %sub3A_290 : i32
      %mul3A_292 = arith.constant 40 : i32
      %mul3A_293 = arith.muli %sub3A_291, %mul3A_292 : i32
      %dma_wait3A_294 = tpu.memref_slice %arg8[%mul3A_293] : memref<10000xi32, #tpu.memory_space<vmem>> -> memref<40xi32, #tpu.memory_space<vmem>>
      %dma_wait3A_295 = arith.constant 0 : i32
      %dma_wait3A_296 = arith.constant 0 : i32
      %dma_wait3A_297 = tpu.memref_slice %arg15[%dma_wait3A_295, %dma_wait3A_296] : memref<10000x128xf32, #tpu.memory_space<vmem_shared>> -> memref<10000x128xf32, #tpu.memory_space<vmem_shared>>
      tpu.wait_indirect_dma semaphore(%arg20 : memref<!tpu.dma_semaphore, #tpu.memory_space<semaphore_mem>>) src(%arg13 : memref<40x128xf32, #tpu.memory_space<vmem>>) dst(%dma_wait3A_297 : memref<10000x128xf32, #tpu.memory_space<vmem_shared>>)
      %add3A_298 = arith.constant 6 : i32
      %add3A_299 = arith.addi %add3A_277, %add3A_298 : i32
      %sub3A_300 = arith.constant 1 : i32
      %sub3A_301 = arith.subi %add3A_299, %sub3A_300 : i32
      %lt3A_302 = arith.constant 250 : i32
      %lt3A_303 = arith.cmpi slt, %sub3A_301, %lt3A_302 : i32
      %convert_element_type3A_304 = arith.extui %lt3A_303 : i1 to i32
      %cond3A_305 = arith.constant 0 : i32
      %cond3A_306 = arith.cmpi ne, %convert_element_type3A_304, %cond3A_305 : i32
      scf.if %cond3A_306 {
        %add3A_307 = arith.constant 6 : i32
        %add3A_308 = arith.addi %add3A_277, %add3A_307 : i32
        %sub3A_309 = arith.constant 1 : i32
        %sub3A_310 = arith.subi %add3A_308, %sub3A_309 : i32
        %mul3A_311 = arith.constant 40 : i32
        %mul3A_312 = arith.muli %sub3A_310, %mul3A_311 : i32
        %dma_start3A_313 = tpu.memref_slice %arg7[%mul3A_312] : memref<10000xi32, #tpu.memory_space<vmem>> -> memref<40xi32, #tpu.memory_space<vmem>>
        %dma_start3A_314 = arith.constant 0 : i32
        %dma_start3A_315 = arith.constant 0 : i32
        %dma_start3A_316 = tpu.memref_slice %arg4[%dma_start3A_314, %dma_start3A_315] : memref<10000x128xf32, #tpu.memory_space<hbm>> -> memref<10000x128xf32, #tpu.memory_space<hbm>>
        tpu.enqueue_indirect_dma source(%dma_start3A_316 : memref<10000x128xf32, #tpu.memory_space<hbm>>) target(%arg13 : memref<40x128xf32, #tpu.memory_space<vmem>>) offsets(%dma_start3A_313 : memref<40xi32, #tpu.memory_space<vmem>>) semaphore(%arg20 : memref<!tpu.dma_semaphore, #tpu.memory_space<semaphore_mem>>)
      } else {
      }
    }
    %scan3A_37 = arith.constant 41 : i32
    %dma_wait3A = arith.constant 9840 : i32
    %dma_wait3A_38 = tpu.memref_slice %arg7[%dma_wait3A] : memref<10000xi32, #tpu.memory_space<vmem>> -> memref<40xi32, #tpu.memory_space<vmem>>
    %dma_wait3A_39 = arith.constant 0 : i32
    %dma_wait3A_40 = arith.constant 0 : i32
    %dma_wait3A_41 = tpu.memref_slice %arg4[%dma_wait3A_39, %dma_wait3A_40] : memref<10000x128xf32, #tpu.memory_space<hbm>> -> memref<10000x128xf32, #tpu.memory_space<hbm>>
    tpu.wait_indirect_dma semaphore(%arg16 : memref<!tpu.dma_semaphore, #tpu.memory_space<semaphore_mem>>) src(%dma_wait3A_41 : memref<10000x128xf32, #tpu.memory_space<hbm>>) dst(%arg9 : memref<40x128xf32, #tpu.memory_space<vmem>>)
    %dma_start3A_42 = arith.constant 9840 : i32
    %dma_start3A_43 = tpu.memref_slice %arg8[%dma_start3A_42] : memref<10000xi32, #tpu.memory_space<vmem>> -> memref<40xi32, #tpu.memory_space<vmem>>
    %dma_start3A_44 = arith.constant 0 : i32
    %dma_start3A_45 = arith.constant 0 : i32
    %dma_start3A_46 = tpu.memref_slice %arg15[%dma_start3A_44, %dma_start3A_45] : memref<10000x128xf32, #tpu.memory_space<vmem_shared>> -> memref<10000x128xf32, #tpu.memory_space<vmem_shared>>
    tpu.enqueue_indirect_dma source(%arg9 : memref<40x128xf32, #tpu.memory_space<vmem>>) target(%dma_start3A_46 : memref<10000x128xf32, #tpu.memory_space<vmem_shared>>) offsets(%dma_start3A_43 : memref<40xi32, #tpu.memory_space<vmem>>) semaphore(%arg16 : memref<!tpu.dma_semaphore, #tpu.memory_space<semaphore_mem>>) {add = true}
    %dma_wait3A_47 = arith.constant 9800 : i32
    %dma_wait3A_48 = tpu.memref_slice %arg8[%dma_wait3A_47] : memref<10000xi32, #tpu.memory_space<vmem>> -> memref<40xi32, #tpu.memory_space<vmem>>
    %dma_wait3A_49 = arith.constant 0 : i32
    %dma_wait3A_50 = arith.constant 0 : i32
    %dma_wait3A_51 = tpu.memref_slice %arg15[%dma_wait3A_49, %dma_wait3A_50] : memref<10000x128xf32, #tpu.memory_space<vmem_shared>> -> memref<10000x128xf32, #tpu.memory_space<vmem_shared>>
    tpu.wait_indirect_dma semaphore(%arg21 : memref<!tpu.dma_semaphore, #tpu.memory_space<semaphore_mem>>) src(%arg14 : memref<40x128xf32, #tpu.memory_space<vmem>>) dst(%dma_wait3A_51 : memref<10000x128xf32, #tpu.memory_space<vmem_shared>>)
    %dma_wait3A_52 = arith.constant 9880 : i32
    %dma_wait3A_53 = tpu.memref_slice %arg7[%dma_wait3A_52] : memref<10000xi32, #tpu.memory_space<vmem>> -> memref<40xi32, #tpu.memory_space<vmem>>
    %dma_wait3A_54 = arith.constant 0 : i32
    %dma_wait3A_55 = arith.constant 0 : i32
    %dma_wait3A_56 = tpu.memref_slice %arg4[%dma_wait3A_54, %dma_wait3A_55] : memref<10000x128xf32, #tpu.memory_space<hbm>> -> memref<10000x128xf32, #tpu.memory_space<hbm>>
    tpu.wait_indirect_dma semaphore(%arg17 : memref<!tpu.dma_semaphore, #tpu.memory_space<semaphore_mem>>) src(%dma_wait3A_56 : memref<10000x128xf32, #tpu.memory_space<hbm>>) dst(%arg10 : memref<40x128xf32, #tpu.memory_space<vmem>>)
    %dma_start3A_57 = arith.constant 9880 : i32
    %dma_start3A_58 = tpu.memref_slice %arg8[%dma_start3A_57] : memref<10000xi32, #tpu.memory_space<vmem>> -> memref<40xi32, #tpu.memory_space<vmem>>
    %dma_start3A_59 = arith.constant 0 : i32
    %dma_start3A_60 = arith.constant 0 : i32
    %dma_start3A_61 = tpu.memref_slice %arg15[%dma_start3A_59, %dma_start3A_60] : memref<10000x128xf32, #tpu.memory_space<vmem_shared>> -> memref<10000x128xf32, #tpu.memory_space<vmem_shared>>
    tpu.enqueue_indirect_dma source(%arg10 : memref<40x128xf32, #tpu.memory_space<vmem>>) target(%dma_start3A_61 : memref<10000x128xf32, #tpu.memory_space<vmem_shared>>) offsets(%dma_start3A_58 : memref<40xi32, #tpu.memory_space<vmem>>) semaphore(%arg17 : memref<!tpu.dma_semaphore, #tpu.memory_space<semaphore_mem>>) {add = true}
    %dma_wait3A_62 = arith.constant 9840 : i32
    %dma_wait3A_63 = tpu.memref_slice %arg8[%dma_wait3A_62] : memref<10000xi32, #tpu.memory_space<vmem>> -> memref<40xi32, #tpu.memory_space<vmem>>
    %dma_wait3A_64 = arith.constant 0 : i32
    %dma_wait3A_65 = arith.constant 0 : i32
    %dma_wait3A_66 = tpu.memref_slice %arg15[%dma_wait3A_64, %dma_wait3A_65] : memref<10000x128xf32, #tpu.memory_space<vmem_shared>> -> memref<10000x128xf32, #tpu.memory_space<vmem_shared>>
    tpu.wait_indirect_dma semaphore(%arg16 : memref<!tpu.dma_semaphore, #tpu.memory_space<semaphore_mem>>) src(%arg9 : memref<40x128xf32, #tpu.memory_space<vmem>>) dst(%dma_wait3A_66 : memref<10000x128xf32, #tpu.memory_space<vmem_shared>>)
    %dma_wait3A_67 = arith.constant 9920 : i32
    %dma_wait3A_68 = tpu.memref_slice %arg7[%dma_wait3A_67] : memref<10000xi32, #tpu.memory_space<vmem>> -> memref<40xi32, #tpu.memory_space<vmem>>
    %dma_wait3A_69 = arith.constant 0 : i32
    %dma_wait3A_70 = arith.constant 0 : i32
    %dma_wait3A_71 = tpu.memref_slice %arg4[%dma_wait3A_69, %dma_wait3A_70] : memref<10000x128xf32, #tpu.memory_space<hbm>> -> memref<10000x128xf32, #tpu.memory_space<hbm>>
    tpu.wait_indirect_dma semaphore(%arg18 : memref<!tpu.dma_semaphore, #tpu.memory_space<semaphore_mem>>) src(%dma_wait3A_71 : memref<10000x128xf32, #tpu.memory_space<hbm>>) dst(%arg11 : memref<40x128xf32, #tpu.memory_space<vmem>>)
    %dma_start3A_72 = arith.constant 9920 : i32
    %dma_start3A_73 = tpu.memref_slice %arg8[%dma_start3A_72] : memref<10000xi32, #tpu.memory_space<vmem>> -> memref<40xi32, #tpu.memory_space<vmem>>
    %dma_start3A_74 = arith.constant 0 : i32
    %dma_start3A_75 = arith.constant 0 : i32
    %dma_start3A_76 = tpu.memref_slice %arg15[%dma_start3A_74, %dma_start3A_75] : memref<10000x128xf32, #tpu.memory_space<vmem_shared>> -> memref<10000x128xf32, #tpu.memory_space<vmem_shared>>
    tpu.enqueue_indirect_dma source(%arg11 : memref<40x128xf32, #tpu.memory_space<vmem>>) target(%dma_start3A_76 : memref<10000x128xf32, #tpu.memory_space<vmem_shared>>) offsets(%dma_start3A_73 : memref<40xi32, #tpu.memory_space<vmem>>) semaphore(%arg18 : memref<!tpu.dma_semaphore, #tpu.memory_space<semaphore_mem>>) {add = true}
    %dma_wait3A_77 = arith.constant 9880 : i32
    %dma_wait3A_78 = tpu.memref_slice %arg8[%dma_wait3A_77] : memref<10000xi32, #tpu.memory_space<vmem>> -> memref<40xi32, #tpu.memory_space<vmem>>
    %dma_wait3A_79 = arith.constant 0 : i32
    %dma_wait3A_80 = arith.constant 0 : i32
    %dma_wait3A_81 = tpu.memref_slice %arg15[%dma_wait3A_79, %dma_wait3A_80] : memref<10000x128xf32, #tpu.memory_space<vmem_shared>> -> memref<10000x128xf32, #tpu.memory_space<vmem_shared>>
    tpu.wait_indirect_dma semaphore(%arg17 : memref<!tpu.dma_semaphore, #tpu.memory_space<semaphore_mem>>) src(%arg10 : memref<40x128xf32, #tpu.memory_space<vmem>>) dst(%dma_wait3A_81 : memref<10000x128xf32, #tpu.memory_space<vmem_shared>>)
    %dma_wait3A_82 = arith.constant 9960 : i32
    %dma_wait3A_83 = tpu.memref_slice %arg7[%dma_wait3A_82] : memref<10000xi32, #tpu.memory_space<vmem>> -> memref<40xi32, #tpu.memory_space<vmem>>
    %dma_wait3A_84 = arith.constant 0 : i32
    %dma_wait3A_85 = arith.constant 0 : i32
    %dma_wait3A_86 = tpu.memref_slice %arg4[%dma_wait3A_84, %dma_wait3A_85] : memref<10000x128xf32, #tpu.memory_space<hbm>> -> memref<10000x128xf32, #tpu.memory_space<hbm>>
    tpu.wait_indirect_dma semaphore(%arg19 : memref<!tpu.dma_semaphore, #tpu.memory_space<semaphore_mem>>) src(%dma_wait3A_86 : memref<10000x128xf32, #tpu.memory_space<hbm>>) dst(%arg12 : memref<40x128xf32, #tpu.memory_space<vmem>>)
    %dma_start3A_87 = arith.constant 9960 : i32
    %dma_start3A_88 = tpu.memref_slice %arg8[%dma_start3A_87] : memref<10000xi32, #tpu.memory_space<vmem>> -> memref<40xi32, #tpu.memory_space<vmem>>
    %dma_start3A_89 = arith.constant 0 : i32
    %dma_start3A_90 = arith.constant 0 : i32
    %dma_start3A_91 = tpu.memref_slice %arg15[%dma_start3A_89, %dma_start3A_90] : memref<10000x128xf32, #tpu.memory_space<vmem_shared>> -> memref<10000x128xf32, #tpu.memory_space<vmem_shared>>
    tpu.enqueue_indirect_dma source(%arg12 : memref<40x128xf32, #tpu.memory_space<vmem>>) target(%dma_start3A_91 : memref<10000x128xf32, #tpu.memory_space<vmem_shared>>) offsets(%dma_start3A_88 : memref<40xi32, #tpu.memory_space<vmem>>) semaphore(%arg19 : memref<!tpu.dma_semaphore, #tpu.memory_space<semaphore_mem>>) {add = true}
    %dma_wait3A_92 = arith.constant 9920 : i32
    %dma_wait3A_93 = tpu.memref_slice %arg8[%dma_wait3A_92] : memref<10000xi32, #tpu.memory_space<vmem>> -> memref<40xi32, #tpu.memory_space<vmem>>
    %dma_wait3A_94 = arith.constant 0 : i32
    %dma_wait3A_95 = arith.constant 0 : i32
    %dma_wait3A_96 = tpu.memref_slice %arg15[%dma_wait3A_94, %dma_wait3A_95] : memref<10000x128xf32, #tpu.memory_space<vmem_shared>> -> memref<10000x128xf32, #tpu.memory_space<vmem_shared>>
    tpu.wait_indirect_dma semaphore(%arg18 : memref<!tpu.dma_semaphore, #tpu.memory_space<semaphore_mem>>) src(%arg11 : memref<40x128xf32, #tpu.memory_space<vmem>>) dst(%dma_wait3A_96 : memref<10000x128xf32, #tpu.memory_space<vmem_shared>>)
    %dma_wait3A_97 = arith.constant 9960 : i32
    %dma_wait3A_98 = tpu.memref_slice %arg8[%dma_wait3A_97] : memref<10000xi32, #tpu.memory_space<vmem>> -> memref<40xi32, #tpu.memory_space<vmem>>
    %dma_wait3A_99 = arith.constant 0 : i32
    %dma_wait3A_100 = arith.constant 0 : i32
    %dma_wait3A_101 = tpu.memref_slice %arg15[%dma_wait3A_99, %dma_wait3A_100] : memref<10000x128xf32, #tpu.memory_space<vmem_shared>> -> memref<10000x128xf32, #tpu.memory_space<vmem_shared>>
    tpu.wait_indirect_dma semaphore(%arg19 : memref<!tpu.dma_semaphore, #tpu.memory_space<semaphore_mem>>) src(%arg12 : memref<40x128xf32, #tpu.memory_space<vmem>>) dst(%dma_wait3A_101 : memref<10000x128xf32, #tpu.memory_space<vmem_shared>>)
    %barrier3A_102 = arith.constant 0 : index
    tpu.barrier barrier_id(%barrier3A_102)
    %lt3A_103 = arith.constant 15 : i32
    %lt3A_104 = arith.cmpi slt, %arg1, %lt3A_103 : i32
    %convert_element_type3A_105 = arith.extui %lt3A_104 : i1 to i32
    %cond3A_106 = arith.constant 0 : i32
    %cond3A_107 = arith.cmpi ne, %convert_element_type3A_105, %cond3A_106 : i32
    scf.if %cond3A_107 {
      %mul3A_113 = arith.constant 632 : i32
      %mul3A_114 = arith.muli %arg1, %mul3A_113 : i32
      "tpu.region"() ({
        %run_scoped3A = tpu.sem_alloc : memref<!tpu.dma_semaphore, #tpu.memory_space<semaphore_mem>>
        %dma_start3A_115 = arith.constant 0 : i32
        %dma_start3A_116 = tpu.memref_slice %arg6[%arg0, %mul3A_114, %dma_start3A_115] : memref<2x10000x128xf32, #tpu.memory_space<hbm>> -> memref<1x632x128xf32, #tpu.memory_space<hbm>>
        %dma_start3A_117 = tpu.memref_squeeze %dma_start3A_116 : memref<1x632x128xf32, #tpu.memory_space<hbm>> -> memref<632x128xf32, #tpu.memory_space<hbm>>
        %dma_start3A_118 = arith.constant 0 : i32
        %dma_start3A_119 = tpu.memref_slice %arg15[%mul3A_114, %dma_start3A_118] : memref<10000x128xf32, #tpu.memory_space<vmem_shared>> -> memref<632x128xf32, #tpu.memory_space<vmem_shared>>
        tpu.enqueue_dma source(%dma_start3A_119 : memref<632x128xf32, #tpu.memory_space<vmem_shared>>) target(%dma_start3A_117 : memref<632x128xf32, #tpu.memory_space<hbm>>) target_semaphore(%run_scoped3A : memref<!tpu.dma_semaphore, #tpu.memory_space<semaphore_mem>>)
        %dma_wait3A_120 = arith.constant 0 : i32
        %dma_wait3A_121 = tpu.memref_slice %arg6[%arg0, %mul3A_114, %dma_wait3A_120] : memref<2x10000x128xf32, #tpu.memory_space<hbm>> -> memref<1x632x128xf32, #tpu.memory_space<hbm>>
        %dma_wait3A_122 = tpu.memref_squeeze %dma_wait3A_121 : memref<1x632x128xf32, #tpu.memory_space<hbm>> -> memref<632x128xf32, #tpu.memory_space<hbm>>
        %dma_wait3A_123 = arith.constant 0 : i32
        %dma_wait3A_124 = tpu.memref_slice %arg15[%mul3A_114, %dma_wait3A_123] : memref<10000x128xf32, #tpu.memory_space<vmem_shared>> -> memref<632x128xf32, #tpu.memory_space<vmem_shared>>
        tpu.wait_dma2 semaphore(%run_scoped3A : memref<!tpu.dma_semaphore, #tpu.memory_space<semaphore_mem>>) src(%dma_wait3A_124 : memref<632x128xf32, #tpu.memory_space<vmem_shared>>) dst(%dma_wait3A_122 : memref<632x128xf32, #tpu.memory_space<hbm>>)
        tpu.yield
      }) : () -> ()
    } else {
    }
    %eq3A_108 = arith.constant 15 : i32
    %eq3A_109 = arith.cmpi eq, %arg1, %eq3A_108 : i32
    %convert_element_type3A_110 = arith.extui %eq3A_109 : i1 to i32
    %cond3A_111 = arith.constant 0 : i32
    %cond3A_112 = arith.cmpi ne, %convert_element_type3A_110, %cond3A_111 : i32
    scf.if %cond3A_112 {
      "tpu.region"() ({
        %run_scoped3A = tpu.sem_alloc : memref<!tpu.dma_semaphore, #tpu.memory_space<semaphore_mem>>
        %dma_start3A_113 = arith.constant 9480 : i32
        %dma_start3A_114 = arith.constant 0 : i32
        %dma_start3A_115 = tpu.memref_slice %arg6[%arg0, %dma_start3A_113, %dma_start3A_114] : memref<2x10000x128xf32, #tpu.memory_space<hbm>> -> memref<1x520x128xf32, #tpu.memory_space<hbm>>
        %dma_start3A_116 = tpu.memref_squeeze %dma_start3A_115 : memref<1x520x128xf32, #tpu.memory_space<hbm>> -> memref<520x128xf32, #tpu.memory_space<hbm>>
        %dma_start3A_117 = arith.constant 9480 : i32
        %dma_start3A_118 = arith.constant 0 : i32
        %dma_start3A_119 = tpu.memref_slice %arg15[%dma_start3A_117, %dma_start3A_118] : memref<10000x128xf32, #tpu.memory_space<vmem_shared>> -> memref<520x128xf32, #tpu.memory_space<vmem_shared>>
        tpu.enqueue_dma source(%dma_start3A_119 : memref<520x128xf32, #tpu.memory_space<vmem_shared>>) target(%dma_start3A_116 : memref<520x128xf32, #tpu.memory_space<hbm>>) target_semaphore(%run_scoped3A : memref<!tpu.dma_semaphore, #tpu.memory_space<semaphore_mem>>)
        %dma_wait3A_120 = arith.constant 9480 : i32
        %dma_wait3A_121 = arith.constant 0 : i32
        %dma_wait3A_122 = tpu.memref_slice %arg6[%arg0, %dma_wait3A_120, %dma_wait3A_121] : memref<2x10000x128xf32, #tpu.memory_space<hbm>> -> memref<1x520x128xf32, #tpu.memory_space<hbm>>
        %dma_wait3A_123 = tpu.memref_squeeze %dma_wait3A_122 : memref<1x520x128xf32, #tpu.memory_space<hbm>> -> memref<520x128xf32, #tpu.memory_space<hbm>>
        %dma_wait3A_124 = arith.constant 9480 : i32
        %dma_wait3A_125 = arith.constant 0 : i32
        %dma_wait3A_126 = tpu.memref_slice %arg15[%dma_wait3A_124, %dma_wait3A_125] : memref<10000x128xf32, #tpu.memory_space<vmem_shared>> -> memref<520x128xf32, #tpu.memory_space<vmem_shared>>
        tpu.wait_dma2 semaphore(%run_scoped3A : memref<!tpu.dma_semaphore, #tpu.memory_space<semaphore_mem>>) src(%dma_wait3A_126 : memref<520x128xf32, #tpu.memory_space<vmem_shared>>) dst(%dma_wait3A_123 : memref<520x128xf32, #tpu.memory_space<hbm>>)
        tpu.yield
      }) : () -> ()
    } else {
    }
    return
  }
}

#map = affine_map<(d0, d1) -> (0)>
#map1 = affine_map<(d0, d1) -> (0, 0)>
#map2 = affine_map<(d0, d1) -> (0, 0, 0)>
module attributes {stable_mosaic.version = 14 : i64} {
  func.func @agg_k(%arg0: i32, %arg1: i32, %arg2: memref<320000xi32, #tpu.memory_space<hbm>>, %arg3: memref<320000xi32, #tpu.memory_space<hbm>>, %arg4: memref<10000x128xf32, #tpu.memory_space<hbm>>, %arg5: memref<10000x128xf32, #tpu.memory_space<hbm>>, %arg6: memref<2x10000x128xf32, #tpu.memory_space<hbm>>, %arg7: memref<10000xi32, #tpu.memory_space<vmem>>, %arg8: memref<10000xi32, #tpu.memory_space<vmem>>, %arg9: memref<40x128xf32, #tpu.memory_space<vmem>>, %arg10: memref<40x128xf32, #tpu.memory_space<vmem>>, %arg11: memref<40x128xf32, #tpu.memory_space<vmem>>, %arg12: memref<40x128xf32, #tpu.memory_space<vmem>>, %arg13: memref<40x128xf32, #tpu.memory_space<vmem>>, %arg14: memref<40x128xf32, #tpu.memory_space<vmem>>, %arg15: memref<10000x128xf32, #tpu.memory_space<vmem_shared>>, %arg16: memref<!tpu.dma_semaphore, #tpu.memory_space<semaphore_mem>>, %arg17: memref<!tpu.dma_semaphore, #tpu.memory_space<semaphore_mem>>, %arg18: memref<!tpu.dma_semaphore, #tpu.memory_space<semaphore_mem>>, %arg19: memref<!tpu.dma_semaphore, #tpu.memory_space<semaphore_mem>>, %arg20: memref<!tpu.dma_semaphore, #tpu.memory_space<semaphore_mem>>, %arg21: memref<!tpu.dma_semaphore, #tpu.memory_space<semaphore_mem>>) attributes {dimension_semantics = [#tpu.dimension_semantics<core_parallel>, #tpu.dimension_semantics<subcore_parallel>], iteration_bounds = array<i64: 2, 16>, scalar_prefetch = 0 : i64, scratch_operands = 15 : i64, tpu.core_type = #tpu.core_type<sc_vector_subcore>, window_params = [{transform_indices = #map}, {transform_indices = #map}, {transform_indices = #map1}, {transform_indices = #map1}, {transform_indices = #map2}]} {
    %lt3A = arith.constant 15 : i32
    %lt3A_0 = arith.cmpi slt, %arg1, %lt3A : i32
    %convert_element_type3A = arith.extui %lt3A_0 : i1 to i32
    %cond3A = arith.constant 0 : i32
    %cond3A_1 = arith.cmpi ne, %convert_element_type3A, %cond3A : i32
    scf.if %cond3A_1 {
      %mul3A_113 = arith.constant 632 : i32
      %mul3A_114 = arith.muli %arg1, %mul3A_113 : i32
      "tpu.region"() ({
        %run_scoped3A = tpu.sem_alloc : memref<!tpu.dma_semaphore, #tpu.memory_space<semaphore_mem>>
        %dma_start3A_115 = arith.constant 0 : i32
        %dma_start3A_116 = tpu.memref_slice %arg15[%mul3A_114, %dma_start3A_115] : memref<10000x128xf32, #tpu.memory_space<vmem_shared>> -> memref<632x128xf32, #tpu.memory_space<vmem_shared>>
        %dma_start3A_117 = arith.constant 0 : i32
        %dma_start3A_118 = tpu.memref_slice %arg5[%mul3A_114, %dma_start3A_117] : memref<10000x128xf32, #tpu.memory_space<hbm>> -> memref<632x128xf32, #tpu.memory_space<hbm>>
        tpu.enqueue_dma source(%dma_start3A_118 : memref<632x128xf32, #tpu.memory_space<hbm>>) target(%dma_start3A_116 : memref<632x128xf32, #tpu.memory_space<vmem_shared>>) target_semaphore(%run_scoped3A : memref<!tpu.dma_semaphore, #tpu.memory_space<semaphore_mem>>)
        %dma_wait3A_119 = arith.constant 0 : i32
        %dma_wait3A_120 = tpu.memref_slice %arg15[%mul3A_114, %dma_wait3A_119] : memref<10000x128xf32, #tpu.memory_space<vmem_shared>> -> memref<632x128xf32, #tpu.memory_space<vmem_shared>>
        %dma_wait3A_121 = arith.constant 0 : i32
        %dma_wait3A_122 = tpu.memref_slice %arg5[%mul3A_114, %dma_wait3A_121] : memref<10000x128xf32, #tpu.memory_space<hbm>> -> memref<632x128xf32, #tpu.memory_space<hbm>>
        tpu.wait_dma2 semaphore(%run_scoped3A : memref<!tpu.dma_semaphore, #tpu.memory_space<semaphore_mem>>) src(%dma_wait3A_122 : memref<632x128xf32, #tpu.memory_space<hbm>>) dst(%dma_wait3A_120 : memref<632x128xf32, #tpu.memory_space<vmem_shared>>)
        tpu.yield
      }) : () -> ()
    } else {
    }
    %eq3A = arith.constant 15 : i32
    %eq3A_2 = arith.cmpi eq, %arg1, %eq3A : i32
    %convert_element_type3A_3 = arith.extui %eq3A_2 : i1 to i32
    %cond3A_4 = arith.constant 0 : i32
    %cond3A_5 = arith.cmpi ne, %convert_element_type3A_3, %cond3A_4 : i32
    scf.if %cond3A_5 {
      "tpu.region"() ({
        %run_scoped3A = tpu.sem_alloc : memref<!tpu.dma_semaphore, #tpu.memory_space<semaphore_mem>>
        %dma_start3A_113 = arith.constant 9480 : i32
        %dma_start3A_114 = arith.constant 0 : i32
        %dma_start3A_115 = tpu.memref_slice %arg15[%dma_start3A_113, %dma_start3A_114] : memref<10000x128xf32, #tpu.memory_space<vmem_shared>> -> memref<520x128xf32, #tpu.memory_space<vmem_shared>>
        %dma_start3A_116 = arith.constant 9480 : i32
        %dma_start3A_117 = arith.constant 0 : i32
        %dma_start3A_118 = tpu.memref_slice %arg5[%dma_start3A_116, %dma_start3A_117] : memref<10000x128xf32, #tpu.memory_space<hbm>> -> memref<520x128xf32, #tpu.memory_space<hbm>>
        tpu.enqueue_dma source(%dma_start3A_118 : memref<520x128xf32, #tpu.memory_space<hbm>>) target(%dma_start3A_115 : memref<520x128xf32, #tpu.memory_space<vmem_shared>>) target_semaphore(%run_scoped3A : memref<!tpu.dma_semaphore, #tpu.memory_space<semaphore_mem>>)
        %dma_wait3A_119 = arith.constant 9480 : i32
        %dma_wait3A_120 = arith.constant 0 : i32
        %dma_wait3A_121 = tpu.memref_slice %arg15[%dma_wait3A_119, %dma_wait3A_120] : memref<10000x128xf32, #tpu.memory_space<vmem_shared>> -> memref<520x128xf32, #tpu.memory_space<vmem_shared>>
        %dma_wait3A_122 = arith.constant 9480 : i32
        %dma_wait3A_123 = arith.constant 0 : i32
        %dma_wait3A_124 = tpu.memref_slice %arg5[%dma_wait3A_122, %dma_wait3A_123] : memref<10000x128xf32, #tpu.memory_space<hbm>> -> memref<520x128xf32, #tpu.memory_space<hbm>>
        tpu.wait_dma2 semaphore(%run_scoped3A : memref<!tpu.dma_semaphore, #tpu.memory_space<semaphore_mem>>) src(%dma_wait3A_124 : memref<520x128xf32, #tpu.memory_space<hbm>>) dst(%dma_wait3A_121 : memref<520x128xf32, #tpu.memory_space<vmem_shared>>)
        tpu.yield
      }) : () -> ()
    } else {
    }
    %mul3A = arith.constant 16 : i32
    %mul3A_6 = arith.muli %arg0, %mul3A : i32
    %add3A = arith.addi %mul3A_6, %arg1 : i32
    %mul3A_7 = arith.constant 10000 : i32
    %mul3A_8 = arith.muli %add3A, %mul3A_7 : i32
    "tpu.region"() ({
      %run_scoped3A = tpu.sem_alloc : memref<!tpu.dma_semaphore, #tpu.memory_space<semaphore_mem>>
      %dma_start3A_113 = tpu.memref_slice %arg2[%mul3A_8] : memref<320000xi32, #tpu.memory_space<hbm>> -> memref<10000xi32, #tpu.memory_space<hbm>>
      %dma_start3A_114 = tpu.memref_slice %arg2[%mul3A_8] : memref<320000xi32, #tpu.memory_space<hbm>> -> memref<10000xi32, #tpu.memory_space<hbm>>
      tpu.enqueue_dma source(%dma_start3A_114 : memref<10000xi32, #tpu.memory_space<hbm>>) target(%arg7 : memref<10000xi32, #tpu.memory_space<vmem>>) target_semaphore(%run_scoped3A : memref<!tpu.dma_semaphore, #tpu.memory_space<semaphore_mem>>)
      %dma_wait3A_115 = tpu.memref_slice %arg2[%mul3A_8] : memref<320000xi32, #tpu.memory_space<hbm>> -> memref<10000xi32, #tpu.memory_space<hbm>>
      %dma_wait3A_116 = tpu.memref_slice %arg2[%mul3A_8] : memref<320000xi32, #tpu.memory_space<hbm>> -> memref<10000xi32, #tpu.memory_space<hbm>>
      tpu.wait_dma2 semaphore(%run_scoped3A : memref<!tpu.dma_semaphore, #tpu.memory_space<semaphore_mem>>) src(%dma_wait3A_116 : memref<10000xi32, #tpu.memory_space<hbm>>) dst(%arg7 : memref<10000xi32, #tpu.memory_space<vmem>>)
      tpu.yield
    }) : () -> ()
    "tpu.region"() ({
      %run_scoped3A = tpu.sem_alloc : memref<!tpu.dma_semaphore, #tpu.memory_space<semaphore_mem>>
      %dma_start3A_113 = tpu.memref_slice %arg3[%mul3A_8] : memref<320000xi32, #tpu.memory_space<hbm>> -> memref<10000xi32, #tpu.memory_space<hbm>>
      %dma_start3A_114 = tpu.memref_slice %arg3[%mul3A_8] : memref<320000xi32, #tpu.memory_space<hbm>> -> memref<10000xi32, #tpu.memory_space<hbm>>
      tpu.enqueue_dma source(%dma_start3A_114 : memref<10000xi32, #tpu.memory_space<hbm>>) target(%arg8 : memref<10000xi32, #tpu.memory_space<vmem>>) target_semaphore(%run_scoped3A : memref<!tpu.dma_semaphore, #tpu.memory_space<semaphore_mem>>)
      %dma_wait3A_115 = tpu.memref_slice %arg3[%mul3A_8] : memref<320000xi32, #tpu.memory_space<hbm>> -> memref<10000xi32, #tpu.memory_space<hbm>>
      %dma_wait3A_116 = tpu.memref_slice %arg3[%mul3A_8] : memref<320000xi32, #tpu.memory_space<hbm>> -> memref<10000xi32, #tpu.memory_space<hbm>>
      tpu.wait_dma2 semaphore(%run_scoped3A : memref<!tpu.dma_semaphore, #tpu.memory_space<semaphore_mem>>) src(%dma_wait3A_116 : memref<10000xi32, #tpu.memory_space<hbm>>) dst(%arg8 : memref<10000xi32, #tpu.memory_space<vmem>>)
      tpu.yield
    }) : () -> ()
    %barrier3A = arith.constant 0 : index
    tpu.barrier barrier_id(%barrier3A)
    %dma_start3A = arith.constant 0 : i32
    %dma_start3A_9 = tpu.memref_slice %arg7[%dma_start3A] : memref<10000xi32, #tpu.memory_space<vmem>> -> memref<40xi32, #tpu.memory_space<vmem>>
    %dma_start3A_10 = arith.constant 0 : i32
    %dma_start3A_11 = arith.constant 0 : i32
    %dma_start3A_12 = tpu.memref_slice %arg4[%dma_start3A_10, %dma_start3A_11] : memref<10000x128xf32, #tpu.memory_space<hbm>> -> memref<10000x128xf32, #tpu.memory_space<hbm>>
    tpu.enqueue_indirect_dma source(%dma_start3A_12 : memref<10000x128xf32, #tpu.memory_space<hbm>>) target(%arg9 : memref<40x128xf32, #tpu.memory_space<vmem>>) offsets(%dma_start3A_9 : memref<40xi32, #tpu.memory_space<vmem>>) semaphore(%arg16 : memref<!tpu.dma_semaphore, #tpu.memory_space<semaphore_mem>>)
    %dma_start3A_13 = arith.constant 40 : i32
    %dma_start3A_14 = tpu.memref_slice %arg7[%dma_start3A_13] : memref<10000xi32, #tpu.memory_space<vmem>> -> memref<40xi32, #tpu.memory_space<vmem>>
    %dma_start3A_15 = arith.constant 0 : i32
    %dma_start3A_16 = arith.constant 0 : i32
    %dma_start3A_17 = tpu.memref_slice %arg4[%dma_start3A_15, %dma_start3A_16] : memref<10000x128xf32, #tpu.memory_space<hbm>> -> memref<10000x128xf32, #tpu.memory_space<hbm>>
    tpu.enqueue_indirect_dma source(%dma_start3A_17 : memref<10000x128xf32, #tpu.memory_space<hbm>>) target(%arg10 : memref<40x128xf32, #tpu.memory_space<vmem>>) offsets(%dma_start3A_14 : memref<40xi32, #tpu.memory_space<vmem>>) semaphore(%arg17 : memref<!tpu.dma_semaphore, #tpu.memory_space<semaphore_mem>>)
    %dma_start3A_18 = arith.constant 80 : i32
    %dma_start3A_19 = tpu.memref_slice %arg7[%dma_start3A_18] : memref<10000xi32, #tpu.memory_space<vmem>> -> memref<40xi32, #tpu.memory_space<vmem>>
    %dma_start3A_20 = arith.constant 0 : i32
    %dma_start3A_21 = arith.constant 0 : i32
    %dma_start3A_22 = tpu.memref_slice %arg4[%dma_start3A_20, %dma_start3A_21] : memref<10000x128xf32, #tpu.memory_space<hbm>> -> memref<10000x128xf32, #tpu.memory_space<hbm>>
    tpu.enqueue_indirect_dma source(%dma_start3A_22 : memref<10000x128xf32, #tpu.memory_space<hbm>>) target(%arg11 : memref<40x128xf32, #tpu.memory_space<vmem>>) offsets(%dma_start3A_19 : memref<40xi32, #tpu.memory_space<vmem>>) semaphore(%arg18 : memref<!tpu.dma_semaphore, #tpu.memory_space<semaphore_mem>>)
    %dma_start3A_23 = arith.constant 120 : i32
    %dma_start3A_24 = tpu.memref_slice %arg7[%dma_start3A_23] : memref<10000xi32, #tpu.memory_space<vmem>> -> memref<40xi32, #tpu.memory_space<vmem>>
    %dma_start3A_25 = arith.constant 0 : i32
    %dma_start3A_26 = arith.constant 0 : i32
    %dma_start3A_27 = tpu.memref_slice %arg4[%dma_start3A_25, %dma_start3A_26] : memref<10000x128xf32, #tpu.memory_space<hbm>> -> memref<10000x128xf32, #tpu.memory_space<hbm>>
    tpu.enqueue_indirect_dma source(%dma_start3A_27 : memref<10000x128xf32, #tpu.memory_space<hbm>>) target(%arg12 : memref<40x128xf32, #tpu.memory_space<vmem>>) offsets(%dma_start3A_24 : memref<40xi32, #tpu.memory_space<vmem>>) semaphore(%arg19 : memref<!tpu.dma_semaphore, #tpu.memory_space<semaphore_mem>>)
    %dma_start3A_28 = arith.constant 160 : i32
    %dma_start3A_29 = tpu.memref_slice %arg7[%dma_start3A_28] : memref<10000xi32, #tpu.memory_space<vmem>> -> memref<40xi32, #tpu.memory_space<vmem>>
    %dma_start3A_30 = arith.constant 0 : i32
    %dma_start3A_31 = arith.constant 0 : i32
    %dma_start3A_32 = tpu.memref_slice %arg4[%dma_start3A_30, %dma_start3A_31] : memref<10000x128xf32, #tpu.memory_space<hbm>> -> memref<10000x128xf32, #tpu.memory_space<hbm>>
    tpu.enqueue_indirect_dma source(%dma_start3A_32 : memref<10000x128xf32, #tpu.memory_space<hbm>>) target(%arg13 : memref<40x128xf32, #tpu.memory_space<vmem>>) offsets(%dma_start3A_29 : memref<40xi32, #tpu.memory_space<vmem>>) semaphore(%arg20 : memref<!tpu.dma_semaphore, #tpu.memory_space<semaphore_mem>>)
    %scan3A = arith.constant 0 : i32
    %scan3A_33 = arith.constant 0 : i32
    %scan3A_34 = arith.constant 41 : i32
    %scan3A_35 = arith.addi %scan3A_33, %scan3A_34 : i32
    %scan3A_36 = arith.constant 1 : i32
    scf.for %scan3A_113 = %scan3A_33 to %scan3A_35 step %scan3A_36  : i32 {
      %mul3A_114 = arith.constant 6 : i32
      %mul3A_115 = arith.muli %scan3A_113, %mul3A_114 : i32
      %add3A_116 = arith.constant 0 : i32
      %add3A_117 = arith.addi %mul3A_115, %add3A_116 : i32
      %mul3A_118 = arith.constant 40 : i32
      %mul3A_119 = arith.muli %add3A_117, %mul3A_118 : i32
      %dma_wait3A_120 = tpu.memref_slice %arg7[%mul3A_119] : memref<10000xi32, #tpu.memory_space<vmem>> -> memref<40xi32, #tpu.memory_space<vmem>>
      %dma_wait3A_121 = arith.constant 0 : i32
      %dma_wait3A_122 = arith.constant 0 : i32
      %dma_wait3A_123 = tpu.memref_slice %arg4[%dma_wait3A_121, %dma_wait3A_122] : memref<10000x128xf32, #tpu.memory_space<hbm>> -> memref<10000x128xf32, #tpu.memory_space<hbm>>
      tpu.wait_indirect_dma semaphore(%arg16 : memref<!tpu.dma_semaphore, #tpu.memory_space<semaphore_mem>>) src(%dma_wait3A_123 : memref<10000x128xf32, #tpu.memory_space<hbm>>) dst(%arg9 : memref<40x128xf32, #tpu.memory_space<vmem>>)
      %mul3A_124 = arith.constant 40 : i32
      %mul3A_125 = arith.muli %add3A_117, %mul3A_124 : i32
      %dma_start3A_126 = tpu.memref_slice %arg8[%mul3A_125] : memref<10000xi32, #tpu.memory_space<vmem>> -> memref<40xi32, #tpu.memory_space<vmem>>
      %dma_start3A_127 = arith.constant 0 : i32
      %dma_start3A_128 = arith.constant 0 : i32
      %dma_start3A_129 = tpu.memref_slice %arg15[%dma_start3A_127, %dma_start3A_128] : memref<10000x128xf32, #tpu.memory_space<vmem_shared>> -> memref<10000x128xf32, #tpu.memory_space<vmem_shared>>
      tpu.enqueue_indirect_dma source(%arg9 : memref<40x128xf32, #tpu.memory_space<vmem>>) target(%dma_start3A_129 : memref<10000x128xf32, #tpu.memory_space<vmem_shared>>) offsets(%dma_start3A_126 : memref<40xi32, #tpu.memory_space<vmem>>) semaphore(%arg16 : memref<!tpu.dma_semaphore, #tpu.memory_space<semaphore_mem>>) {add = true}
      %gt3A = arith.constant 0 : i32
      %gt3A_130 = arith.cmpi sgt, %scan3A_113, %gt3A : i32
      %convert_element_type3A_131 = arith.extui %gt3A_130 : i1 to i32
      %cond3A_132 = arith.constant 0 : i32
      %cond3A_133 = arith.cmpi ne, %convert_element_type3A_131, %cond3A_132 : i32
      scf.if %cond3A_133 {
        %sub3A_307 = arith.constant 1 : i32
        %sub3A_308 = arith.subi %add3A_117, %sub3A_307 : i32
        %mul3A_309 = arith.constant 40 : i32
        %mul3A_310 = arith.muli %sub3A_308, %mul3A_309 : i32
        %dma_wait3A_311 = tpu.memref_slice %arg8[%mul3A_310] : memref<10000xi32, #tpu.memory_space<vmem>> -> memref<40xi32, #tpu.memory_space<vmem>>
        %dma_wait3A_312 = arith.constant 0 : i32
        %dma_wait3A_313 = arith.constant 0 : i32
        %dma_wait3A_314 = tpu.memref_slice %arg15[%dma_wait3A_312, %dma_wait3A_313] : memref<10000x128xf32, #tpu.memory_space<vmem_shared>> -> memref<10000x128xf32, #tpu.memory_space<vmem_shared>>
        tpu.wait_indirect_dma semaphore(%arg21 : memref<!tpu.dma_semaphore, #tpu.memory_space<semaphore_mem>>) src(%arg14 : memref<40x128xf32, #tpu.memory_space<vmem>>) dst(%dma_wait3A_314 : memref<10000x128xf32, #tpu.memory_space<vmem_shared>>)
      } else {
      }
      %add3A_134 = arith.constant 6 : i32
      %add3A_135 = arith.addi %add3A_117, %add3A_134 : i32
      %sub3A = arith.constant 1 : i32
      %sub3A_136 = arith.subi %add3A_135, %sub3A : i32
      %lt3A_137 = arith.constant 250 : i32
      %lt3A_138 = arith.cmpi slt, %sub3A_136, %lt3A_137 : i32
      %convert_element_type3A_139 = arith.extui %lt3A_138 : i1 to i32
      %cond3A_140 = arith.constant 0 : i32
      %cond3A_141 = arith.cmpi ne, %convert_element_type3A_139, %cond3A_140 : i32
      scf.if %cond3A_141 {
        %add3A_307 = arith.constant 6 : i32
        %add3A_308 = arith.addi %add3A_117, %add3A_307 : i32
        %sub3A_309 = arith.constant 1 : i32
        %sub3A_310 = arith.subi %add3A_308, %sub3A_309 : i32
        %mul3A_311 = arith.constant 40 : i32
        %mul3A_312 = arith.muli %sub3A_310, %mul3A_311 : i32
        %dma_start3A_313 = tpu.memref_slice %arg7[%mul3A_312] : memref<10000xi32, #tpu.memory_space<vmem>> -> memref<40xi32, #tpu.memory_space<vmem>>
        %dma_start3A_314 = arith.constant 0 : i32
        %dma_start3A_315 = arith.constant 0 : i32
        %dma_start3A_316 = tpu.memref_slice %arg4[%dma_start3A_314, %dma_start3A_315] : memref<10000x128xf32, #tpu.memory_space<hbm>> -> memref<10000x128xf32, #tpu.memory_space<hbm>>
        tpu.enqueue_indirect_dma source(%dma_start3A_316 : memref<10000x128xf32, #tpu.memory_space<hbm>>) target(%arg14 : memref<40x128xf32, #tpu.memory_space<vmem>>) offsets(%dma_start3A_313 : memref<40xi32, #tpu.memory_space<vmem>>) semaphore(%arg21 : memref<!tpu.dma_semaphore, #tpu.memory_space<semaphore_mem>>)
      } else {
      }
      %mul3A_142 = arith.constant 6 : i32
      %mul3A_143 = arith.muli %scan3A_113, %mul3A_142 : i32
      %add3A_144 = arith.constant 1 : i32
      %add3A_145 = arith.addi %mul3A_143, %add3A_144 : i32
      %mul3A_146 = arith.constant 40 : i32
      %mul3A_147 = arith.muli %add3A_145, %mul3A_146 : i32
      %dma_wait3A_148 = tpu.memref_slice %arg7[%mul3A_147] : memref<10000xi32, #tpu.memory_space<vmem>> -> memref<40xi32, #tpu.memory_space<vmem>>
      %dma_wait3A_149 = arith.constant 0 : i32
      %dma_wait3A_150 = arith.constant 0 : i32
      %dma_wait3A_151 = tpu.memref_slice %arg4[%dma_wait3A_149, %dma_wait3A_150] : memref<10000x128xf32, #tpu.memory_space<hbm>> -> memref<10000x128xf32, #tpu.memory_space<hbm>>
      tpu.wait_indirect_dma semaphore(%arg17 : memref<!tpu.dma_semaphore, #tpu.memory_space<semaphore_mem>>) src(%dma_wait3A_151 : memref<10000x128xf32, #tpu.memory_space<hbm>>) dst(%arg10 : memref<40x128xf32, #tpu.memory_space<vmem>>)
      %mul3A_152 = arith.constant 40 : i32
      %mul3A_153 = arith.muli %add3A_145, %mul3A_152 : i32
      %dma_start3A_154 = tpu.memref_slice %arg8[%mul3A_153] : memref<10000xi32, #tpu.memory_space<vmem>> -> memref<40xi32, #tpu.memory_space<vmem>>
      %dma_start3A_155 = arith.constant 0 : i32
      %dma_start3A_156 = arith.constant 0 : i32
      %dma_start3A_157 = tpu.memref_slice %arg15[%dma_start3A_155, %dma_start3A_156] : memref<10000x128xf32, #tpu.memory_space<vmem_shared>> -> memref<10000x128xf32, #tpu.memory_space<vmem_shared>>
      tpu.enqueue_indirect_dma source(%arg10 : memref<40x128xf32, #tpu.memory_space<vmem>>) target(%dma_start3A_157 : memref<10000x128xf32, #tpu.memory_space<vmem_shared>>) offsets(%dma_start3A_154 : memref<40xi32, #tpu.memory_space<vmem>>) semaphore(%arg17 : memref<!tpu.dma_semaphore, #tpu.memory_space<semaphore_mem>>) {add = true}
      %sub3A_158 = arith.constant 1 : i32
      %sub3A_159 = arith.subi %add3A_145, %sub3A_158 : i32
      %mul3A_160 = arith.constant 40 : i32
      %mul3A_161 = arith.muli %sub3A_159, %mul3A_160 : i32
      %dma_wait3A_162 = tpu.memref_slice %arg8[%mul3A_161] : memref<10000xi32, #tpu.memory_space<vmem>> -> memref<40xi32, #tpu.memory_space<vmem>>
      %dma_wait3A_163 = arith.constant 0 : i32
      %dma_wait3A_164 = arith.constant 0 : i32
      %dma_wait3A_165 = tpu.memref_slice %arg15[%dma_wait3A_163, %dma_wait3A_164] : memref<10000x128xf32, #tpu.memory_space<vmem_shared>> -> memref<10000x128xf32, #tpu.memory_space<vmem_shared>>
      tpu.wait_indirect_dma semaphore(%arg16 : memref<!tpu.dma_semaphore, #tpu.memory_space<semaphore_mem>>) src(%arg9 : memref<40x128xf32, #tpu.memory_space<vmem>>) dst(%dma_wait3A_165 : memref<10000x128xf32, #tpu.memory_space<vmem_shared>>)
      %add3A_166 = arith.constant 6 : i32
      %add3A_167 = arith.addi %add3A_145, %add3A_166 : i32
      %sub3A_168 = arith.constant 1 : i32
      %sub3A_169 = arith.subi %add3A_167, %sub3A_168 : i32
      %lt3A_170 = arith.constant 250 : i32
      %lt3A_171 = arith.cmpi slt, %sub3A_169, %lt3A_170 : i32
      %convert_element_type3A_172 = arith.extui %lt3A_171 : i1 to i32
      %cond3A_173 = arith.constant 0 : i32
      %cond3A_174 = arith.cmpi ne, %convert_element_type3A_172, %cond3A_173 : i32
      scf.if %cond3A_174 {
        %add3A_307 = arith.constant 6 : i32
        %add3A_308 = arith.addi %add3A_145, %add3A_307 : i32
        %sub3A_309 = arith.constant 1 : i32
        %sub3A_310 = arith.subi %add3A_308, %sub3A_309 : i32
        %mul3A_311 = arith.constant 40 : i32
        %mul3A_312 = arith.muli %sub3A_310, %mul3A_311 : i32
        %dma_start3A_313 = tpu.memref_slice %arg7[%mul3A_312] : memref<10000xi32, #tpu.memory_space<vmem>> -> memref<40xi32, #tpu.memory_space<vmem>>
        %dma_start3A_314 = arith.constant 0 : i32
        %dma_start3A_315 = arith.constant 0 : i32
        %dma_start3A_316 = tpu.memref_slice %arg4[%dma_start3A_314, %dma_start3A_315] : memref<10000x128xf32, #tpu.memory_space<hbm>> -> memref<10000x128xf32, #tpu.memory_space<hbm>>
        tpu.enqueue_indirect_dma source(%dma_start3A_316 : memref<10000x128xf32, #tpu.memory_space<hbm>>) target(%arg9 : memref<40x128xf32, #tpu.memory_space<vmem>>) offsets(%dma_start3A_313 : memref<40xi32, #tpu.memory_space<vmem>>) semaphore(%arg16 : memref<!tpu.dma_semaphore, #tpu.memory_space<semaphore_mem>>)
      } else {
      }
      %mul3A_175 = arith.constant 6 : i32
      %mul3A_176 = arith.muli %scan3A_113, %mul3A_175 : i32
      %add3A_177 = arith.constant 2 : i32
      %add3A_178 = arith.addi %mul3A_176, %add3A_177 : i32
      %mul3A_179 = arith.constant 40 : i32
      %mul3A_180 = arith.muli %add3A_178, %mul3A_179 : i32
      %dma_wait3A_181 = tpu.memref_slice %arg7[%mul3A_180] : memref<10000xi32, #tpu.memory_space<vmem>> -> memref<40xi32, #tpu.memory_space<vmem>>
      %dma_wait3A_182 = arith.constant 0 : i32
      %dma_wait3A_183 = arith.constant 0 : i32
      %dma_wait3A_184 = tpu.memref_slice %arg4[%dma_wait3A_182, %dma_wait3A_183] : memref<10000x128xf32, #tpu.memory_space<hbm>> -> memref<10000x128xf32, #tpu.memory_space<hbm>>
      tpu.wait_indirect_dma semaphore(%arg18 : memref<!tpu.dma_semaphore, #tpu.memory_space<semaphore_mem>>) src(%dma_wait3A_184 : memref<10000x128xf32, #tpu.memory_space<hbm>>) dst(%arg11 : memref<40x128xf32, #tpu.memory_space<vmem>>)
      %mul3A_185 = arith.constant 40 : i32
      %mul3A_186 = arith.muli %add3A_178, %mul3A_185 : i32
      %dma_start3A_187 = tpu.memref_slice %arg8[%mul3A_186] : memref<10000xi32, #tpu.memory_space<vmem>> -> memref<40xi32, #tpu.memory_space<vmem>>
      %dma_start3A_188 = arith.constant 0 : i32
      %dma_start3A_189 = arith.constant 0 : i32
      %dma_start3A_190 = tpu.memref_slice %arg15[%dma_start3A_188, %dma_start3A_189] : memref<10000x128xf32, #tpu.memory_space<vmem_shared>> -> memref<10000x128xf32, #tpu.memory_space<vmem_shared>>
      tpu.enqueue_indirect_dma source(%arg11 : memref<40x128xf32, #tpu.memory_space<vmem>>) target(%dma_start3A_190 : memref<10000x128xf32, #tpu.memory_space<vmem_shared>>) offsets(%dma_start3A_187 : memref<40xi32, #tpu.memory_space<vmem>>) semaphore(%arg18 : memref<!tpu.dma_semaphore, #tpu.memory_space<semaphore_mem>>) {add = true}
      %sub3A_191 = arith.constant 1 : i32
      %sub3A_192 = arith.subi %add3A_178, %sub3A_191 : i32
      %mul3A_193 = arith.constant 40 : i32
      %mul3A_194 = arith.muli %sub3A_192, %mul3A_193 : i32
      %dma_wait3A_195 = tpu.memref_slice %arg8[%mul3A_194] : memref<10000xi32, #tpu.memory_space<vmem>> -> memref<40xi32, #tpu.memory_space<vmem>>
      %dma_wait3A_196 = arith.constant 0 : i32
      %dma_wait3A_197 = arith.constant 0 : i32
      %dma_wait3A_198 = tpu.memref_slice %arg15[%dma_wait3A_196, %dma_wait3A_197] : memref<10000x128xf32, #tpu.memory_space<vmem_shared>> -> memref<10000x128xf32, #tpu.memory_space<vmem_shared>>
      tpu.wait_indirect_dma semaphore(%arg17 : memref<!tpu.dma_semaphore, #tpu.memory_space<semaphore_mem>>) src(%arg10 : memref<40x128xf32, #tpu.memory_space<vmem>>) dst(%dma_wait3A_198 : memref<10000x128xf32, #tpu.memory_space<vmem_shared>>)
      %add3A_199 = arith.constant 6 : i32
      %add3A_200 = arith.addi %add3A_178, %add3A_199 : i32
      %sub3A_201 = arith.constant 1 : i32
      %sub3A_202 = arith.subi %add3A_200, %sub3A_201 : i32
      %lt3A_203 = arith.constant 250 : i32
      %lt3A_204 = arith.cmpi slt, %sub3A_202, %lt3A_203 : i32
      %convert_element_type3A_205 = arith.extui %lt3A_204 : i1 to i32
      %cond3A_206 = arith.constant 0 : i32
      %cond3A_207 = arith.cmpi ne, %convert_element_type3A_205, %cond3A_206 : i32
      scf.if %cond3A_207 {
        %add3A_307 = arith.constant 6 : i32
        %add3A_308 = arith.addi %add3A_178, %add3A_307 : i32
        %sub3A_309 = arith.constant 1 : i32
        %sub3A_310 = arith.subi %add3A_308, %sub3A_309 : i32
        %mul3A_311 = arith.constant 40 : i32
        %mul3A_312 = arith.muli %sub3A_310, %mul3A_311 : i32
        %dma_start3A_313 = tpu.memref_slice %arg7[%mul3A_312] : memref<10000xi32, #tpu.memory_space<vmem>> -> memref<40xi32, #tpu.memory_space<vmem>>
        %dma_start3A_314 = arith.constant 0 : i32
        %dma_start3A_315 = arith.constant 0 : i32
        %dma_start3A_316 = tpu.memref_slice %arg4[%dma_start3A_314, %dma_start3A_315] : memref<10000x128xf32, #tpu.memory_space<hbm>> -> memref<10000x128xf32, #tpu.memory_space<hbm>>
        tpu.enqueue_indirect_dma source(%dma_start3A_316 : memref<10000x128xf32, #tpu.memory_space<hbm>>) target(%arg10 : memref<40x128xf32, #tpu.memory_space<vmem>>) offsets(%dma_start3A_313 : memref<40xi32, #tpu.memory_space<vmem>>) semaphore(%arg17 : memref<!tpu.dma_semaphore, #tpu.memory_space<semaphore_mem>>)
      } else {
      }
      %mul3A_208 = arith.constant 6 : i32
      %mul3A_209 = arith.muli %scan3A_113, %mul3A_208 : i32
      %add3A_210 = arith.constant 3 : i32
      %add3A_211 = arith.addi %mul3A_209, %add3A_210 : i32
      %mul3A_212 = arith.constant 40 : i32
      %mul3A_213 = arith.muli %add3A_211, %mul3A_212 : i32
      %dma_wait3A_214 = tpu.memref_slice %arg7[%mul3A_213] : memref<10000xi32, #tpu.memory_space<vmem>> -> memref<40xi32, #tpu.memory_space<vmem>>
      %dma_wait3A_215 = arith.constant 0 : i32
      %dma_wait3A_216 = arith.constant 0 : i32
      %dma_wait3A_217 = tpu.memref_slice %arg4[%dma_wait3A_215, %dma_wait3A_216] : memref<10000x128xf32, #tpu.memory_space<hbm>> -> memref<10000x128xf32, #tpu.memory_space<hbm>>
      tpu.wait_indirect_dma semaphore(%arg19 : memref<!tpu.dma_semaphore, #tpu.memory_space<semaphore_mem>>) src(%dma_wait3A_217 : memref<10000x128xf32, #tpu.memory_space<hbm>>) dst(%arg12 : memref<40x128xf32, #tpu.memory_space<vmem>>)
      %mul3A_218 = arith.constant 40 : i32
      %mul3A_219 = arith.muli %add3A_211, %mul3A_218 : i32
      %dma_start3A_220 = tpu.memref_slice %arg8[%mul3A_219] : memref<10000xi32, #tpu.memory_space<vmem>> -> memref<40xi32, #tpu.memory_space<vmem>>
      %dma_start3A_221 = arith.constant 0 : i32
      %dma_start3A_222 = arith.constant 0 : i32
      %dma_start3A_223 = tpu.memref_slice %arg15[%dma_start3A_221, %dma_start3A_222] : memref<10000x128xf32, #tpu.memory_space<vmem_shared>> -> memref<10000x128xf32, #tpu.memory_space<vmem_shared>>
      tpu.enqueue_indirect_dma source(%arg12 : memref<40x128xf32, #tpu.memory_space<vmem>>) target(%dma_start3A_223 : memref<10000x128xf32, #tpu.memory_space<vmem_shared>>) offsets(%dma_start3A_220 : memref<40xi32, #tpu.memory_space<vmem>>) semaphore(%arg19 : memref<!tpu.dma_semaphore, #tpu.memory_space<semaphore_mem>>) {add = true}
      %sub3A_224 = arith.constant 1 : i32
      %sub3A_225 = arith.subi %add3A_211, %sub3A_224 : i32
      %mul3A_226 = arith.constant 40 : i32
      %mul3A_227 = arith.muli %sub3A_225, %mul3A_226 : i32
      %dma_wait3A_228 = tpu.memref_slice %arg8[%mul3A_227] : memref<10000xi32, #tpu.memory_space<vmem>> -> memref<40xi32, #tpu.memory_space<vmem>>
      %dma_wait3A_229 = arith.constant 0 : i32
      %dma_wait3A_230 = arith.constant 0 : i32
      %dma_wait3A_231 = tpu.memref_slice %arg15[%dma_wait3A_229, %dma_wait3A_230] : memref<10000x128xf32, #tpu.memory_space<vmem_shared>> -> memref<10000x128xf32, #tpu.memory_space<vmem_shared>>
      tpu.wait_indirect_dma semaphore(%arg18 : memref<!tpu.dma_semaphore, #tpu.memory_space<semaphore_mem>>) src(%arg11 : memref<40x128xf32, #tpu.memory_space<vmem>>) dst(%dma_wait3A_231 : memref<10000x128xf32, #tpu.memory_space<vmem_shared>>)
      %add3A_232 = arith.constant 6 : i32
      %add3A_233 = arith.addi %add3A_211, %add3A_232 : i32
      %sub3A_234 = arith.constant 1 : i32
      %sub3A_235 = arith.subi %add3A_233, %sub3A_234 : i32
      %lt3A_236 = arith.constant 250 : i32
      %lt3A_237 = arith.cmpi slt, %sub3A_235, %lt3A_236 : i32
      %convert_element_type3A_238 = arith.extui %lt3A_237 : i1 to i32
      %cond3A_239 = arith.constant 0 : i32
      %cond3A_240 = arith.cmpi ne, %convert_element_type3A_238, %cond3A_239 : i32
      scf.if %cond3A_240 {
        %add3A_307 = arith.constant 6 : i32
        %add3A_308 = arith.addi %add3A_211, %add3A_307 : i32
        %sub3A_309 = arith.constant 1 : i32
        %sub3A_310 = arith.subi %add3A_308, %sub3A_309 : i32
        %mul3A_311 = arith.constant 40 : i32
        %mul3A_312 = arith.muli %sub3A_310, %mul3A_311 : i32
        %dma_start3A_313 = tpu.memref_slice %arg7[%mul3A_312] : memref<10000xi32, #tpu.memory_space<vmem>> -> memref<40xi32, #tpu.memory_space<vmem>>
        %dma_start3A_314 = arith.constant 0 : i32
        %dma_start3A_315 = arith.constant 0 : i32
        %dma_start3A_316 = tpu.memref_slice %arg4[%dma_start3A_314, %dma_start3A_315] : memref<10000x128xf32, #tpu.memory_space<hbm>> -> memref<10000x128xf32, #tpu.memory_space<hbm>>
        tpu.enqueue_indirect_dma source(%dma_start3A_316 : memref<10000x128xf32, #tpu.memory_space<hbm>>) target(%arg11 : memref<40x128xf32, #tpu.memory_space<vmem>>) offsets(%dma_start3A_313 : memref<40xi32, #tpu.memory_space<vmem>>) semaphore(%arg18 : memref<!tpu.dma_semaphore, #tpu.memory_space<semaphore_mem>>)
      } else {
      }
      %mul3A_241 = arith.constant 6 : i32
      %mul3A_242 = arith.muli %scan3A_113, %mul3A_241 : i32
      %add3A_243 = arith.constant 4 : i32
      %add3A_244 = arith.addi %mul3A_242, %add3A_243 : i32
      %mul3A_245 = arith.constant 40 : i32
      %mul3A_246 = arith.muli %add3A_244, %mul3A_245 : i32
      %dma_wait3A_247 = tpu.memref_slice %arg7[%mul3A_246] : memref<10000xi32, #tpu.memory_space<vmem>> -> memref<40xi32, #tpu.memory_space<vmem>>
      %dma_wait3A_248 = arith.constant 0 : i32
      %dma_wait3A_249 = arith.constant 0 : i32
      %dma_wait3A_250 = tpu.memref_slice %arg4[%dma_wait3A_248, %dma_wait3A_249] : memref<10000x128xf32, #tpu.memory_space<hbm>> -> memref<10000x128xf32, #tpu.memory_space<hbm>>
      tpu.wait_indirect_dma semaphore(%arg20 : memref<!tpu.dma_semaphore, #tpu.memory_space<semaphore_mem>>) src(%dma_wait3A_250 : memref<10000x128xf32, #tpu.memory_space<hbm>>) dst(%arg13 : memref<40x128xf32, #tpu.memory_space<vmem>>)
      %mul3A_251 = arith.constant 40 : i32
      %mul3A_252 = arith.muli %add3A_244, %mul3A_251 : i32
      %dma_start3A_253 = tpu.memref_slice %arg8[%mul3A_252] : memref<10000xi32, #tpu.memory_space<vmem>> -> memref<40xi32, #tpu.memory_space<vmem>>
      %dma_start3A_254 = arith.constant 0 : i32
      %dma_start3A_255 = arith.constant 0 : i32
      %dma_start3A_256 = tpu.memref_slice %arg15[%dma_start3A_254, %dma_start3A_255] : memref<10000x128xf32, #tpu.memory_space<vmem_shared>> -> memref<10000x128xf32, #tpu.memory_space<vmem_shared>>
      tpu.enqueue_indirect_dma source(%arg13 : memref<40x128xf32, #tpu.memory_space<vmem>>) target(%dma_start3A_256 : memref<10000x128xf32, #tpu.memory_space<vmem_shared>>) offsets(%dma_start3A_253 : memref<40xi32, #tpu.memory_space<vmem>>) semaphore(%arg20 : memref<!tpu.dma_semaphore, #tpu.memory_space<semaphore_mem>>) {add = true}
      %sub3A_257 = arith.constant 1 : i32
      %sub3A_258 = arith.subi %add3A_244, %sub3A_257 : i32
      %mul3A_259 = arith.constant 40 : i32
      %mul3A_260 = arith.muli %sub3A_258, %mul3A_259 : i32
      %dma_wait3A_261 = tpu.memref_slice %arg8[%mul3A_260] : memref<10000xi32, #tpu.memory_space<vmem>> -> memref<40xi32, #tpu.memory_space<vmem>>
      %dma_wait3A_262 = arith.constant 0 : i32
      %dma_wait3A_263 = arith.constant 0 : i32
      %dma_wait3A_264 = tpu.memref_slice %arg15[%dma_wait3A_262, %dma_wait3A_263] : memref<10000x128xf32, #tpu.memory_space<vmem_shared>> -> memref<10000x128xf32, #tpu.memory_space<vmem_shared>>
      tpu.wait_indirect_dma semaphore(%arg19 : memref<!tpu.dma_semaphore, #tpu.memory_space<semaphore_mem>>) src(%arg12 : memref<40x128xf32, #tpu.memory_space<vmem>>) dst(%dma_wait3A_264 : memref<10000x128xf32, #tpu.memory_space<vmem_shared>>)
      %add3A_265 = arith.constant 6 : i32
      %add3A_266 = arith.addi %add3A_244, %add3A_265 : i32
      %sub3A_267 = arith.constant 1 : i32
      %sub3A_268 = arith.subi %add3A_266, %sub3A_267 : i32
      %lt3A_269 = arith.constant 250 : i32
      %lt3A_270 = arith.cmpi slt, %sub3A_268, %lt3A_269 : i32
      %convert_element_type3A_271 = arith.extui %lt3A_270 : i1 to i32
      %cond3A_272 = arith.constant 0 : i32
      %cond3A_273 = arith.cmpi ne, %convert_element_type3A_271, %cond3A_272 : i32
      scf.if %cond3A_273 {
        %add3A_307 = arith.constant 6 : i32
        %add3A_308 = arith.addi %add3A_244, %add3A_307 : i32
        %sub3A_309 = arith.constant 1 : i32
        %sub3A_310 = arith.subi %add3A_308, %sub3A_309 : i32
        %mul3A_311 = arith.constant 40 : i32
        %mul3A_312 = arith.muli %sub3A_310, %mul3A_311 : i32
        %dma_start3A_313 = tpu.memref_slice %arg7[%mul3A_312] : memref<10000xi32, #tpu.memory_space<vmem>> -> memref<40xi32, #tpu.memory_space<vmem>>
        %dma_start3A_314 = arith.constant 0 : i32
        %dma_start3A_315 = arith.constant 0 : i32
        %dma_start3A_316 = tpu.memref_slice %arg4[%dma_start3A_314, %dma_start3A_315] : memref<10000x128xf32, #tpu.memory_space<hbm>> -> memref<10000x128xf32, #tpu.memory_space<hbm>>
        tpu.enqueue_indirect_dma source(%dma_start3A_316 : memref<10000x128xf32, #tpu.memory_space<hbm>>) target(%arg12 : memref<40x128xf32, #tpu.memory_space<vmem>>) offsets(%dma_start3A_313 : memref<40xi32, #tpu.memory_space<vmem>>) semaphore(%arg19 : memref<!tpu.dma_semaphore, #tpu.memory_space<semaphore_mem>>)
      } else {
      }
      %mul3A_274 = arith.constant 6 : i32
      %mul3A_275 = arith.muli %scan3A_113, %mul3A_274 : i32
      %add3A_276 = arith.constant 5 : i32
      %add3A_277 = arith.addi %mul3A_275, %add3A_276 : i32
      %mul3A_278 = arith.constant 40 : i32
      %mul3A_279 = arith.muli %add3A_277, %mul3A_278 : i32
      %dma_wait3A_280 = tpu.memref_slice %arg7[%mul3A_279] : memref<10000xi32, #tpu.memory_space<vmem>> -> memref<40xi32, #tpu.memory_space<vmem>>
      %dma_wait3A_281 = arith.constant 0 : i32
      %dma_wait3A_282 = arith.constant 0 : i32
      %dma_wait3A_283 = tpu.memref_slice %arg4[%dma_wait3A_281, %dma_wait3A_282] : memref<10000x128xf32, #tpu.memory_space<hbm>> -> memref<10000x128xf32, #tpu.memory_space<hbm>>
      tpu.wait_indirect_dma semaphore(%arg21 : memref<!tpu.dma_semaphore, #tpu.memory_space<semaphore_mem>>) src(%dma_wait3A_283 : memref<10000x128xf32, #tpu.memory_space<hbm>>) dst(%arg14 : memref<40x128xf32, #tpu.memory_space<vmem>>)
      %mul3A_284 = arith.constant 40 : i32
      %mul3A_285 = arith.muli %add3A_277, %mul3A_284 : i32
      %dma_start3A_286 = tpu.memref_slice %arg8[%mul3A_285] : memref<10000xi32, #tpu.memory_space<vmem>> -> memref<40xi32, #tpu.memory_space<vmem>>
      %dma_start3A_287 = arith.constant 0 : i32
      %dma_start3A_288 = arith.constant 0 : i32
      %dma_start3A_289 = tpu.memref_slice %arg15[%dma_start3A_287, %dma_start3A_288] : memref<10000x128xf32, #tpu.memory_space<vmem_shared>> -> memref<10000x128xf32, #tpu.memory_space<vmem_shared>>
      tpu.enqueue_indirect_dma source(%arg14 : memref<40x128xf32, #tpu.memory_space<vmem>>) target(%dma_start3A_289 : memref<10000x128xf32, #tpu.memory_space<vmem_shared>>) offsets(%dma_start3A_286 : memref<40xi32, #tpu.memory_space<vmem>>) semaphore(%arg21 : memref<!tpu.dma_semaphore, #tpu.memory_space<semaphore_mem>>) {add = true}
      %sub3A_290 = arith.constant 1 : i32
      %sub3A_291 = arith.subi %add3A_277, %sub3A_290 : i32
      %mul3A_292 = arith.constant 40 : i32
      %mul3A_293 = arith.muli %sub3A_291, %mul3A_292 : i32
      %dma_wait3A_294 = tpu.memref_slice %arg8[%mul3A_293] : memref<10000xi32, #tpu.memory_space<vmem>> -> memref<40xi32, #tpu.memory_space<vmem>>
      %dma_wait3A_295 = arith.constant 0 : i32
      %dma_wait3A_296 = arith.constant 0 : i32
      %dma_wait3A_297 = tpu.memref_slice %arg15[%dma_wait3A_295, %dma_wait3A_296] : memref<10000x128xf32, #tpu.memory_space<vmem_shared>> -> memref<10000x128xf32, #tpu.memory_space<vmem_shared>>
      tpu.wait_indirect_dma semaphore(%arg20 : memref<!tpu.dma_semaphore, #tpu.memory_space<semaphore_mem>>) src(%arg13 : memref<40x128xf32, #tpu.memory_space<vmem>>) dst(%dma_wait3A_297 : memref<10000x128xf32, #tpu.memory_space<vmem_shared>>)
      %add3A_298 = arith.constant 6 : i32
      %add3A_299 = arith.addi %add3A_277, %add3A_298 : i32
      %sub3A_300 = arith.constant 1 : i32
      %sub3A_301 = arith.subi %add3A_299, %sub3A_300 : i32
      %lt3A_302 = arith.constant 250 : i32
      %lt3A_303 = arith.cmpi slt, %sub3A_301, %lt3A_302 : i32
      %convert_element_type3A_304 = arith.extui %lt3A_303 : i1 to i32
      %cond3A_305 = arith.constant 0 : i32
      %cond3A_306 = arith.cmpi ne, %convert_element_type3A_304, %cond3A_305 : i32
      scf.if %cond3A_306 {
        %add3A_307 = arith.constant 6 : i32
        %add3A_308 = arith.addi %add3A_277, %add3A_307 : i32
        %sub3A_309 = arith.constant 1 : i32
        %sub3A_310 = arith.subi %add3A_308, %sub3A_309 : i32
        %mul3A_311 = arith.constant 40 : i32
        %mul3A_312 = arith.muli %sub3A_310, %mul3A_311 : i32
        %dma_start3A_313 = tpu.memref_slice %arg7[%mul3A_312] : memref<10000xi32, #tpu.memory_space<vmem>> -> memref<40xi32, #tpu.memory_space<vmem>>
        %dma_start3A_314 = arith.constant 0 : i32
        %dma_start3A_315 = arith.constant 0 : i32
        %dma_start3A_316 = tpu.memref_slice %arg4[%dma_start3A_314, %dma_start3A_315] : memref<10000x128xf32, #tpu.memory_space<hbm>> -> memref<10000x128xf32, #tpu.memory_space<hbm>>
        tpu.enqueue_indirect_dma source(%dma_start3A_316 : memref<10000x128xf32, #tpu.memory_space<hbm>>) target(%arg13 : memref<40x128xf32, #tpu.memory_space<vmem>>) offsets(%dma_start3A_313 : memref<40xi32, #tpu.memory_space<vmem>>) semaphore(%arg20 : memref<!tpu.dma_semaphore, #tpu.memory_space<semaphore_mem>>)
      } else {
      }
    }
    %scan3A_37 = arith.constant 41 : i32
    %dma_wait3A = arith.constant 9840 : i32
    %dma_wait3A_38 = tpu.memref_slice %arg7[%dma_wait3A] : memref<10000xi32, #tpu.memory_space<vmem>> -> memref<40xi32, #tpu.memory_space<vmem>>
    %dma_wait3A_39 = arith.constant 0 : i32
    %dma_wait3A_40 = arith.constant 0 : i32
    %dma_wait3A_41 = tpu.memref_slice %arg4[%dma_wait3A_39, %dma_wait3A_40] : memref<10000x128xf32, #tpu.memory_space<hbm>> -> memref<10000x128xf32, #tpu.memory_space<hbm>>
    tpu.wait_indirect_dma semaphore(%arg16 : memref<!tpu.dma_semaphore, #tpu.memory_space<semaphore_mem>>) src(%dma_wait3A_41 : memref<10000x128xf32, #tpu.memory_space<hbm>>) dst(%arg9 : memref<40x128xf32, #tpu.memory_space<vmem>>)
    %dma_start3A_42 = arith.constant 9840 : i32
    %dma_start3A_43 = tpu.memref_slice %arg8[%dma_start3A_42] : memref<10000xi32, #tpu.memory_space<vmem>> -> memref<40xi32, #tpu.memory_space<vmem>>
    %dma_start3A_44 = arith.constant 0 : i32
    %dma_start3A_45 = arith.constant 0 : i32
    %dma_start3A_46 = tpu.memref_slice %arg15[%dma_start3A_44, %dma_start3A_45] : memref<10000x128xf32, #tpu.memory_space<vmem_shared>> -> memref<10000x128xf32, #tpu.memory_space<vmem_shared>>
    tpu.enqueue_indirect_dma source(%arg9 : memref<40x128xf32, #tpu.memory_space<vmem>>) target(%dma_start3A_46 : memref<10000x128xf32, #tpu.memory_space<vmem_shared>>) offsets(%dma_start3A_43 : memref<40xi32, #tpu.memory_space<vmem>>) semaphore(%arg16 : memref<!tpu.dma_semaphore, #tpu.memory_space<semaphore_mem>>) {add = true}
    %dma_wait3A_47 = arith.constant 9800 : i32
    %dma_wait3A_48 = tpu.memref_slice %arg8[%dma_wait3A_47] : memref<10000xi32, #tpu.memory_space<vmem>> -> memref<40xi32, #tpu.memory_space<vmem>>
    %dma_wait3A_49 = arith.constant 0 : i32
    %dma_wait3A_50 = arith.constant 0 : i32
    %dma_wait3A_51 = tpu.memref_slice %arg15[%dma_wait3A_49, %dma_wait3A_50] : memref<10000x128xf32, #tpu.memory_space<vmem_shared>> -> memref<10000x128xf32, #tpu.memory_space<vmem_shared>>
    tpu.wait_indirect_dma semaphore(%arg21 : memref<!tpu.dma_semaphore, #tpu.memory_space<semaphore_mem>>) src(%arg14 : memref<40x128xf32, #tpu.memory_space<vmem>>) dst(%dma_wait3A_51 : memref<10000x128xf32, #tpu.memory_space<vmem_shared>>)
    %dma_wait3A_52 = arith.constant 9880 : i32
    %dma_wait3A_53 = tpu.memref_slice %arg7[%dma_wait3A_52] : memref<10000xi32, #tpu.memory_space<vmem>> -> memref<40xi32, #tpu.memory_space<vmem>>
    %dma_wait3A_54 = arith.constant 0 : i32
    %dma_wait3A_55 = arith.constant 0 : i32
    %dma_wait3A_56 = tpu.memref_slice %arg4[%dma_wait3A_54, %dma_wait3A_55] : memref<10000x128xf32, #tpu.memory_space<hbm>> -> memref<10000x128xf32, #tpu.memory_space<hbm>>
    tpu.wait_indirect_dma semaphore(%arg17 : memref<!tpu.dma_semaphore, #tpu.memory_space<semaphore_mem>>) src(%dma_wait3A_56 : memref<10000x128xf32, #tpu.memory_space<hbm>>) dst(%arg10 : memref<40x128xf32, #tpu.memory_space<vmem>>)
    %dma_start3A_57 = arith.constant 9880 : i32
    %dma_start3A_58 = tpu.memref_slice %arg8[%dma_start3A_57] : memref<10000xi32, #tpu.memory_space<vmem>> -> memref<40xi32, #tpu.memory_space<vmem>>
    %dma_start3A_59 = arith.constant 0 : i32
    %dma_start3A_60 = arith.constant 0 : i32
    %dma_start3A_61 = tpu.memref_slice %arg15[%dma_start3A_59, %dma_start3A_60] : memref<10000x128xf32, #tpu.memory_space<vmem_shared>> -> memref<10000x128xf32, #tpu.memory_space<vmem_shared>>
    tpu.enqueue_indirect_dma source(%arg10 : memref<40x128xf32, #tpu.memory_space<vmem>>) target(%dma_start3A_61 : memref<10000x128xf32, #tpu.memory_space<vmem_shared>>) offsets(%dma_start3A_58 : memref<40xi32, #tpu.memory_space<vmem>>) semaphore(%arg17 : memref<!tpu.dma_semaphore, #tpu.memory_space<semaphore_mem>>) {add = true}
    %dma_wait3A_62 = arith.constant 9840 : i32
    %dma_wait3A_63 = tpu.memref_slice %arg8[%dma_wait3A_62] : memref<10000xi32, #tpu.memory_space<vmem>> -> memref<40xi32, #tpu.memory_space<vmem>>
    %dma_wait3A_64 = arith.constant 0 : i32
    %dma_wait3A_65 = arith.constant 0 : i32
    %dma_wait3A_66 = tpu.memref_slice %arg15[%dma_wait3A_64, %dma_wait3A_65] : memref<10000x128xf32, #tpu.memory_space<vmem_shared>> -> memref<10000x128xf32, #tpu.memory_space<vmem_shared>>
    tpu.wait_indirect_dma semaphore(%arg16 : memref<!tpu.dma_semaphore, #tpu.memory_space<semaphore_mem>>) src(%arg9 : memref<40x128xf32, #tpu.memory_space<vmem>>) dst(%dma_wait3A_66 : memref<10000x128xf32, #tpu.memory_space<vmem_shared>>)
    %dma_wait3A_67 = arith.constant 9920 : i32
    %dma_wait3A_68 = tpu.memref_slice %arg7[%dma_wait3A_67] : memref<10000xi32, #tpu.memory_space<vmem>> -> memref<40xi32, #tpu.memory_space<vmem>>
    %dma_wait3A_69 = arith.constant 0 : i32
    %dma_wait3A_70 = arith.constant 0 : i32
    %dma_wait3A_71 = tpu.memref_slice %arg4[%dma_wait3A_69, %dma_wait3A_70] : memref<10000x128xf32, #tpu.memory_space<hbm>> -> memref<10000x128xf32, #tpu.memory_space<hbm>>
    tpu.wait_indirect_dma semaphore(%arg18 : memref<!tpu.dma_semaphore, #tpu.memory_space<semaphore_mem>>) src(%dma_wait3A_71 : memref<10000x128xf32, #tpu.memory_space<hbm>>) dst(%arg11 : memref<40x128xf32, #tpu.memory_space<vmem>>)
    %dma_start3A_72 = arith.constant 9920 : i32
    %dma_start3A_73 = tpu.memref_slice %arg8[%dma_start3A_72] : memref<10000xi32, #tpu.memory_space<vmem>> -> memref<40xi32, #tpu.memory_space<vmem>>
    %dma_start3A_74 = arith.constant 0 : i32
    %dma_start3A_75 = arith.constant 0 : i32
    %dma_start3A_76 = tpu.memref_slice %arg15[%dma_start3A_74, %dma_start3A_75] : memref<10000x128xf32, #tpu.memory_space<vmem_shared>> -> memref<10000x128xf32, #tpu.memory_space<vmem_shared>>
    tpu.enqueue_indirect_dma source(%arg11 : memref<40x128xf32, #tpu.memory_space<vmem>>) target(%dma_start3A_76 : memref<10000x128xf32, #tpu.memory_space<vmem_shared>>) offsets(%dma_start3A_73 : memref<40xi32, #tpu.memory_space<vmem>>) semaphore(%arg18 : memref<!tpu.dma_semaphore, #tpu.memory_space<semaphore_mem>>) {add = true}
    %dma_wait3A_77 = arith.constant 9880 : i32
    %dma_wait3A_78 = tpu.memref_slice %arg8[%dma_wait3A_77] : memref<10000xi32, #tpu.memory_space<vmem>> -> memref<40xi32, #tpu.memory_space<vmem>>
    %dma_wait3A_79 = arith.constant 0 : i32
    %dma_wait3A_80 = arith.constant 0 : i32
    %dma_wait3A_81 = tpu.memref_slice %arg15[%dma_wait3A_79, %dma_wait3A_80] : memref<10000x128xf32, #tpu.memory_space<vmem_shared>> -> memref<10000x128xf32, #tpu.memory_space<vmem_shared>>
    tpu.wait_indirect_dma semaphore(%arg17 : memref<!tpu.dma_semaphore, #tpu.memory_space<semaphore_mem>>) src(%arg10 : memref<40x128xf32, #tpu.memory_space<vmem>>) dst(%dma_wait3A_81 : memref<10000x128xf32, #tpu.memory_space<vmem_shared>>)
    %dma_wait3A_82 = arith.constant 9960 : i32
    %dma_wait3A_83 = tpu.memref_slice %arg7[%dma_wait3A_82] : memref<10000xi32, #tpu.memory_space<vmem>> -> memref<40xi32, #tpu.memory_space<vmem>>
    %dma_wait3A_84 = arith.constant 0 : i32
    %dma_wait3A_85 = arith.constant 0 : i32
    %dma_wait3A_86 = tpu.memref_slice %arg4[%dma_wait3A_84, %dma_wait3A_85] : memref<10000x128xf32, #tpu.memory_space<hbm>> -> memref<10000x128xf32, #tpu.memory_space<hbm>>
    tpu.wait_indirect_dma semaphore(%arg19 : memref<!tpu.dma_semaphore, #tpu.memory_space<semaphore_mem>>) src(%dma_wait3A_86 : memref<10000x128xf32, #tpu.memory_space<hbm>>) dst(%arg12 : memref<40x128xf32, #tpu.memory_space<vmem>>)
    %dma_start3A_87 = arith.constant 9960 : i32
    %dma_start3A_88 = tpu.memref_slice %arg8[%dma_start3A_87] : memref<10000xi32, #tpu.memory_space<vmem>> -> memref<40xi32, #tpu.memory_space<vmem>>
    %dma_start3A_89 = arith.constant 0 : i32
    %dma_start3A_90 = arith.constant 0 : i32
    %dma_start3A_91 = tpu.memref_slice %arg15[%dma_start3A_89, %dma_start3A_90] : memref<10000x128xf32, #tpu.memory_space<vmem_shared>> -> memref<10000x128xf32, #tpu.memory_space<vmem_shared>>
    tpu.enqueue_indirect_dma source(%arg12 : memref<40x128xf32, #tpu.memory_space<vmem>>) target(%dma_start3A_91 : memref<10000x128xf32, #tpu.memory_space<vmem_shared>>) offsets(%dma_start3A_88 : memref<40xi32, #tpu.memory_space<vmem>>) semaphore(%arg19 : memref<!tpu.dma_semaphore, #tpu.memory_space<semaphore_mem>>) {add = true}
    %dma_wait3A_92 = arith.constant 9920 : i32
    %dma_wait3A_93 = tpu.memref_slice %arg8[%dma_wait3A_92] : memref<10000xi32, #tpu.memory_space<vmem>> -> memref<40xi32, #tpu.memory_space<vmem>>
    %dma_wait3A_94 = arith.constant 0 : i32
    %dma_wait3A_95 = arith.constant 0 : i32
    %dma_wait3A_96 = tpu.memref_slice %arg15[%dma_wait3A_94, %dma_wait3A_95] : memref<10000x128xf32, #tpu.memory_space<vmem_shared>> -> memref<10000x128xf32, #tpu.memory_space<vmem_shared>>
    tpu.wait_indirect_dma semaphore(%arg18 : memref<!tpu.dma_semaphore, #tpu.memory_space<semaphore_mem>>) src(%arg11 : memref<40x128xf32, #tpu.memory_space<vmem>>) dst(%dma_wait3A_96 : memref<10000x128xf32, #tpu.memory_space<vmem_shared>>)
    %dma_wait3A_97 = arith.constant 9960 : i32
    %dma_wait3A_98 = tpu.memref_slice %arg8[%dma_wait3A_97] : memref<10000xi32, #tpu.memory_space<vmem>> -> memref<40xi32, #tpu.memory_space<vmem>>
    %dma_wait3A_99 = arith.constant 0 : i32
    %dma_wait3A_100 = arith.constant 0 : i32
    %dma_wait3A_101 = tpu.memref_slice %arg15[%dma_wait3A_99, %dma_wait3A_100] : memref<10000x128xf32, #tpu.memory_space<vmem_shared>> -> memref<10000x128xf32, #tpu.memory_space<vmem_shared>>
    tpu.wait_indirect_dma semaphore(%arg19 : memref<!tpu.dma_semaphore, #tpu.memory_space<semaphore_mem>>) src(%arg12 : memref<40x128xf32, #tpu.memory_space<vmem>>) dst(%dma_wait3A_101 : memref<10000x128xf32, #tpu.memory_space<vmem_shared>>)
    %barrier3A_102 = arith.constant 0 : index
    tpu.barrier barrier_id(%barrier3A_102)
    %lt3A_103 = arith.constant 15 : i32
    %lt3A_104 = arith.cmpi slt, %arg1, %lt3A_103 : i32
    %convert_element_type3A_105 = arith.extui %lt3A_104 : i1 to i32
    %cond3A_106 = arith.constant 0 : i32
    %cond3A_107 = arith.cmpi ne, %convert_element_type3A_105, %cond3A_106 : i32
    scf.if %cond3A_107 {
      %mul3A_113 = arith.constant 632 : i32
      %mul3A_114 = arith.muli %arg1, %mul3A_113 : i32
      "tpu.region"() ({
        %run_scoped3A = tpu.sem_alloc : memref<!tpu.dma_semaphore, #tpu.memory_space<semaphore_mem>>
        %dma_start3A_115 = arith.constant 0 : i32
        %dma_start3A_116 = tpu.memref_slice %arg6[%arg0, %mul3A_114, %dma_start3A_115] : memref<2x10000x128xf32, #tpu.memory_space<hbm>> -> memref<1x632x128xf32, #tpu.memory_space<hbm>>
        %dma_start3A_117 = tpu.memref_squeeze %dma_start3A_116 : memref<1x632x128xf32, #tpu.memory_space<hbm>> -> memref<632x128xf32, #tpu.memory_space<hbm>>
        %dma_start3A_118 = arith.constant 0 : i32
        %dma_start3A_119 = tpu.memref_slice %arg15[%mul3A_114, %dma_start3A_118] : memref<10000x128xf32, #tpu.memory_space<vmem_shared>> -> memref<632x128xf32, #tpu.memory_space<vmem_shared>>
        tpu.enqueue_dma source(%dma_start3A_119 : memref<632x128xf32, #tpu.memory_space<vmem_shared>>) target(%dma_start3A_117 : memref<632x128xf32, #tpu.memory_space<hbm>>) target_semaphore(%run_scoped3A : memref<!tpu.dma_semaphore, #tpu.memory_space<semaphore_mem>>)
        %dma_wait3A_120 = arith.constant 0 : i32
        %dma_wait3A_121 = tpu.memref_slice %arg6[%arg0, %mul3A_114, %dma_wait3A_120] : memref<2x10000x128xf32, #tpu.memory_space<hbm>> -> memref<1x632x128xf32, #tpu.memory_space<hbm>>
        %dma_wait3A_122 = tpu.memref_squeeze %dma_wait3A_121 : memref<1x632x128xf32, #tpu.memory_space<hbm>> -> memref<632x128xf32, #tpu.memory_space<hbm>>
        %dma_wait3A_123 = arith.constant 0 : i32
        %dma_wait3A_124 = tpu.memref_slice %arg15[%mul3A_114, %dma_wait3A_123] : memref<10000x128xf32, #tpu.memory_space<vmem_shared>> -> memref<632x128xf32, #tpu.memory_space<vmem_shared>>
        tpu.wait_dma2 semaphore(%run_scoped3A : memref<!tpu.dma_semaphore, #tpu.memory_space<semaphore_mem>>) src(%dma_wait3A_124 : memref<632x128xf32, #tpu.memory_space<vmem_shared>>) dst(%dma_wait3A_122 : memref<632x128xf32, #tpu.memory_space<hbm>>)
        tpu.yield
      }) : () -> ()
    } else {
    }
    %eq3A_108 = arith.constant 15 : i32
    %eq3A_109 = arith.cmpi eq, %arg1, %eq3A_108 : i32
    %convert_element_type3A_110 = arith.extui %eq3A_109 : i1 to i32
    %cond3A_111 = arith.constant 0 : i32
    %cond3A_112 = arith.cmpi ne, %convert_element_type3A_110, %cond3A_111 : i32
    scf.if %cond3A_112 {
      "tpu.region"() ({
        %run_scoped3A = tpu.sem_alloc : memref<!tpu.dma_semaphore, #tpu.memory_space<semaphore_mem>>
        %dma_start3A_113 = arith.constant 9480 : i32
        %dma_start3A_114 = arith.constant 0 : i32
        %dma_start3A_115 = tpu.memref_slice %arg6[%arg0, %dma_start3A_113, %dma_start3A_114] : memref<2x10000x128xf32, #tpu.memory_space<hbm>> -> memref<1x520x128xf32, #tpu.memory_space<hbm>>
        %dma_start3A_116 = tpu.memref_squeeze %dma_start3A_115 : memref<1x520x128xf32, #tpu.memory_space<hbm>> -> memref<520x128xf32, #tpu.memory_space<hbm>>
        %dma_start3A_117 = arith.constant 9480 : i32
        %dma_start3A_118 = arith.constant 0 : i32
        %dma_start3A_119 = tpu.memref_slice %arg15[%dma_start3A_117, %dma_start3A_118] : memref<10000x128xf32, #tpu.memory_space<vmem_shared>> -> memref<520x128xf32, #tpu.memory_space<vmem_shared>>
        tpu.enqueue_dma source(%dma_start3A_119 : memref<520x128xf32, #tpu.memory_space<vmem_shared>>) target(%dma_start3A_116 : memref<520x128xf32, #tpu.memory_space<hbm>>) target_semaphore(%run_scoped3A : memref<!tpu.dma_semaphore, #tpu.memory_space<semaphore_mem>>)
        %dma_wait3A_120 = arith.constant 9480 : i32
        %dma_wait3A_121 = arith.constant 0 : i32
        %dma_wait3A_122 = tpu.memref_slice %arg6[%arg0, %dma_wait3A_120, %dma_wait3A_121] : memref<2x10000x128xf32, #tpu.memory_space<hbm>> -> memref<1x520x128xf32, #tpu.memory_space<hbm>>
        %dma_wait3A_123 = tpu.memref_squeeze %dma_wait3A_122 : memref<1x520x128xf32, #tpu.memory_space<hbm>> -> memref<520x128xf32, #tpu.memory_space<hbm>>
        %dma_wait3A_124 = arith.constant 9480 : i32
        %dma_wait3A_125 = arith.constant 0 : i32
        %dma_wait3A_126 = tpu.memref_slice %arg15[%dma_wait3A_124, %dma_wait3A_125] : memref<10000x128xf32, #tpu.memory_space<vmem_shared>> -> memref<520x128xf32, #tpu.memory_space<vmem_shared>>
        tpu.wait_dma2 semaphore(%run_scoped3A : memref<!tpu.dma_semaphore, #tpu.memory_space<semaphore_mem>>) src(%dma_wait3A_126 : memref<520x128xf32, #tpu.memory_space<vmem_shared>>) dst(%dma_wait3A_123 : memref<520x128xf32, #tpu.memory_space<hbm>>)
        tpu.yield
      }) : () -> ()
    } else {
    }
    return
  }
}

module attributes {stable_mosaic.version = 14 : i64} {
  func.func @body(%arg0: i32, %arg1: memref<1000x128xf32, #tpu.memory_space<vmem>>, %arg2: memref<1000x32xf32, #tpu.memory_space<vmem>>, %arg3: memref<1000x128xf32, #tpu.memory_space<vmem>>) attributes {dimension_semantics = [#tpu.dimension_semantics<arbitrary>], iteration_bounds = array<i64: 10>, scalar_prefetch = 0 : i64, scratch_operands = 0 : i64, tpu.core_type = #tpu.core_type<tc>, window_params = [{transform_indices = @transform_0, window_bounds = array<i64: 1000, 128>}, {transform_indices = @transform_1, window_bounds = array<i64: 1000, 32>}, {transform_indices = @transform_2, window_bounds = array<i64: 1000, 128>}]} {
    %get3A = arith.constant 0 : index
    %get3A_0 = arith.constant 0 : index
    %get3A_1 = vector.load %arg1[%get3A, %get3A_0] : memref<1000x128xf32, #tpu.memory_space<vmem>>, vector<1000x128xf32>
    %get3A_2 = arith.constant 0 : index
    %get3A_3 = arith.constant 0 : index
    %get3A_4 = vector.load %arg2[%get3A_2, %get3A_3] : memref<1000x32xf32, #tpu.memory_space<vmem>>, vector<1000x32xf32>
    %reduce_sum3A = arith.constant dense<0.000000e+00> : vector<1000xf32>
    %reduce_sum3A_5 = vector.multi_reduction <add>, %get3A_4, %reduce_sum3A [1] : vector<1000x32xf32> to vector<1000xf32>
    %broadcast_in_dim3A = vector.shape_cast %reduce_sum3A_5 : vector<1000xf32> to vector<1000x1xf32>
    %add3A = arith.constant 1.000000e+00 : f32
    %add3A_6 = vector.broadcast %add3A : f32 to vector<1000x1xf32>
    %add3A_7 = arith.addf %broadcast_in_dim3A, %add3A_6 : vector<1000x1xf32>
    %rsqrt3A = math.rsqrt %add3A_7 : vector<1000x1xf32>
    %mul3A = vector.broadcast %rsqrt3A : vector<1000x1xf32> to vector<1000x128xf32>
    %mul3A_8 = arith.mulf %get3A_1, %mul3A : vector<1000x128xf32>
    %swap3A = arith.constant 0 : index
    %swap3A_9 = arith.constant 0 : index
    %swap3A_10 = vector.load %arg3[%swap3A, %swap3A_9] : memref<1000x128xf32, #tpu.memory_space<vmem>>, vector<1000x128xf32>
    tpu.vector_store %arg3[%swap3A, %swap3A_9], %mul3A_8 {strides = array<i32>} : memref<1000x128xf32, #tpu.memory_space<vmem>>, vector<1000x128xf32>,
    return
  }
  func.func @transform_0(%arg0: i32) -> (i32, i32) {
    %c0_i32 = arith.constant 0 : i32
    %c0_i32_0 = arith.constant 0 : i32
    return %arg0, %c0_i32 : i32, i32
  }
  func.func @transform_1(%arg0: i32) -> (i32, i32) {
    %c0_i32 = arith.constant 0 : i32
    %c0_i32_0 = arith.constant 0 : i32
    return %arg0, %c0_i32 : i32, i32
  }
  func.func @transform_2(%arg0: i32) -> (i32, i32) {
    %c0_i32 = arith.constant 0 : i32
    %c0_i32_0 = arith.constant 0 : i32
    return %arg0, %c0_i32 : i32, i32
  }
}

module attributes {stable_mosaic.version = 14 : i64} {
  func.func @body(%arg0: i32, %arg1: memref<2x1000x128xf32, #tpu.memory_space<vmem>>, %arg2: memref<1000x128xf32, #tpu.memory_space<vmem>>, %arg3: memref<1000x32xf32, #tpu.memory_space<vmem>>, %arg4: memref<128x160xf32, #tpu.memory_space<vmem>>, %arg5: memref<1x160xf32, #tpu.memory_space<vmem>>, %arg6: memref<160x80xf32, #tpu.memory_space<vmem>>, %arg7: memref<1000x128xf32, #tpu.memory_space<vmem>>) attributes {dimension_semantics = [#tpu.dimension_semantics<arbitrary>], iteration_bounds = array<i64: 10>, scalar_prefetch = 0 : i64, scratch_operands = 0 : i64, tpu.core_type = #tpu.core_type<tc>, window_params = [{transform_indices = @transform_0, window_bounds = array<i64: 2, 1000, 128>}, {transform_indices = @transform_1, window_bounds = array<i64: 1000, 128>}, {transform_indices = @transform_2, window_bounds = array<i64: 1000, 32>}, {pipeline_mode = #tpu.pipeline_mode<synchronous>, transform_indices = @transform_3, window_bounds = array<i64: 128, 160>}, {pipeline_mode = #tpu.pipeline_mode<synchronous>, transform_indices = @transform_4, window_bounds = array<i64: 1, 160>}, {pipeline_mode = #tpu.pipeline_mode<synchronous>, transform_indices = @transform_5, window_bounds = array<i64: 160, 80>}, {transform_indices = @transform_6, window_bounds = array<i64: 1000, 128>}]} {
    %get3A = arith.constant 0 : index
    %get3A_0 = arith.constant 0 : index
    %get3A_1 = vector.load %arg3[%get3A, %get3A_0] : memref<1000x32xf32, #tpu.memory_space<vmem>>, vector<1000x32xf32>
    %reduce_sum3A = arith.constant dense<0.000000e+00> : vector<1000xf32>
    %reduce_sum3A_2 = vector.multi_reduction <add>, %get3A_1, %reduce_sum3A [1] : vector<1000x32xf32> to vector<1000xf32>
    %broadcast_in_dim3A = vector.shape_cast %reduce_sum3A_2 : vector<1000xf32> to vector<1000x1xf32>
    %add3A = arith.constant 1.000000e+00 : f32
    %add3A_3 = vector.broadcast %add3A : f32 to vector<1000x1xf32>
    %add3A_4 = arith.addf %broadcast_in_dim3A, %add3A_3 : vector<1000x1xf32>
    %rsqrt3A = math.rsqrt %add3A_4 : vector<1000x1xf32>
    %get3A_5 = arith.constant 0 : index
    %get3A_6 = arith.constant 0 : index
    %get3A_7 = arith.constant 0 : index
    %get3A_8 = vector.load %arg1[%get3A_5, %get3A_6, %get3A_7] : memref<2x1000x128xf32, #tpu.memory_space<vmem>>, vector<1x1000x128xf32>
    %get3A_9 = vector.shape_cast %get3A_8 : vector<1x1000x128xf32> to vector<1000x128xf32>
    %get3A_10 = arith.constant 1 : index
    %get3A_11 = arith.constant 0 : index
    %get3A_12 = arith.constant 0 : index
    %get3A_13 = vector.load %arg1[%get3A_10, %get3A_11, %get3A_12] : memref<2x1000x128xf32, #tpu.memory_space<vmem>>, vector<1x1000x128xf32>
    %get3A_14 = vector.shape_cast %get3A_13 : vector<1x1000x128xf32> to vector<1000x128xf32>
    %add3A_15 = arith.addf %get3A_9, %get3A_14 : vector<1000x128xf32>
    %get3A_16 = arith.constant 0 : index
    %get3A_17 = arith.constant 0 : index
    %get3A_18 = vector.load %arg2[%get3A_16, %get3A_17] : memref<1000x128xf32, #tpu.memory_space<vmem>>, vector<1000x128xf32>
    %add3A_19 = arith.addf %add3A_15, %get3A_18 : vector<1000x128xf32>
    %mul3A = vector.broadcast %rsqrt3A : vector<1000x1xf32> to vector<1000x128xf32>
    %mul3A_20 = arith.mulf %add3A_19, %mul3A : vector<1000x128xf32>
    %get3A_21 = arith.constant 0 : index
    %get3A_22 = arith.constant 0 : index
    %get3A_23 = vector.load %arg4[%get3A_21, %get3A_22] : memref<128x160xf32, #tpu.memory_space<vmem>>, vector<128x160xf32>
    %dot_general3A = arith.constant dense<0.000000e+00> : vector<1000x160xf32>
    %dot_general3A_24 = tpu.matmul %mul3A_20, %get3A_23, %dot_general3A {dimension_numbers = #tpu.dot_dimension_numbers<[1], [0], [0], [1], [0, 0, 1, 1], [], []>, transpose_lhs_hint = false} : vector<1000x128xf32>, vector<128x160xf32>, vector<1000x160xf32> -> vector<1000x160xf32>
    %get3A_25 = arith.constant 0 : index
    %get3A_26 = arith.constant 0 : index
    %get3A_27 = vector.load %arg5[%get3A_25, %get3A_26] : memref<1x160xf32, #tpu.memory_space<vmem>>, vector<1x160xf32>
    %add3A_28 = vector.broadcast %get3A_27 : vector<1x160xf32> to vector<1000x160xf32>
    %add3A_29 = arith.addf %dot_general3A_24, %add3A_28 : vector<1000x160xf32>
    %max3A = arith.constant 0.000000e+00 : f32
    %max3A_30 = vector.broadcast %max3A : f32 to vector<1000x160xf32>
    %max3A_31 = arith.maximumf %add3A_29, %max3A_30 : vector<1000x160xf32>
    %get3A_32 = arith.constant 0 : index
    %get3A_33 = arith.constant 0 : index
    %get3A_34 = vector.load %arg6[%get3A_32, %get3A_33] : memref<160x80xf32, #tpu.memory_space<vmem>>, vector<160x80xf32>
    %dot_general3A_35 = arith.constant dense<0.000000e+00> : vector<1000x80xf32>
    %dot_general3A_36 = tpu.matmul %max3A_31, %get3A_34, %dot_general3A_35 {dimension_numbers = #tpu.dot_dimension_numbers<[1], [0], [0], [1], [0, 0, 1, 1], [], []>, transpose_lhs_hint = false} : vector<1000x160xf32>, vector<160x80xf32>, vector<1000x80xf32> -> vector<1000x80xf32>
    %mul3A_37 = vector.broadcast %rsqrt3A : vector<1000x1xf32> to vector<1000x80xf32>
    %mul3A_38 = arith.mulf %dot_general3A_36, %mul3A_37 : vector<1000x80xf32>
    %broadcast_in_dim3A_39 = arith.constant 0.000000e+00 : f32
    %broadcast_in_dim3A_40 = vector.broadcast %broadcast_in_dim3A_39 : f32 to vector<1000x48xf32>
    %concatenate3A = tpu.concatenate %mul3A_38, %broadcast_in_dim3A_40 in 1 : vector<1000x80xf32>, vector<1000x48xf32> -> vector<1000x128xf32>
    %swap3A = arith.constant 0 : index
    %swap3A_41 = arith.constant 0 : index
    %swap3A_42 = vector.load %arg7[%swap3A, %swap3A_41] : memref<1000x128xf32, #tpu.memory_space<vmem>>, vector<1000x128xf32>
    tpu.vector_store %arg7[%swap3A, %swap3A_41], %concatenate3A {strides = array<i32>} : memref<1000x128xf32, #tpu.memory_space<vmem>>, vector<1000x128xf32>,
    return
  }
  func.func @transform_0(%arg0: i32) -> (i32, i32, i32) {
    %c0_i32 = arith.constant 0 : i32
    %c0_i32_0 = arith.constant 0 : i32
    %c0_i32_1 = arith.constant 0 : i32
    return %c0_i32, %arg0, %c0_i32_0 : i32, i32, i32
  }
  func.func @transform_1(%arg0: i32) -> (i32, i32) {
    %c0_i32 = arith.constant 0 : i32
    %c0_i32_0 = arith.constant 0 : i32
    return %arg0, %c0_i32 : i32, i32
  }
  func.func @transform_2(%arg0: i32) -> (i32, i32) {
    %c0_i32 = arith.constant 0 : i32
    %c0_i32_0 = arith.constant 0 : i32
    return %arg0, %c0_i32 : i32, i32
  }
  func.func @transform_3(%arg0: i32) -> (i32, i32) {
    %c0_i32 = arith.constant 0 : i32
    %c0_i32_0 = arith.constant 0 : i32
    %c0_i32_1 = arith.constant 0 : i32
    return %c0_i32, %c0_i32_0 : i32, i32
  }
  func.func @transform_4(%arg0: i32) -> (i32, i32) {
    %c0_i32 = arith.constant 0 : i32
    %c0_i32_0 = arith.constant 0 : i32
    %c0_i32_1 = arith.constant 0 : i32
    return %c0_i32, %c0_i32_0 : i32, i32
  }
  func.func @transform_5(%arg0: i32) -> (i32, i32) {
    %c0_i32 = arith.constant 0 : i32
    %c0_i32_0 = arith.constant 0 : i32
    %c0_i32_1 = arith.constant 0 : i32
    return %c0_i32, %c0_i32_0 : i32, i32
  }
  func.func @transform_6(%arg0: i32) -> (i32, i32) {
    %c0_i32 = arith.constant 0 : i32
    %c0_i32_0 = arith.constant 0 : i32
    return %arg0, %c0_i32 : i32, i32
  }
}

module attributes {stable_mosaic.version = 14 : i64} {
  func.func @body(%arg0: i32, %arg1: memref<2x1000x128xf32, #tpu.memory_space<vmem>>, %arg2: memref<1000x128xf32, #tpu.memory_space<vmem>>, %arg3: memref<1000x32xf32, #tpu.memory_space<vmem>>, %arg4: memref<1x80xf32, #tpu.memory_space<vmem>>, %arg5: memref<1x1x1000xi32, #tpu.memory_space<vmem>>, %arg6: memref<80x64xf32, #tpu.memory_space<vmem>>, %arg7: memref<1x64xf32, #tpu.memory_space<vmem>>, %arg8: memref<64x64xf32, #tpu.memory_space<vmem>>, %arg9: memref<64x80xf32, #tpu.memory_space<vmem>>, %arg10: memref<64x80xf32, #tpu.memory_space<vmem>>) attributes {dimension_semantics = [#tpu.dimension_semantics<arbitrary>], iteration_bounds = array<i64: 10>, scalar_prefetch = 0 : i64, scratch_operands = 2 : i64, tpu.core_type = #tpu.core_type<tc>, window_params = [{transform_indices = @transform_0, window_bounds = array<i64: 2, 1000, 128>}, {transform_indices = @transform_1, window_bounds = array<i64: 1000, 128>}, {transform_indices = @transform_2, window_bounds = array<i64: 1000, 32>}, {pipeline_mode = #tpu.pipeline_mode<synchronous>, transform_indices = @transform_3, window_bounds = array<i64: 1, 80>}, {transform_indices = @transform_4, window_bounds = array<i64: 1, 1, 1000>}, {pipeline_mode = #tpu.pipeline_mode<synchronous>, transform_indices = @transform_5, window_bounds = array<i64: 80, 64>}, {pipeline_mode = #tpu.pipeline_mode<synchronous>, transform_indices = @transform_6, window_bounds = array<i64: 1, 64>}, {pipeline_mode = #tpu.pipeline_mode<synchronous>, transform_indices = @transform_7, window_bounds = array<i64: 64, 64>}]} {
    %eq3A = arith.constant 0 : i32
    %eq3A_0 = arith.cmpi eq, %arg0, %eq3A : i32
    %convert_element_type3A = arith.extui %eq3A_0 : i1 to i32
    %cond3A = arith.constant 0 : i32
    %cond3A_1 = arith.cmpi ne, %convert_element_type3A, %cond3A : i32
    scf.if %cond3A_1 {
      %broadcast_in_dim3A_64 = arith.constant 0.000000e+00 : f32
      %broadcast_in_dim3A_65 = vector.broadcast %broadcast_in_dim3A_64 : f32 to vector<64x80xf32>
      %swap3A_66 = arith.constant 0 : index
      %swap3A_67 = arith.constant 0 : index
      %swap3A_68 = vector.load %arg9[%swap3A_66, %swap3A_67] : memref<64x80xf32, #tpu.memory_space<vmem>>, vector<64x80xf32>
      tpu.vector_store %arg9[%swap3A_66, %swap3A_67], %broadcast_in_dim3A_65 {strides = array<i32>} : memref<64x80xf32, #tpu.memory_space<vmem>>, vector<64x80xf32>,
      %broadcast_in_dim3A_69 = arith.constant 0.000000e+00 : f32
      %broadcast_in_dim3A_70 = vector.broadcast %broadcast_in_dim3A_69 : f32 to vector<64x80xf32>
      %swap3A_71 = arith.constant 0 : index
      %swap3A_72 = arith.constant 0 : index
      %swap3A_73 = vector.load %arg10[%swap3A_71, %swap3A_72] : memref<64x80xf32, #tpu.memory_space<vmem>>, vector<64x80xf32>
      tpu.vector_store %arg10[%swap3A_71, %swap3A_72], %broadcast_in_dim3A_70 {strides = array<i32>} : memref<64x80xf32, #tpu.memory_space<vmem>>, vector<64x80xf32>,
    } else {
    }
    %get3A = arith.constant 0 : index
    %get3A_2 = arith.constant 0 : index
    %get3A_3 = vector.load %arg3[%get3A, %get3A_2] : memref<1000x32xf32, #tpu.memory_space<vmem>>, vector<1000x32xf32>
    %reduce_sum3A = arith.constant dense<0.000000e+00> : vector<1000xf32>
    %reduce_sum3A_4 = vector.multi_reduction <add>, %get3A_3, %reduce_sum3A [1] : vector<1000x32xf32> to vector<1000xf32>
    %broadcast_in_dim3A = vector.shape_cast %reduce_sum3A_4 : vector<1000xf32> to vector<1000x1xf32>
    %add3A = arith.constant 1.000000e+00 : f32
    %add3A_5 = vector.broadcast %add3A : f32 to vector<1000x1xf32>
    %add3A_6 = arith.addf %broadcast_in_dim3A, %add3A_5 : vector<1000x1xf32>
    %rsqrt3A = math.rsqrt %add3A_6 : vector<1000x1xf32>
    %get3A_7 = arith.constant 0 : index
    %get3A_8 = arith.constant 0 : index
    %get3A_9 = arith.constant 0 : index
    %get3A_10 = vector.load %arg1[%get3A_7, %get3A_8, %get3A_9] : memref<2x1000x128xf32, #tpu.memory_space<vmem>>, vector<1x1000x80xf32>
    %get3A_11 = vector.shape_cast %get3A_10 : vector<1x1000x80xf32> to vector<1000x80xf32>
    %get3A_12 = arith.constant 1 : index
    %get3A_13 = arith.constant 0 : index
    %get3A_14 = arith.constant 0 : index
    %get3A_15 = vector.load %arg1[%get3A_12, %get3A_13, %get3A_14] : memref<2x1000x128xf32, #tpu.memory_space<vmem>>, vector<1x1000x80xf32>
    %get3A_16 = vector.shape_cast %get3A_15 : vector<1x1000x80xf32> to vector<1000x80xf32>
    %add3A_17 = arith.addf %get3A_11, %get3A_16 : vector<1000x80xf32>
    %get3A_18 = arith.constant 0 : index
    %get3A_19 = arith.constant 0 : index
    %get3A_20 = vector.load %arg2[%get3A_18, %get3A_19] : memref<1000x128xf32, #tpu.memory_space<vmem>>, vector<1000x80xf32>
    %add3A_21 = arith.addf %add3A_17, %get3A_20 : vector<1000x80xf32>
    %mul3A = vector.broadcast %rsqrt3A : vector<1000x1xf32> to vector<1000x80xf32>
    %mul3A_22 = arith.mulf %add3A_21, %mul3A : vector<1000x80xf32>
    %get3A_23 = arith.constant 0 : index
    %get3A_24 = arith.constant 0 : index
    %get3A_25 = vector.load %arg4[%get3A_23, %get3A_24] : memref<1x80xf32, #tpu.memory_space<vmem>>, vector<1x80xf32>
    %add3A_26 = vector.broadcast %get3A_25 : vector<1x80xf32> to vector<1000x80xf32>
    %add3A_27 = arith.addf %mul3A_22, %add3A_26 : vector<1000x80xf32>
    %max3A = arith.constant 0.000000e+00 : f32
    %max3A_28 = vector.broadcast %max3A : f32 to vector<1000x80xf32>
    %max3A_29 = arith.maximumf %add3A_27, %max3A_28 : vector<1000x80xf32>
    %get3A_30 = arith.constant 0 : index
    %get3A_31 = arith.constant 0 : index
    %get3A_32 = arith.constant 0 : index
    %get3A_33 = vector.load %arg5[%get3A_30, %get3A_31, %get3A_32] : memref<1x1x1000xi32, #tpu.memory_space<vmem>>, vector<1x1x1000xi32>
    %get3A_34 = vector.shape_cast %get3A_33 : vector<1x1x1000xi32> to vector<1000xi32>
    %iota3A = tpu.iota {dimensions = array<i32: 0>} : vector<64x1000xi32>
    %broadcast_in_dim3A_35 = vector.shape_cast %get3A_34 : vector<1000xi32> to vector<1x1000xi32>
    %eq3A_36 = vector.broadcast %broadcast_in_dim3A_35 : vector<1x1000xi32> to vector<64x1000xi32>
    %eq3A_37 = arith.cmpi eq, %eq3A_36, %iota3A : vector<64x1000xi32>
    %convert_element_type3A_38 = arith.extui %eq3A_37 : vector<64x1000xi1> to vector<64x1000xi32>
    %convert_element_type3A_39 = arith.sitofp %convert_element_type3A_38 : vector<64x1000xi32> to vector<64x1000xf32>
    %get3A_40 = arith.constant 0 : index
    %get3A_41 = arith.constant 0 : index
    %get3A_42 = vector.load %arg9[%get3A_40, %get3A_41] : memref<64x80xf32, #tpu.memory_space<vmem>>, vector<64x80xf32>
    %dot_general3A = arith.constant dense<0.000000e+00> : vector<64x80xf32>
    %dot_general3A_43 = tpu.matmul %convert_element_type3A_39, %max3A_29, %dot_general3A {dimension_numbers = #tpu.dot_dimension_numbers<[1], [0], [0], [1], [0, 0, 1, 1], [], []>, transpose_lhs_hint = false} : vector<64x1000xf32>, vector<1000x80xf32>, vector<64x80xf32> -> vector<64x80xf32>
    %add3A_44 = arith.addf %get3A_42, %dot_general3A_43 : vector<64x80xf32>
    %swap3A = arith.constant 0 : index
    %swap3A_45 = arith.constant 0 : index
    %swap3A_46 = vector.load %arg9[%swap3A, %swap3A_45] : memref<64x80xf32, #tpu.memory_space<vmem>>, vector<64x80xf32>
    tpu.vector_store %arg9[%swap3A, %swap3A_45], %add3A_44 {strides = array<i32>} : memref<64x80xf32, #tpu.memory_space<vmem>>, vector<64x80xf32>,
    %reduce_sum3A_47 = arith.constant dense<0.000000e+00> : vector<64xf32>
    %reduce_sum3A_48 = vector.multi_reduction <add>, %convert_element_type3A_39, %reduce_sum3A_47 [1] : vector<64x1000xf32> to vector<64xf32>
    %broadcast_in_dim3A_49 = vector.shape_cast %reduce_sum3A_48 : vector<64xf32> to vector<64x1xf32>
    %get3A_50 = arith.constant 0 : index
    %get3A_51 = arith.constant 0 : index
    %get3A_52 = vector.load %arg10[%get3A_50, %get3A_51] : memref<64x80xf32, #tpu.memory_space<vmem>>, vector<64x80xf32>
    %broadcast_in_dim3A_53 = vector.shape_cast %broadcast_in_dim3A_49 : vector<64x1xf32> to vector<64x1xf32>
    %broadcast_in_dim3A_54 = vector.broadcast %broadcast_in_dim3A_53 : vector<64x1xf32> to vector<64x80xf32>
    %add3A_55 = arith.addf %get3A_52, %broadcast_in_dim3A_54 : vector<64x80xf32>
    %swap3A_56 = arith.constant 0 : index
    %swap3A_57 = arith.constant 0 : index
    %swap3A_58 = vector.load %arg10[%swap3A_56, %swap3A_57] : memref<64x80xf32, #tpu.memory_space<vmem>>, vector<64x80xf32>
    tpu.vector_store %arg10[%swap3A_56, %swap3A_57], %add3A_55 {strides = array<i32>} : memref<64x80xf32, #tpu.memory_space<vmem>>, vector<64x80xf32>,
    %eq3A_59 = arith.constant 9 : i32
    %eq3A_60 = arith.cmpi eq, %arg0, %eq3A_59 : i32
    %convert_element_type3A_61 = arith.extui %eq3A_60 : i1 to i32
    %cond3A_62 = arith.constant 0 : i32
    %cond3A_63 = arith.cmpi ne, %convert_element_type3A_61, %cond3A_62 : i32
    scf.if %cond3A_63 {
      %get3A_64 = arith.constant 0 : index
      %get3A_65 = arith.constant 0 : index
      %get3A_66 = vector.load %arg9[%get3A_64, %get3A_65] : memref<64x80xf32, #tpu.memory_space<vmem>>, vector<64x80xf32>
      %get3A_67 = arith.constant 0 : index
      %get3A_68 = arith.constant 0 : index
      %get3A_69 = vector.load %arg10[%get3A_67, %get3A_68] : memref<64x80xf32, #tpu.memory_space<vmem>>, vector<64x1xf32>
      %max3A_70 = arith.constant 1.000000e+00 : f32
      %max3A_71 = vector.broadcast %max3A_70 : f32 to vector<64x1xf32>
      %max3A_72 = arith.maximumf %get3A_69, %max3A_71 : vector<64x1xf32>
      %div3A = vector.broadcast %max3A_72 : vector<64x1xf32> to vector<64x80xf32>
      %div3A_73 = arith.divf %get3A_66, %div3A : vector<64x80xf32>
      %get3A_74 = arith.constant 0 : index
      %get3A_75 = arith.constant 0 : index
      %get3A_76 = vector.load %arg6[%get3A_74, %get3A_75] : memref<80x64xf32, #tpu.memory_space<vmem>>, vector<80x64xf32>
      %dot_general3A_77 = arith.constant dense<0.000000e+00> : vector<64x64xf32>
      %dot_general3A_78 = tpu.matmul %div3A_73, %get3A_76, %dot_general3A_77 {dimension_numbers = #tpu.dot_dimension_numbers<[1], [0], [0], [1], [0, 0, 1, 1], [], []>, transpose_lhs_hint = false} : vector<64x80xf32>, vector<80x64xf32>, vector<64x64xf32> -> vector<64x64xf32>
      %get3A_79 = arith.constant 0 : index
      %get3A_80 = arith.constant 0 : index
      %get3A_81 = vector.load %arg7[%get3A_79, %get3A_80] : memref<1x64xf32, #tpu.memory_space<vmem>>, vector<1x64xf32>
      %add3A_82 = vector.broadcast %get3A_81 : vector<1x64xf32> to vector<64x64xf32>
      %add3A_83 = arith.addf %dot_general3A_78, %add3A_82 : vector<64x64xf32>
      %swap3A_84 = arith.constant 0 : index
      %swap3A_85 = arith.constant 0 : index
      %swap3A_86 = vector.load %arg8[%swap3A_84, %swap3A_85] : memref<64x64xf32, #tpu.memory_space<vmem>>, vector<64x64xf32>
      tpu.vector_store %arg8[%swap3A_84, %swap3A_85], %add3A_83 {strides = array<i32>} : memref<64x64xf32, #tpu.memory_space<vmem>>, vector<64x64xf32>,
    } else {
    }
    return
  }
  func.func @transform_0(%arg0: i32) -> (i32, i32, i32) {
    %c0_i32 = arith.constant 0 : i32
    %c0_i32_0 = arith.constant 0 : i32
    %c0_i32_1 = arith.constant 0 : i32
    return %c0_i32, %arg0, %c0_i32_0 : i32, i32, i32
  }
  func.func @transform_1(%arg0: i32) -> (i32, i32) {
    %c0_i32 = arith.constant 0 : i32
    %c0_i32_0 = arith.constant 0 : i32
    return %arg0, %c0_i32 : i32, i32
  }
  func.func @transform_2(%arg0: i32) -> (i32, i32) {
    %c0_i32 = arith.constant 0 : i32
    %c0_i32_0 = arith.constant 0 : i32
    return %arg0, %c0_i32 : i32, i32
  }
  func.func @transform_3(%arg0: i32) -> (i32, i32) {
    %c0_i32 = arith.constant 0 : i32
    %c0_i32_0 = arith.constant 0 : i32
    %c0_i32_1 = arith.constant 0 : i32
    return %c0_i32, %c0_i32_0 : i32, i32
  }
  func.func @transform_4(%arg0: i32) -> (i32, i32, i32) {
    %c0_i32 = arith.constant 0 : i32
    %c0_i32_0 = arith.constant 0 : i32
    %c0_i32_1 = arith.constant 0 : i32
    return %arg0, %c0_i32, %c0_i32_0 : i32, i32, i32
  }
  func.func @transform_5(%arg0: i32) -> (i32, i32) {
    %c0_i32 = arith.constant 0 : i32
    %c0_i32_0 = arith.constant 0 : i32
    %c0_i32_1 = arith.constant 0 : i32
    return %c0_i32, %c0_i32_0 : i32, i32
  }
  func.func @transform_6(%arg0: i32) -> (i32, i32) {
    %c0_i32 = arith.constant 0 : i32
    %c0_i32_0 = arith.constant 0 : i32
    %c0_i32_1 = arith.constant 0 : i32
    return %c0_i32, %c0_i32_0 : i32, i32
  }
  func.func @transform_7(%arg0: i32) -> (i32, i32) {
    %c0_i32 = arith.constant 0 : i32
    %c0_i32_0 = arith.constant 0 : i32
    %c0_i32_1 = arith.constant 0 : i32
    return %c0_i32, %c0_i32_0 : i32, i32
  }
}

</mosaic_0001>

<sc_bundles>
// kernel: kernel.11.cloned.1.call-start
scs
__scs_entry_jumppad:
0x0: {  	(pc) =	sbr.rel $0x88, $3  }
0x1: {  	(tag) =	ssettag $0x0;
	lr =	simm.s32 $0x1  }
0x2: {  	[smem:$0x3F98] =	sst lr;
	_ =	strace $0xD0000000  }
0x3: {  	_ = 	snop  }
0x4: {  	_ = 	snop  }
0x5: {  	_ = 	snop  }
0x6: {  	_ = 	snop  }
0x7: {  	_ = 	snop  }
__scs_overlays_trampoline_lowered:
0x8: {  	[smem:$0x3FA7] =	sst s0  }
0x9: {  	[smem:$0x3FA8] =	sst s1  }
0xa: {  	[smem:$0x3FA9] =	sst s2  }
0xb: {  	[smem:$0x3FAA] =	sst s3  }
0xc: {  	[smem:$0x3FAB] =	sst s4  }
0xd: {  	[smem:$0x3FAC] =	sst s5  }
0xe: {  	[smem:$0x3FAD] =	sst s6  }
0xf: {  	[smem:$0x3FAE] =	sst s7  }
0x10: {  	[smem:$0x3FAF] =	sst s8  }
0x11: {  	[smem:$0x3FB0] =	sst s9;
	s0 =	simm.s32 @!p0 $0x0  }
0x12: {  	s1 =	sld [smem:$0x3F96];
	s0 =	simm.s32 @p0 $0x1  }
0x13: {  	[smem:$0x3FB1] =	sst s0;
	s0 =	simm.s32 @!p1 $0x0  }
0x14: {  	s2 =	sld [smem:$0x3F95];
	s0 =	simm.s32 @p1 $0x1  }
0x15: {  	[smem:$0x3FB2] =	sst s0;
	s0 =	simm.s32 @!p2 $0x0  }
0x16: {  	s3 =	sld [smem:$0x3FDB];
	s0 =	simm.s32 @p2 $0x1  }
0x17: {  	s4 =	simm.s32 $0x1BF5;
	[smem:$0x3FB4] =	sst s0  }
0x18: {  	s0 =	sld [smem:$0x3F97];
	_ =	swait.ge [sflag:s4], $0x0  }
0x19: {  	s7 =	sld [smem:$0x3F98]  }
0x1a: {  	s8 =	sadd.s32 $0xFFFFE003, lr  }
0x1b: {  	s9 =	sadd.s32 $0xFFFFFEF7, lr;
	s5 =	simm.s32 $0xFFFFFFFF;
	p2 =	slt.u32 s8, $0xFFFFF086  }
0x1c: {  	p1 =	slt.u32 s9, $0xF7A;
	s5 =	simm.s32 @!p2 $0x0  }
0x1d: {  	s5 =	simm.s32 @p1 $0x1;
	p0 =	seq.s32 s7, s2  }
0x1e: {  	s7 =	smul.u32 @!p0 $0xF7A, s2;
	p2 =	seq.s32 @!p0 s5, $0x0  }
0x1f: {  	s9 =	smul.u32 $0xF7A, s1;
	s8 =	simm.s32 @!p0 $0x1BF5;
	p2 =	por !p2, p0  }
0x20: {  	[sflag:s8] =	ssyncset.s32 @!p0 $0xFFFFF086;
	s6 =	sadd.s32 @!p0 s3, s7;
	s7 =	simm.s32 @!p0 $0x108  }
0x21: {  	s3 =	sadd.s32 s3, s9;
	s6 =	sadd.s32 @!p0 $0x88, s6;
	s7 =	simm.s32 @p2 $0x1082  }
0x22: {  	[simem:s7], [sflag:s8] =	dma.local @!p0 [hbm:s6], $0xF7A  }
0x23: {  	s9 =	sor.u32 $0xD0000000, s2;
	s6 =	simm.s32 $0x108;
	_ =	swait.ge @!p0 [sflag:s8], $0x0  }
0x24: {  	s3 =	sadd.s32 $0x88, s3;
	s6 =	simm.s32 @!p1 $0x1082;
	[sflag:s4] =	ssyncset.s32 $0xFFFFF086  }
0x25: {  	[simem:s6], [sflag:s4] =	dma.local [hbm:s3], $0xF7A  }
0x26: {  	[smem:$0x3F98] =	sst s1;
	(tag) =	ssettag s2;
	_ =	strace s9  }
0x27: {  	s1 =	sld [smem:$0x3FA8]  }
0x28: {  	s2 =	sld [smem:$0x3FA9]  }
0x29: {  	s4 =	sld [smem:$0x3FAB]  }
0x2a: {  	p0 =	seq.s32 s5, $0x0;
	s5 =	sld [smem:$0x3FAC]  }
0x2b: {  	s6 =	sld [smem:$0x3FAD]  }
0x2c: {  	s7 =	sld [smem:$0x3FAE]  }
0x2d: {  	s3 =	simm.s32 $0x108;
	s8 =	sld [smem:$0x3FAF]  }
0x2e: {  	s3 =	simm.s32 @!p0 $0x1082;
	s9 =	sld [smem:$0x3FB0]  }
0x2f: {  	lr =	sadd.s32 s0, s3;
	s0 =	sld [smem:$0x3FA7]  }
0x30: {  	s3 =	sld [smem:$0x3FAA]  }
0x31: {  	[smem:$0x3FB3] =	sst s10  }
0x32: {  	s10 =	sld [smem:$0x3FB1];
	_ =	sdelay $0x3  }
0x33: {  	p0 =	seq.s32 s10, $0x1;
	s10 =	sld [smem:$0x3FB3];
	_ =	sdelay $0x3  }
0x34: {  	[smem:$0x3FB3] =	sst s10  }
0x35: {  	s10 =	sld [smem:$0x3FB2];
	_ =	sdelay $0x3  }
0x36: {  	p1 =	seq.s32 s10, $0x1;
	s10 =	sld [smem:$0x3FB3];
	_ =	sdelay $0x3  }
0x37: {  	[smem:$0x3FB3] =	sst s10  }
0x38: {  	s10 =	sld [smem:$0x3FB4]  }
0x39: {  	_ = 	snop;
	(pc) =	sbr.ind lr, $3  }
0x3a: {  	_ = 	snop  }
0x3b: {  	_ = 	snop  }
0x3c: {  	p2 =	seq.s32 s10, $0x1;
	s10 =	sld [smem:$0x3FB3]  }
0x3d: {  	_ =	shalt  }
0x3e: {  	_ =	shalt  }
0x3f: {  	_ =	shalt  }
0x40: {  	_ =	shalt  }
0x41: {  	_ =	shalt  }
0x42: {  	_ =	shalt  }
0x43: {  	_ =	shalt  }
0x44: {  	_ =	shalt  }
0x45: {  	_ =	shalt  }
0x46: {  	_ =	shalt  }
0x47: {  	_ =	shalt  }
0x48: {  	_ =	shalt  }
0x49: {  	_ =	shalt  }
0x4a: {  	_ =	shalt  }
0x4b: {  	_ =	shalt  }
0x4c: {  	_ =	shalt  }
0x4d: {  	_ =	shalt  }
0x4e: {  	_ =	shalt  }
0x4f: {  	_ =	shalt  }
0x50: {  	_ =	shalt  }
0x51: {  	_ =	shalt  }
0x52: {  	_ =	shalt  }
0x53: {  	_ =	shalt  }
0x54: {  	_ =	shalt  }
0x55: {  	_ =	shalt  }
0x56: {  	_ =	shalt  }
0x57: {  	_ =	shalt  }
0x58: {  	_ =	shalt  }
0x59: {  	_ =	shalt  }
0x5a: {  	_ =	shalt  }
0x5b: {  	_ =	shalt  }
0x5c: {  	_ =	shalt  }
0x5d: {  	_ =	shalt  }
0x5e: {  	_ =	shalt  }
0x5f: {  	_ =	shalt  }
0x60: {  	_ =	shalt  }
0x61: {  	_ =	shalt  }
0x62: {  	_ =	shalt  }
0x63: {  	_ =	shalt  }
0x64: {  	_ =	shalt  }
0x65: {  	_ =	shalt  }
0x66: {  	_ =	shalt  }
0x67: {  	_ =	shalt  }
0x68: {  	_ =	shalt  }
0x69: {  	_ =	shalt  }
0x6a: {  	_ =	shalt  }
0x6b: {  	_ =	shalt  }
0x6c: {  	_ =	shalt  }
0x6d: {  	_ =	shalt  }
0x6e: {  	_ =	shalt  }
0x6f: {  	_ =	shalt  }
0x70: {  	_ =	shalt  }
0x71: {  	_ =	shalt  }
0x72: {  	_ =	shalt  }
0x73: {  	_ =	shalt  }
0x74: {  	_ =	shalt  }
0x75: {  	_ =	shalt  }
0x76: {  	_ =	shalt  }
0x77: {  	_ =	shalt  }
0x78: {  	_ =	shalt  }
0x79: {  	_ =	shalt  }
0x7a: {  	_ =	shalt  }
0x7b: {  	_ =	shalt  }
0x7c: {  	_ =	shalt  }
0x7d: {  	_ =	shalt  }
0x7e: {  	_ =	shalt  }
0x7f: {  	_ =	shalt  }
0x80: {  	_ =	shalt  }
0x81: {  	_ =	shalt  }
0x82: {  	_ =	shalt  }
0x83: {  	_ =	shalt  }
0x84: {  	_ =	shalt  }
0x85: {  	_ =	shalt  }
0x86: {  	_ =	shalt  }
0x87: {  	_ =	shalt  }
.Lfunc_end0:
.L_simem_size_0:
called_computation.1_lowered:
.L_overlay_start_0:
0x88: {  	s2 =	sld [smem:$0x3FD9]  }
0x89: {  	s3 =	sld [smem:$0x3FFE];
	_ =	sdelay $0x1  }
0x8a: {  	s1 =	srdreg.scid  }
0x8b: {  	s0 =	sand.u32 $0x1, s1  }
0x8c: {  	s16 =	sshll.u32 s0, $0xA;
	s2 =	sadd.s32 s3, s2  }
0x8d: {  	s2 =	sadd.s32 s2, s16  }
0x8e: {  	[smem:$0x3FBF] =	sst s2  }
0x8f: {  	_ = 	snop  }
0x90: {  	(tm) =	ssettm $0x1  }
0x91: {  	s17 =	sld [smem:$0x3FFB];
	_ =	sdelay $0x3  }
0x92: {  	_ =	strace s17  }
0x93: {  	s2 =	sld [smem:$0x3FFC];
	_ =	sdelay $0x3  }
0x94: {  	_ =	strace s2  }
0x95: {  	s2 =	sld [smem:$0x3FFD];
	_ =	sdelay $0x3  }
0x96: {  	_ =	strace s2  }
0x97: {  	_ =	strace $0x8FFFFFFF  }
0x98: {  	s18 =	sld [smem:$0x3FDB];
	_ =	sdelay $0x1  }
0x99: {  	s19 =	simm.s32 $_scs_section_size  }
0x9a: {  	s4 =	simm.s32 $_size__tile_overlayer_lowered;
	s5 =	simm.s32 $_tile_overlayer_lowered  }
0x9b: {  	s22 =	simm.s32 $0x1BFF;
	s21 =	sshll.u32 s5, $0x1;
	s2 =	sadd.s32 s19, s18  }
0x9c: {  	s6 =	simm.s32 $0x0;
	s20 =	sshll.u32 s4, $0x1;
	s4 =	sadd.s32 s21, s2  }
0x9d: {  	[timem:s6], [sflag:s22] =	dma.local [hbm:s4], s20  }
0x9e: {  	_ =	swait.ge [sflag:s22], s20  }
0x9f: {  	s3 =	ssub.s32 $0x0, s20;
	[sflag:s22] =	ssyncset.done $0x0  }
0xa0: {  	[sflag:s22] =	ssyncadd.s32 s3;
	_ =	sdelay $0x1  }
0xa1: {  	s23 =	simm.s32 $0x1B8B  }
0xa2: {  	_ =	swait.ge [sflag:s23], $0x1  }
0xa3: {  	[sflag:s23] =	ssyncset.done $0x0  }
0xa4: {  	s25 =	simm.s32 $0x1B8E;
	s24 =	sld [smem:$0x3FFE];
	[sflag:s23] =	ssyncadd.s32 $0xFFFFFFFF  }
0xa5: {  	s26 =	simm.s32 $execute0_lowered;
	[smem:$0x3FD2] =	sst s25  }
0xa6: {  	s4 =	sshll.u32 s26, $0x1;
	_ =	strace $0x80000049;
	[dreg:$0x1] =	wrdreg $0xFFFFFFFF  }
0xa7: {  	s28 =	simm.s32 $_size_execute0_lowered;
	s2 =	sadd.s32 s2, s4;
	[dreg:$0x0] =	wrdreg $0x0  }
0xa8: {  	s4 =	sshll.u32 s28, $0x1;
	[dreg:$0x2] =	wrdreg s2  }
0xa9: {  	[dreg:$0x3] =	wrdreg s4  }
0xaa: {  	[dreg:$0x4] =	wrdreg $0xC0  }
0xab: {  	_ =	task [dreg:s6], $0x5FFFF  }
0xac: {  	[dreg:$0x1] =	wrdreg $0xFFFFFFFF  }
0xad: {  	[dreg:$0x0] =	wrdreg $0x60  }
0xae: {  	[dreg:$0x2] =	wrdreg s24  }
0xaf: {  	[dreg:$0x3] =	wrdreg $0xC7000  }
0xb0: {  	[dreg:$0x4] =	wrdreg $0x9  }
0xb1: {  	_ =	task.clear_ibuf [dreg:s6], $0x5FFFF;
	_ =	strace $0x90000049  }
0xb2: {  	s29 =	simm.s32 $0x9;
	_ =	strace $0x8000004B  }
0xb3: {  	_ =	swait.ge [sflag:s29], $0x1  }
0xb4: {  	[sflag:s29] =	ssyncadd.s32 $0xFFFFFFFF  }
0xb5: {  	_ =	strace $0x9000004B  }
0xb6: {  	_ =	sfence  }
0xb7: {  	s30 =	sld [smem:$0x0];
	_ =	sdelay $0x2  }
0xb8: {  	s31 =	sshll.u32 s1, $0xD;
	s1 =	sshrl.u32 s1, $0x2  }
0xb9: {  	s3 =	sand.u32 $0x4000, s31;
	s1 =	sadd.s32 s1, s30  }
0xba: {  	s0 =	sor.u32 s3, s0;
	s1 =	sshll.u32 s1, $0x11  }
0xbb: {  	s0 =	sor.u32 s1, s0  }
0xbc: {  	s0 =	sadd.s32 $0x8F2B, s0  }
0xbd: {  	[sflag:s0] =	ssyncadd.remote.s32 $0x1  }
0xbe: {  	_ =	sfence.sel $0xFFFF  }
0xbf: {  	[dreg:$0x0] =	wrdreg $0xFFFFFFFF;
	(pc) =	sbr.abs _section_cstart, $3  }
0xc0: {  	[dreg:$0x1] =	wrdreg $0xFFFFFFFF  }
0xc1: {  	_ =	task.clear_ibuf [dreg:s6], $0x2FFFF;
	_ =	strace $0x9FFFFFFF  }
0xc2: {  	(tm) =	ssettm $0x7FFFFFFF  }
0xc3: {  	_ =	shalt  }
tec
execute0_lowered:
.L_overlay_start_1:
0x0: {  	(tag) =	ssettag $0x1  }
0x1: {  	s0 =	srdreg.scid;
	s1 =	rddreg [dreg:$0x0]  }
0x2: {  	s2 =	rddreg [dreg:$0x1];
	s13 =	stileid.u32;
	s3 =	simm.s32 $0x0  }
0x3: {  	s15 =	simm.s32 $0x7;
	s16 =	simm.s32 $0x2780;
	s17 =	simm.s32 $0x28  }
0x4: {  	s18 =	simm.s32 $0x4F00;
	s19 =	simm.s32 $0x6300;
	s21 =	simm.s32 $0x7700  }
0x5: {  	s23 =	simm.s32 $0x8B00;
	s29 =	simm.s32 $0xB300;
	s30 =	simm.s32 $0x2  }
0x6: {  	s24 =	simm.s32 $0x4;
	s28 =	simm.s32 $0x6;
	s5 =	smul.u32 $0x2780, s13  }
0x7: {  	s31 =	simm.s32 $0x0;
	s0 =	sand.u32 $0x1, s0;
	s6 =	smul.u32 $0x4F000, s13  }
0x8: {  	[smem:$0x7FF] =	sst s3;
	s9 =	sadd.s32 $0x64400, s1;
	s25 =	smul.u32 $0x13C00, s13  }
0x9: {  	s12 =	sadd.s32 $0x128400, s2;
	p0 =	seq.s32 s13, $0xF;
	s4 =	sshll.u32 s0, $0x4  }
0xa: {  	_ =	strace $0x8000004A;
	s7 =	ssub.s32 $0x2, s0;
	s0 =	smul.u32 $0x138800, s0  }
0xb: {  	s12 =	sshrl.u32 @p0 s12, $0x3;
	s4 =	sor.u32 s13, s4;
	s5 =	sadd.s32 s5, s1  }
0xc: {  	s10 =	sshrl.u32 s7, $0x1;
	s6 =	sshrl.u32 s6, $0x2;
	s4 =	smul.u32 $0x4E2, s4  }
0xd: {  	s11 =	ssub.s32 s7, s10;
	s14 =	sadd.s32 s6, s2;
	s5 =	sadd.s32 $0x3D200, s5  }
0xe: {  	s6 =	sadd.s32 $0x62280, s1;
	s26 =	sadd.s32 s25, s0;
	s0 =	sshrl.u32 s0, $0x3  }
0xf: {  	s25 =	simm.s32 $0x9F00;
	[dreg:$0x3] =	wrdreg s5;
	s0 =	sadd.s32 s9, s0  }
.Ltmp0:
0x10: {  	s11 =	smax.u32 s11, $0x1;
	s14 =	sshrl.u32 @!p0 s14, $0x3;
	(pc) =	sbr.rel .LBB2_1-.Ltmp0, $4  }
0x11: {  	s8 =	sadd.s32 s4, s1;
	s4 =	sadd.s32 $0x16000, s1;
	s1 =	sshrl.u32 s26, $0x3  }
0x12: {  	s10 =	sadd.s32 $0x25080, s0;
	s0 =	sshll.u32 @!p0 s13, $0x6;
	s26 =	simm.s32 $0x1  }
0x13: {  	s7 =	sadd.s32 $0xC200, s8;
	s8 =	sadd.s32 $0x2400, s8;
	s9 =	sadd.s32 s9, s1  }
0x14: {  	s13 =	sor.u32 @!p0 $0x1C07, s0;
	s1 =	simm.s32 $0x3;
	s0 =	simm.s32 $0x5  }
.LBB2_4:
0x15: {  	_ =	swait.ge [sflag:s26], $0x1400  }
0x16: {  	[sflag:s26] =	ssyncset.done $0x0  }
0x17: {  	s5 =	simm.s32 $0x4DF0;
	[sflag:s26] =	ssyncadd.s32 $0xFFFFEC00  }
0x18: {  	[spmem:s2] =	stream.indirect.scatter.add.f32 [tilespmem:s18], [sflag:$0x1], $0x80, s5, s17, $0xb8;
	[tilespmem:$0x1FF80] =	vst v63  }
0x19: {  	_ =	swait.ge [sflag:s28], $0x1400  }
0x1a: {  	[sflag:s28] =	ssyncset.done $0x0  }
0x1b: {  	[sflag:s28] =	ssyncadd.s32 $0xFFFFEC00  }
0x1c: {  	_ =	swait.ge [sflag:s30], $0x1400  }
0x1d: {  	[sflag:s30] =	ssyncset.done $0x0  }
0x1e: {  	s22 =	simm.s32 $0x4E18;
	[sflag:s30] =	ssyncadd.s32 $0xFFFFEC00  }
0x1f: {  	[spmem:s2] =	stream.indirect.scatter.add.f32 [tilespmem:s19], [sflag:$0x2], $0x80, s22, s17, $0xb8;
	[tilespmem:$0x1FF80] =	vst v63  }
0x20: {  	_ =	swait.ge [sflag:s26], $0x1400  }
0x21: {  	[sflag:s26] =	ssyncset.done $0x0  }
0x22: {  	[sflag:s26] =	ssyncadd.s32 $0xFFFFEC00  }
0x23: {  	_ =	swait.ge [sflag:s1], $0x1400  }
0x24: {  	[sflag:s1] =	ssyncset.done $0x0  }
0x25: {  	s20 =	simm.s32 $0x4E40;
	[sflag:s1] =	ssyncadd.s32 $0xFFFFEC00  }
0x26: {  	[spmem:s2] =	stream.indirect.scatter.add.f32 [tilespmem:s21], [sflag:$0x3], $0x80, s20, s17, $0xb8;
	[tilespmem:$0x1FF80] =	vst v63  }
0x27: {  	_ =	swait.ge [sflag:s30], $0x1400  }
0x28: {  	[sflag:s30] =	ssyncset.done $0x0  }
0x29: {  	[sflag:s30] =	ssyncadd.s32 $0xFFFFEC00  }
0x2a: {  	_ =	swait.ge [sflag:s24], $0x1400  }
0x2b: {  	[sflag:s24] =	ssyncset.done $0x0  }
0x2c: {  	s22 =	simm.s32 $0x4E68;
	[sflag:s24] =	ssyncadd.s32 $0xFFFFEC00  }
0x2d: {  	[spmem:s2] =	stream.indirect.scatter.add.f32 [tilespmem:s23], [sflag:$0x4], $0x80, s22, s17, $0xb8;
	[tilespmem:$0x1FF80] =	vst v63  }
0x2e: {  	_ =	swait.ge [sflag:s1], $0x1400  }
0x2f: {  	[sflag:s1] =	ssyncset.done $0x0  }
0x30: {  	[sflag:s1] =	ssyncadd.s32 $0xFFFFEC00  }
0x31: {  	_ =	swait.ge [sflag:s24], $0x1400  }
0x32: {  	[sflag:s24] =	ssyncset.done $0x0  }
0x33: {  	[sflag:s24] =	ssyncadd.s32 $0xFFFFEC00  }
0x34: {  	s5 =	simm.s32 @p0 $0x1FC7;
	[bflag:$0x0] =	sbarrier.arrive $0xFFFF  }
0x35: {  	[hbm:s10], [sflag:s5] =	dma.local @p0 [spmem:s12], $0x2080  }
0x36: {  	s5 =	simm.s32 @p0 $0x7  }
0x37: {  	s31 =	sadd.s32 $0x1, s31;
	_ =	swait.ge @p0 [sflag:s5], $0x2080  }
0x38: {  	p1 =	sne.s32 s31, s11;
	[sflag:s5] =	ssyncset.done @p0 $0x0  }
.Ltmp1:
0x39: {  	[sflag:s5] =	ssyncadd.s32 @p0 $0xFFFFDF80;
	s5 =	simm.s32 @!p0 $0x7;
	(pc) =	sbr.rel @!p1 .LBB2_5-.Ltmp1, $4  }
0x3a: {  	[hbm:s9], [sflag:s13] =	dma.local @!p0 [spmem:s14], $0x2780  }
0x3b: {  	_ =	swait.ge @!p0 [sflag:s5], $0x2780  }
0x3c: {  	[sflag:s5] =	ssyncset.done @!p0 $0x0  }
0x3d: {  	[sflag:s5] =	ssyncadd.s32 @!p0 $0xFFFFD880  }
.LBB2_1:
0x3e: {  	s20 =	simm.s32 @p0 $0x1FC7  }
0x3f: {  	[spmem:s12], [sflag:s20] =	dma.local @p0 [hbm:s6], $0x2080  }
0x40: {  	s20 =	simm.s32 @p0 $0x7  }
0x41: {  	_ =	swait.ge @p0 [sflag:s20], $0x2080  }
0x42: {  	[sflag:s20] =	ssyncset.done @p0 $0x0  }
0x43: {  	s5 =	rddreg [dreg:$0x3];
	[sflag:s20] =	ssyncadd.s32 @p0 $0xFFFFDF80;
	s20 =	simm.s32 @!p0 $0x7  }
0x44: {  	[spmem:s14], [sflag:s13] =	dma.local @!p0 [hbm:s5], $0x2780  }
0x45: {  	_ =	swait.ge @!p0 [sflag:s20], $0x2780  }
0x46: {  	[sflag:s20] =	ssyncset.done @!p0 $0x0  }
0x47: {  	[sflag:s20] =	ssyncadd.s32 @!p0 $0xFFFFD880  }
0x48: {  	[tilespmem:s3], [sflag:$0x7] =	stream.linear.gather [hbm4b:s7+s3], $0x2710, $0x38;
	[tilespmem:$0x1FF80] =	vst v63  }
0x49: {  	_ =	swait.ge [sflag:s15], $0x2710  }
0x4a: {  	[sflag:s15] =	ssyncset.done $0x0  }
0x4b: {  	[sflag:s15] =	ssyncadd.s32 $0xFFFFD8F0  }
0x4c: {  	[tilespmem:s16], [sflag:$0x7] =	stream.linear.gather [hbm4b:s8+s3], $0x2710, $0x38;
	[tilespmem:$0x1FF80] =	vst v63  }
0x4d: {  	_ =	swait.ge [sflag:s15], $0x2710  }
0x4e: {  	[sflag:s15] =	ssyncset.done $0x0  }
0x4f: {  	[sflag:s15] =	ssyncadd.s32 $0xFFFFD8F0  }
0x50: {  	[bflag:$0x0] =	sbarrier.arrive $0xFFFF  }
0x51: {  	[tilespmem:s18], [sflag:$0x1] =	stream.indirect.gather [hbm4b:s4+s17], $0x80, s3, s17, $0xb8;
	[tilespmem:$0x1FF80] =	vst v63  }
0x52: {  	_ = 	snop  }
0x53: {  	[tilespmem:s19], [sflag:$0x2] =	stream.indirect.gather [hbm4b:s4+s17], $0x80, s17, s17, $0xb8;
	[tilespmem:$0x1FF80] =	vst v63  }
0x54: {  	s20 =	simm.s32 $0x50  }
0x55: {  	[tilespmem:s21], [sflag:$0x3] =	stream.indirect.gather [hbm4b:s4+s17], $0x80, s20, s17, $0xb8;
	[tilespmem:$0x1FF80] =	vst v63  }
0x56: {  	s22 =	simm.s32 $0x78  }
0x57: {  	[tilespmem:s23], [sflag:$0x4] =	stream.indirect.gather [hbm4b:s4+s17], $0x80, s22, s17, $0xb8;
	[tilespmem:$0x1FF80] =	vst v63  }
0x58: {  	s20 =	simm.s32 $0xA0  }
0x59: {  	[tilespmem:s25], [sflag:$0x5] =	stream.indirect.gather [hbm4b:s4+s17], $0x80, s20, s17, $0xb8;
	[tilespmem:$0x1FF80] =	vst v63  }
0x5a: {  	_ =	swait.ge [sflag:s26], $0x1400  }
0x5b: {  	[sflag:s26] =	ssyncset.done $0x0  }
0x5c: {  	[sflag:s26] =	ssyncadd.s32 $0xFFFFEC00  }
0x5d: {  	[spmem:s2] =	stream.indirect.scatter.add.f32 [tilespmem:s18], [sflag:$0x1], $0x80, s16, s17, $0xb8;
	[tilespmem:$0x1FF80] =	vst v63  }
0x5e: {  	s22 =	simm.s32 $0xC8  }
0x5f: {  	[tilespmem:s29], [sflag:$0x6] =	stream.indirect.gather [hbm4b:s4+s17], $0x80, s22, s17, $0xb8;
	[tilespmem:$0x1FF80] =	vst v63  }
0x60: {  	_ =	swait.ge [sflag:s30], $0x1400  }
0x61: {  	[sflag:s30] =	ssyncset.done $0x0  }
0x62: {  	s20 =	simm.s32 $0x27A8;
	[sflag:s30] =	ssyncadd.s32 $0xFFFFEC00  }
0x63: {  	[spmem:s2] =	stream.indirect.scatter.add.f32 [tilespmem:s19], [sflag:$0x2], $0x80, s20, s17, $0xb8;
	[tilespmem:$0x1FF80] =	vst v63  }
0x64: {  	_ =	swait.ge [sflag:s26], $0x1400  }
0x65: {  	[sflag:s26] =	ssyncset.done $0x0  }
0x66: {  	s22 =	simm.s32 $0xF0;
	[sflag:s26] =	ssyncadd.s32 $0xFFFFEC00  }
0x67: {  	[tilespmem:s18], [sflag:$0x1] =	stream.indirect.gather [hbm4b:s4+s17], $0x80, s22, s17, $0xb8;
	[tilespmem:$0x1FF80] =	vst v63  }
0x68: {  	_ =	swait.ge [sflag:s1], $0x1400  }
0x69: {  	[sflag:s1] =	ssyncset.done $0x0  }
0x6a: {  	s20 =	simm.s32 $0x27D0;
	[sflag:s1] =	ssyncadd.s32 $0xFFFFEC00  }
0x6b: {  	[spmem:s2] =	stream.indirect.scatter.add.f32 [tilespmem:s21], [sflag:$0x3], $0x80, s20, s17, $0xb8;
	[tilespmem:$0x1FF80] =	vst v63  }
0x6c: {  	_ =	swait.ge [sflag:s30], $0x1400  }
0x6d: {  	[sflag:s30] =	ssyncset.done $0x0  }
0x6e: {  	s22 =	simm.s32 $0x118;
	[sflag:s30] =	ssyncadd.s32 $0xFFFFEC00  }
0x6f: {  	[tilespmem:s19], [sflag:$0x2] =	stream.indirect.gather [hbm4b:s4+s17], $0x80, s22, s17, $0xb8;
	[tilespmem:$0x1FF80] =	vst v63  }
0x70: {  	_ =	swait.ge [sflag:s24], $0x1400  }
0x71: {  	[sflag:s24] =	ssyncset.done $0x0  }
0x72: {  	s20 =	simm.s32 $0x27F8;
	[sflag:s24] =	ssyncadd.s32 $0xFFFFEC00  }
0x73: {  	[spmem:s2] =	stream.indirect.scatter.add.f32 [tilespmem:s23], [sflag:$0x4], $0x80, s20, s17, $0xb8;
	[tilespmem:$0x1FF80] =	vst v63  }
0x74: {  	_ =	swait.ge [sflag:s1], $0x1400  }
0x75: {  	[sflag:s1] =	ssyncset.done $0x0  }
0x76: {  	s22 =	simm.s32 $0x140;
	[sflag:s1] =	ssyncadd.s32 $0xFFFFEC00  }
0x77: {  	[tilespmem:s21], [sflag:$0x3] =	stream.indirect.gather [hbm4b:s4+s17], $0x80, s22, s17, $0xb8;
	[tilespmem:$0x1FF80] =	vst v63  }
0x78: {  	_ =	swait.ge [sflag:s0], $0x1400  }
0x79: {  	[sflag:s0] =	ssyncset.done $0x0  }
0x7a: {  	s20 =	simm.s32 $0x2820;
	[sflag:s0] =	ssyncadd.s32 $0xFFFFEC00  }
0x7b: {  	[spmem:s2] =	stream.indirect.scatter.add.f32 [tilespmem:s25], [sflag:$0x5], $0x80, s20, s17, $0xb8;
	[tilespmem:$0x1FF80] =	vst v63  }
0x7c: {  	_ =	swait.ge [sflag:s24], $0x1400  }
0x7d: {  	[sflag:s24] =	ssyncset.done $0x0  }
0x7e: {  	s22 =	simm.s32 $0x168;
	[sflag:s24] =	ssyncadd.s32 $0xFFFFEC00  }
0x7f: {  	[tilespmem:s23], [sflag:$0x4] =	stream.indirect.gather [hbm4b:s4+s17], $0x80, s22, s17, $0xb8;
	[tilespmem:$0x1FF80] =	vst v63  }
0x80: {  	_ =	swait.ge [sflag:s28], $0x1400  }
0x81: {  	[sflag:s28] =	ssyncset.done $0x0  }
0x82: {  	s20 =	simm.s32 $0x2848;
	[sflag:s28] =	ssyncadd.s32 $0xFFFFEC00  }
0x83: {  	[spmem:s2] =	stream.indirect.scatter.add.f32 [tilespmem:s29], [sflag:$0x6], $0x80, s20, s17, $0xb8;
	[tilespmem:$0x1FF80] =	vst v63  }
0x84: {  	_ =	swait.ge [sflag:s0], $0x1400  }
0x85: {  	[sflag:s0] =	ssyncset.done $0x0  }
0x86: {  	s22 =	simm.s32 $0x190;
	s20 =	simm.s32 $0x0;
	[sflag:s0] =	ssyncadd.s32 $0xFFFFEC00  }
0x87: {  	[tilespmem:s25], [sflag:$0x5] =	stream.indirect.gather [hbm4b:s4+s17], $0x80, s22, s17, $0xb8;
	[tilespmem:$0x1FF80] =	vst v63  }
.LBB2_2:
0x88: {  	_ =	swait.ge [sflag:s26], $0x1400  }
0x89: {  	s22 =	sshra.s32 s20, $0x2;
	[sflag:s26] =	ssyncset.done $0x0  }
0x8a: {  	s5 =	sadd.s32 $0x2870, s22;
	[sflag:s26] =	ssyncadd.s32 $0xFFFFEC00  }
0x8b: {  	[spmem:s2] =	stream.indirect.scatter.add.f32 [tilespmem:s18], [sflag:$0x1], $0x80, s5, s17, $0xb8;
	[tilespmem:$0x1FF80] =	vst v63  }
0x8c: {  	_ =	swait.ge [sflag:s28], $0x1400  }
0x8d: {  	[sflag:s28] =	ssyncset.done $0x0  }
0x8e: {  	s5 =	sadd.s32 $0x1B8, s22;
	[sflag:s28] =	ssyncadd.s32 $0xFFFFEC00  }
0x8f: {  	[tilespmem:s29], [sflag:$0x6] =	stream.indirect.gather [hbm4b:s4+s17], $0x80, s5, s17, $0xb8;
	[tilespmem:$0x1FF80] =	vst v63  }
0x90: {  	_ =	swait.ge [sflag:s30], $0x1400  }
0x91: {  	[sflag:s30] =	ssyncset.done $0x0  }
0x92: {  	s5 =	sadd.s32 $0x2898, s22;
	[sflag:s30] =	ssyncadd.s32 $0xFFFFEC00  }
0x93: {  	[spmem:s2] =	stream.indirect.scatter.add.f32 [tilespmem:s19], [sflag:$0x2], $0x80, s5, s17, $0xb8;
	[tilespmem:$0x1FF80] =	vst v63  }
0x94: {  	_ =	swait.ge [sflag:s26], $0x1400  }
0x95: {  	[sflag:s26] =	ssyncset.done $0x0  }
0x96: {  	s5 =	sadd.s32 $0x1E0, s22;
	[sflag:s26] =	ssyncadd.s32 $0xFFFFEC00  }
0x97: {  	[tilespmem:s18], [sflag:$0x1] =	stream.indirect.gather [hbm4b:s4+s17], $0x80, s5, s17, $0xb8;
	[tilespmem:$0x1FF80] =	vst v63  }
0x98: {  	_ =	swait.ge [sflag:s1], $0x1400  }
0x99: {  	[sflag:s1] =	ssyncset.done $0x0  }
0x9a: {  	s5 =	sadd.s32 $0x28C0, s22;
	[sflag:s1] =	ssyncadd.s32 $0xFFFFEC00  }
0x9b: {  	[spmem:s2] =	stream.indirect.scatter.add.f32 [tilespmem:s21], [sflag:$0x3], $0x80, s5, s17, $0xb8;
	[tilespmem:$0x1FF80] =	vst v63  }
0x9c: {  	_ =	swait.ge [sflag:s30], $0x1400  }
0x9d: {  	[sflag:s30] =	ssyncset.done $0x0  }
0x9e: {  	s5 =	sadd.s32 $0x208, s22;
	[sflag:s30] =	ssyncadd.s32 $0xFFFFEC00  }
0x9f: {  	[tilespmem:s19], [sflag:$0x2] =	stream.indirect.gather [hbm4b:s4+s17], $0x80, s5, s17, $0xb8;
	[tilespmem:$0x1FF80] =	vst v63  }
0xa0: {  	_ =	swait.ge [sflag:s24], $0x1400  }
0xa1: {  	[sflag:s24] =	ssyncset.done $0x0  }
0xa2: {  	s5 =	sadd.s32 $0x28E8, s22;
	[sflag:s24] =	ssyncadd.s32 $0xFFFFEC00  }
0xa3: {  	[spmem:s2] =	stream.indirect.scatter.add.f32 [tilespmem:s23], [sflag:$0x4], $0x80, s5, s17, $0xb8;
	[tilespmem:$0x1FF80] =	vst v63  }
0xa4: {  	_ =	swait.ge [sflag:s1], $0x1400  }
0xa5: {  	[sflag:s1] =	ssyncset.done $0x0  }
0xa6: {  	s5 =	sadd.s32 $0x230, s22;
	[sflag:s1] =	ssyncadd.s32 $0xFFFFEC00  }
0xa7: {  	[tilespmem:s21], [sflag:$0x3] =	stream.indirect.gather [hbm4b:s4+s17], $0x80, s5, s17, $0xb8;
	[tilespmem:$0x1FF80] =	vst v63  }
0xa8: {  	_ =	swait.ge [sflag:s0], $0x1400  }
0xa9: {  	[sflag:s0] =	ssyncset.done $0x0  }
0xaa: {  	s5 =	sadd.s32 $0x2910, s22;
	[sflag:s0] =	ssyncadd.s32 $0xFFFFEC00  }
0xab: {  	[spmem:s2] =	stream.indirect.scatter.add.f32 [tilespmem:s25], [sflag:$0x5], $0x80, s5, s17, $0xb8;
	[tilespmem:$0x1FF80] =	vst v63  }
0xac: {  	_ =	swait.ge [sflag:s24], $0x1400  }
0xad: {  	[sflag:s24] =	ssyncset.done $0x0  }
0xae: {  	s5 =	sadd.s32 $0x258, s22;
	[sflag:s24] =	ssyncadd.s32 $0xFFFFEC00  }
0xaf: {  	[tilespmem:s23], [sflag:$0x4] =	stream.indirect.gather [hbm4b:s4+s17], $0x80, s5, s17, $0xb8;
	[tilespmem:$0x1FF80] =	vst v63  }
0xb0: {  	_ =	swait.ge [sflag:s28], $0x1400  }
0xb1: {  	p1 =	seq.s32 s20, $0x9240;
	[sflag:s28] =	ssyncset.done $0x0  }
.Ltmp2:
0xb2: {  	s5 =	sadd.s32 $0x2938, s22;
	[sflag:s28] =	ssyncadd.s32 $0xFFFFEC00;
	(pc) =	sbr.rel @p1 .LBB2_4-.Ltmp2, $4  }
0xb3: {  	[spmem:s2] =	stream.indirect.scatter.add.f32 [tilespmem:s29], [sflag:$0x6], $0x80, s5, s17, $0xb8;
	[tilespmem:$0x1FF80] =	vst v63  }
0xb4: {  	_ =	swait.ge [sflag:s0], $0x1400  }
0xb5: {  	[sflag:s0] =	ssyncset.done $0x0  }
0xb6: {  	[sflag:s0] =	ssyncadd.s32 $0xFFFFEC00  }
.Ltmp3:
0xb7: {  	(pc) =	sbr.rel .LBB2_2-.Ltmp3, $3  }
0xb8: {  	_ =	sdelay $0x1  }
0xb9: {  	s5 =	sadd.s32 $0x280, s22;
	s20 =	sadd.s32 $0x3C0, s20  }
0xba: {  	[tilespmem:s25], [sflag:$0x5] =	stream.indirect.gather [hbm4b:s4+s17], $0x80, s5, s17, $0xb8;
	[tilespmem:$0x1FF80] =	vst v63  }
.LBB2_5:
0xbb: {  	_ =	sfence.sel $0x180000  }
0xbc: {  	[bflag:$0x0] =	sbarrier.arrive $0xFFFF  }
0xbd: {  	_ =	strace $0x9000004A  }
0xbe: {  	s0 =	stileid.u32;
	[bflag:$0x2] =	sbarrier.arrive $0xFFFF  }
0xbf: {  	p0 =	sne.s32 s0, $0x0;
	s0 =	rddreg [dreg:$0x2]  }
0xc0: {  	s0 =	sadd.s32 @!p0 $0x100000, s0  }
0xc1: {  	[sflag:s0] =	ssyncadd.tile.s32 @!p0 $0x1;
	_ =	shalt  }
.Lfunc_end2:
_tile_overlayer_lowered:
.L_overlay_start_2:
0xc2: {  	(tag) =	ssettag $0x2  }
0xc3: {  	s0 =	rddreg [dreg:$0x0];
	s2 =	stileid.u32  }
0xc4: {  	s1 =	rddreg [dreg:$0x1];
	p0 =	sne.s32 s2, $0x0  }
0xc5: {  	s3 =	rddreg [dreg:$0x2];
	[bflag:$0x3] =	sbarrier.arrive $0xFFFF;
	s2 =	simm.s32 @!p0 $0x1C07  }
0xc6: {  	[timem:s3], [sflag:s2] =	dma.local @!p0 [hbm:s0], s1  }
0xc7: {  	s0 =	simm.s32 @!p0 $0x7  }
0xc8: {  	_ =	swait.ge @!p0 [sflag:s0], s1  }
0xc9: {  	s1 =	ssub.s32 @!p0 $0x0, s1;
	[sflag:s0] =	ssyncset.done @!p0 $0x0  }
0xca: {  	[sflag:s0] =	ssyncadd.s32 @!p0 s1  }
0xcb: {  	[bflag:$0x3] =	sbarrier.arrive $0xFFFF  }
0xcc: {  	_ =	shalt  }

// kernel: kernel.14.cloned.1.call-start
scs
__scs_entry_jumppad:
0x0: {  	(pc) =	sbr.rel $0x88, $3  }
0x1: {  	(tag) =	ssettag $0x0;
	lr =	simm.s32 $0x1  }
0x2: {  	[smem:$0x3F98] =	sst lr;
	_ =	strace $0xD0000000  }
0x3: {  	_ = 	snop  }
0x4: {  	_ = 	snop  }
0x5: {  	_ = 	snop  }
0x6: {  	_ = 	snop  }
0x7: {  	_ = 	snop  }
__scs_overlays_trampoline_lowered:
0x8: {  	[smem:$0x3FA7] =	sst s0  }
0x9: {  	[smem:$0x3FA8] =	sst s1  }
0xa: {  	[smem:$0x3FA9] =	sst s2  }
0xb: {  	[smem:$0x3FAA] =	sst s3  }
0xc: {  	[smem:$0x3FAB] =	sst s4  }
0xd: {  	[smem:$0x3FAC] =	sst s5  }
0xe: {  	[smem:$0x3FAD] =	sst s6  }
0xf: {  	[smem:$0x3FAE] =	sst s7  }
0x10: {  	[smem:$0x3FAF] =	sst s8  }
0x11: {  	[smem:$0x3FB0] =	sst s9;
	s0 =	simm.s32 @!p0 $0x0  }
0x12: {  	s1 =	sld [smem:$0x3F96];
	s0 =	simm.s32 @p0 $0x1  }
0x13: {  	[smem:$0x3FB1] =	sst s0;
	s0 =	simm.s32 @!p1 $0x0  }
0x14: {  	s2 =	sld [smem:$0x3F95];
	s0 =	simm.s32 @p1 $0x1  }
0x15: {  	[smem:$0x3FB2] =	sst s0;
	s0 =	simm.s32 @!p2 $0x0  }
0x16: {  	s3 =	sld [smem:$0x3FDB];
	s0 =	simm.s32 @p2 $0x1  }
0x17: {  	s4 =	simm.s32 $0x1BF5;
	[smem:$0x3FB4] =	sst s0  }
0x18: {  	s0 =	sld [smem:$0x3F97];
	_ =	swait.ge [sflag:s4], $0x0  }
0x19: {  	s7 =	sld [smem:$0x3F98]  }
0x1a: {  	s8 =	sadd.s32 $0xFFFFE003, lr  }
0x1b: {  	s9 =	sadd.s32 $0xFFFFFEF7, lr;
	s5 =	simm.s32 $0xFFFFFFFF;
	p2 =	slt.u32 s8, $0xFFFFF086  }
0x1c: {  	p1 =	slt.u32 s9, $0xF7A;
	s5 =	simm.s32 @!p2 $0x0  }
0x1d: {  	s5 =	simm.s32 @p1 $0x1;
	p0 =	seq.s32 s7, s2  }
0x1e: {  	s7 =	smul.u32 @!p0 $0xF7A, s2;
	p2 =	seq.s32 @!p0 s5, $0x0  }
0x1f: {  	s9 =	smul.u32 $0xF7A, s1;
	s8 =	simm.s32 @!p0 $0x1BF5;
	p2 =	por !p2, p0  }
0x20: {  	[sflag:s8] =	ssyncset.s32 @!p0 $0xFFFFF086;
	s6 =	sadd.s32 @!p0 s3, s7;
	s7 =	simm.s32 @!p0 $0x108  }
0x21: {  	s3 =	sadd.s32 s3, s9;
	s6 =	sadd.s32 @!p0 $0x88, s6;
	s7 =	simm.s32 @p2 $0x1082  }
0x22: {  	[simem:s7], [sflag:s8] =	dma.local @!p0 [hbm:s6], $0xF7A  }
0x23: {  	s9 =	sor.u32 $0xD0000000, s2;
	s6 =	simm.s32 $0x108;
	_ =	swait.ge @!p0 [sflag:s8], $0x0  }
0x24: {  	s3 =	sadd.s32 $0x88, s3;
	s6 =	simm.s32 @!p1 $0x1082;
	[sflag:s4] =	ssyncset.s32 $0xFFFFF086  }
0x25: {  	[simem:s6], [sflag:s4] =	dma.local [hbm:s3], $0xF7A  }
0x26: {  	[smem:$0x3F98] =	sst s1;
	(tag) =	ssettag s2;
	_ =	strace s9  }
0x27: {  	s1 =	sld [smem:$0x3FA8]  }
0x28: {  	s2 =	sld [smem:$0x3FA9]  }
0x29: {  	s4 =	sld [smem:$0x3FAB]  }
0x2a: {  	p0 =	seq.s32 s5, $0x0;
	s5 =	sld [smem:$0x3FAC]  }
0x2b: {  	s6 =	sld [smem:$0x3FAD]  }
0x2c: {  	s7 =	sld [smem:$0x3FAE]  }
0x2d: {  	s3 =	simm.s32 $0x108;
	s8 =	sld [smem:$0x3FAF]  }
0x2e: {  	s3 =	simm.s32 @!p0 $0x1082;
	s9 =	sld [smem:$0x3FB0]  }
0x2f: {  	lr =	sadd.s32 s0, s3;
	s0 =	sld [smem:$0x3FA7]  }
0x30: {  	s3 =	sld [smem:$0x3FAA]  }
0x31: {  	[smem:$0x3FB3] =	sst s10  }
0x32: {  	s10 =	sld [smem:$0x3FB1];
	_ =	sdelay $0x3  }
0x33: {  	p0 =	seq.s32 s10, $0x1;
	s10 =	sld [smem:$0x3FB3];
	_ =	sdelay $0x3  }
0x34: {  	[smem:$0x3FB3] =	sst s10  }
0x35: {  	s10 =	sld [smem:$0x3FB2];
	_ =	sdelay $0x3  }
0x36: {  	p1 =	seq.s32 s10, $0x1;
	s10 =	sld [smem:$0x3FB3];
	_ =	sdelay $0x3  }
0x37: {  	[smem:$0x3FB3] =	sst s10  }
0x38: {  	s10 =	sld [smem:$0x3FB4]  }
0x39: {  	_ = 	snop;
	(pc) =	sbr.ind lr, $3  }
0x3a: {  	_ = 	snop  }
0x3b: {  	_ = 	snop  }
0x3c: {  	p2 =	seq.s32 s10, $0x1;
	s10 =	sld [smem:$0x3FB3]  }
0x3d: {  	_ =	shalt  }
0x3e: {  	_ =	shalt  }
0x3f: {  	_ =	shalt  }
0x40: {  	_ =	shalt  }
0x41: {  	_ =	shalt  }
0x42: {  	_ =	shalt  }
0x43: {  	_ =	shalt  }
0x44: {  	_ =	shalt  }
0x45: {  	_ =	shalt  }
0x46: {  	_ =	shalt  }
0x47: {  	_ =	shalt  }
0x48: {  	_ =	shalt  }
0x49: {  	_ =	shalt  }
0x4a: {  	_ =	shalt  }
0x4b: {  	_ =	shalt  }
0x4c: {  	_ =	shalt  }
0x4d: {  	_ =	shalt  }
0x4e: {  	_ =	shalt  }
0x4f: {  	_ =	shalt  }
0x50: {  	_ =	shalt  }
0x51: {  	_ =	shalt  }
0x52: {  	_ =	shalt  }
0x53: {  	_ =	shalt  }
0x54: {  	_ =	shalt  }
0x55: {  	_ =	shalt  }
0x56: {  	_ =	shalt  }
0x57: {  	_ =	shalt  }
0x58: {  	_ =	shalt  }
0x59: {  	_ =	shalt  }
0x5a: {  	_ =	shalt  }
0x5b: {  	_ =	shalt  }
0x5c: {  	_ =	shalt  }
0x5d: {  	_ =	shalt  }
0x5e: {  	_ =	shalt  }
0x5f: {  	_ =	shalt  }
0x60: {  	_ =	shalt  }
0x61: {  	_ =	shalt  }
0x62: {  	_ =	shalt  }
0x63: {  	_ =	shalt  }
0x64: {  	_ =	shalt  }
0x65: {  	_ =	shalt  }
0x66: {  	_ =	shalt  }
0x67: {  	_ =	shalt  }
0x68: {  	_ =	shalt  }
0x69: {  	_ =	shalt  }
0x6a: {  	_ =	shalt  }
0x6b: {  	_ =	shalt  }
0x6c: {  	_ =	shalt  }
0x6d: {  	_ =	shalt  }
0x6e: {  	_ =	shalt  }
0x6f: {  	_ =	shalt  }
0x70: {  	_ =	shalt  }
0x71: {  	_ =	shalt  }
0x72: {  	_ =	shalt  }
0x73: {  	_ =	shalt  }
0x74: {  	_ =	shalt  }
0x75: {  	_ =	shalt  }
0x76: {  	_ =	shalt  }
0x77: {  	_ =	shalt  }
0x78: {  	_ =	shalt  }
0x79: {  	_ =	shalt  }
0x7a: {  	_ =	shalt  }
0x7b: {  	_ =	shalt  }
0x7c: {  	_ =	shalt  }
0x7d: {  	_ =	shalt  }
0x7e: {  	_ =	shalt  }
0x7f: {  	_ =	shalt  }
0x80: {  	_ =	shalt  }
0x81: {  	_ =	shalt  }
0x82: {  	_ =	shalt  }
0x83: {  	_ =	shalt  }
0x84: {  	_ =	shalt  }
0x85: {  	_ =	shalt  }
0x86: {  	_ =	shalt  }
0x87: {  	_ =	shalt  }
.Lfunc_end0:
.L_simem_size_0:
called_computation.2_lowered:
.L_overlay_start_0:
0x88: {  	s2 =	sld [smem:$0x3FD9]  }
0x89: {  	s3 =	sld [smem:$0x3FFE];
	_ =	sdelay $0x1  }
0x8a: {  	s1 =	srdreg.scid  }
0x8b: {  	s0 =	sand.u32 $0x1, s1  }
0x8c: {  	s16 =	sshll.u32 s0, $0xA;
	s2 =	sadd.s32 s3, s2  }
0x8d: {  	s2 =	sadd.s32 s2, s16  }
0x8e: {  	[smem:$0x3FBF] =	sst s2  }
0x8f: {  	_ = 	snop  }
0x90: {  	(tm) =	ssettm $0x1  }
0x91: {  	s17 =	sld [smem:$0x3FFB];
	_ =	sdelay $0x3  }
0x92: {  	_ =	strace s17  }
0x93: {  	s2 =	sld [smem:$0x3FFC];
	_ =	sdelay $0x3  }
0x94: {  	_ =	strace s2  }
0x95: {  	s2 =	sld [smem:$0x3FFD];
	_ =	sdelay $0x3  }
0x96: {  	_ =	strace s2  }
0x97: {  	_ =	strace $0x8FFFFFFF  }
0x98: {  	s18 =	sld [smem:$0x3FDB];
	_ =	sdelay $0x1  }
0x99: {  	s19 =	simm.s32 $_scs_section_size  }
0x9a: {  	s4 =	simm.s32 $_size__tile_overlayer_lowered;
	s5 =	simm.s32 $_tile_overlayer_lowered  }
0x9b: {  	s22 =	simm.s32 $0x1BFF;
	s21 =	sshll.u32 s5, $0x1;
	s2 =	sadd.s32 s19, s18  }
0x9c: {  	s6 =	simm.s32 $0x0;
	s20 =	sshll.u32 s4, $0x1;
	s4 =	sadd.s32 s21, s2  }
0x9d: {  	[timem:s6], [sflag:s22] =	dma.local [hbm:s4], s20  }
0x9e: {  	_ =	swait.ge [sflag:s22], s20  }
0x9f: {  	s3 =	ssub.s32 $0x0, s20;
	[sflag:s22] =	ssyncset.done $0x0  }
0xa0: {  	[sflag:s22] =	ssyncadd.s32 s3;
	_ =	sdelay $0x1  }
0xa1: {  	s23 =	simm.s32 $0x1B8B  }
0xa2: {  	_ =	swait.ge [sflag:s23], $0x1  }
0xa3: {  	[sflag:s23] =	ssyncset.done $0x0  }
0xa4: {  	s25 =	simm.s32 $0x1B8E;
	s24 =	sld [smem:$0x3FFE];
	[sflag:s23] =	ssyncadd.s32 $0xFFFFFFFF  }
0xa5: {  	s26 =	simm.s32 $execute0_lowered;
	[smem:$0x3FD2] =	sst s25  }
0xa6: {  	s4 =	sshll.u32 s26, $0x1;
	_ =	strace $0x8000004C;
	[dreg:$0x1] =	wrdreg $0xFFFFFFFF  }
0xa7: {  	s28 =	simm.s32 $_size_execute0_lowered;
	s2 =	sadd.s32 s2, s4;
	[dreg:$0x0] =	wrdreg $0x0  }
0xa8: {  	s4 =	sshll.u32 s28, $0x1;
	[dreg:$0x2] =	wrdreg s2  }
0xa9: {  	[dreg:$0x3] =	wrdreg s4  }
0xaa: {  	[dreg:$0x4] =	wrdreg $0xC0  }
0xab: {  	_ =	task [dreg:s6], $0x5FFFF  }
0xac: {  	[dreg:$0x1] =	wrdreg $0xFFFFFFFF  }
0xad: {  	[dreg:$0x0] =	wrdreg $0x60  }
0xae: {  	[dreg:$0x2] =	wrdreg s24  }
0xaf: {  	[dreg:$0x3] =	wrdreg $0xC7000  }
0xb0: {  	[dreg:$0x4] =	wrdreg $0x9  }
0xb1: {  	_ =	task.clear_ibuf [dreg:s6], $0x5FFFF;
	_ =	strace $0x9000004C  }
0xb2: {  	s29 =	simm.s32 $0x9;
	_ =	strace $0x8000004E  }
0xb3: {  	_ =	swait.ge [sflag:s29], $0x1  }
0xb4: {  	[sflag:s29] =	ssyncadd.s32 $0xFFFFFFFF  }
0xb5: {  	_ =	strace $0x9000004E  }
0xb6: {  	_ =	sfence  }
0xb7: {  	s30 =	sld [smem:$0x0];
	_ =	sdelay $0x2  }
0xb8: {  	s31 =	sshll.u32 s1, $0xD;
	s1 =	sshrl.u32 s1, $0x2  }
0xb9: {  	s3 =	sand.u32 $0x4000, s31;
	s1 =	sadd.s32 s1, s30  }
0xba: {  	s0 =	sor.u32 s3, s0;
	s1 =	sshll.u32 s1, $0x11  }
0xbb: {  	s0 =	sor.u32 s1, s0  }
0xbc: {  	s0 =	sadd.s32 $0x8F2B, s0  }
0xbd: {  	[sflag:s0] =	ssyncadd.remote.s32 $0x1  }
0xbe: {  	_ =	sfence.sel $0xFFFF  }
0xbf: {  	[dreg:$0x0] =	wrdreg $0xFFFFFFFF;
	(pc) =	sbr.abs _section_cstart, $3  }
0xc0: {  	[dreg:$0x1] =	wrdreg $0xFFFFFFFF  }
0xc1: {  	_ =	task.clear_ibuf [dreg:s6], $0x2FFFF;
	_ =	strace $0x9FFFFFFF  }
0xc2: {  	(tm) =	ssettm $0x7FFFFFFF  }
0xc3: {  	_ =	shalt  }
tec
execute0_lowered:
.L_overlay_start_1:
0x0: {  	(tag) =	ssettag $0x1  }
0x1: {  	s0 =	srdreg.scid;
	s1 =	rddreg [dreg:$0x0]  }
0x2: {  	s2 =	rddreg [dreg:$0x1];
	s13 =	stileid.u32;
	s3 =	simm.s32 $0x0  }
0x3: {  	s15 =	simm.s32 $0x7;
	s16 =	simm.s32 $0x2780;
	s17 =	simm.s32 $0x28  }
0x4: {  	s18 =	simm.s32 $0x4F00;
	s19 =	simm.s32 $0x6300;
	s21 =	simm.s32 $0x7700  }
0x5: {  	s23 =	simm.s32 $0x8B00;
	s29 =	simm.s32 $0xB300;
	s30 =	simm.s32 $0x2  }
0x6: {  	s24 =	simm.s32 $0x4;
	s28 =	simm.s32 $0x6;
	s5 =	smul.u32 $0x2780, s13  }
0x7: {  	s31 =	simm.s32 $0x0;
	s0 =	sand.u32 $0x1, s0;
	s6 =	smul.u32 $0x4F000, s13  }
0x8: {  	[smem:$0x7FF] =	sst s3;
	s9 =	sadd.s32 $0x64400, s1;
	s25 =	smul.u32 $0x13C00, s13  }
0x9: {  	s12 =	sadd.s32 $0x128400, s2;
	p0 =	seq.s32 s13, $0xF;
	s4 =	sshll.u32 s0, $0x4  }
0xa: {  	_ =	strace $0x8000004D;
	s7 =	ssub.s32 $0x2, s0;
	s0 =	smul.u32 $0x138800, s0  }
0xb: {  	s12 =	sshrl.u32 @p0 s12, $0x3;
	s4 =	sor.u32 s13, s4;
	s5 =	sadd.s32 s5, s1  }
0xc: {  	s10 =	sshrl.u32 s7, $0x1;
	s6 =	sshrl.u32 s6, $0x2;
	s4 =	smul.u32 $0x4E2, s4  }
0xd: {  	s11 =	ssub.s32 s7, s10;
	s14 =	sadd.s32 s6, s2;
	s5 =	sadd.s32 $0x3D200, s5  }
0xe: {  	s6 =	sadd.s32 $0x62280, s1;
	s26 =	sadd.s32 s25, s0;
	s0 =	sshrl.u32 s0, $0x3  }
0xf: {  	s25 =	simm.s32 $0x9F00;
	[dreg:$0x3] =	wrdreg s5;
	s0 =	sadd.s32 s9, s0  }
.Ltmp0:
0x10: {  	s11 =	smax.u32 s11, $0x1;
	s14 =	sshrl.u32 @!p0 s14, $0x3;
	(pc) =	sbr.rel .LBB2_1-.Ltmp0, $4  }
0x11: {  	s8 =	sadd.s32 s4, s1;
	s4 =	sadd.s32 $0x16000, s1;
	s1 =	sshrl.u32 s26, $0x3  }
0x12: {  	s10 =	sadd.s32 $0x25080, s0;
	s0 =	sshll.u32 @!p0 s13, $0x6;
	s26 =	simm.s32 $0x1  }
0x13: {  	s7 =	sadd.s32 $0xC200, s8;
	s8 =	sadd.s32 $0x2400, s8;
	s9 =	sadd.s32 s9, s1  }
0x14: {  	s13 =	sor.u32 @!p0 $0x1C07, s0;
	s1 =	simm.s32 $0x3;
	s0 =	simm.s32 $0x5  }
.LBB2_4:
0x15: {  	_ =	swait.ge [sflag:s26], $0x1400  }
0x16: {  	[sflag:s26] =	ssyncset.done $0x0  }
0x17: {  	s5 =	simm.s32 $0x4DF0;
	[sflag:s26] =	ssyncadd.s32 $0xFFFFEC00  }
0x18: {  	[spmem:s2] =	stream.indirect.scatter.add.f32 [tilespmem:s18], [sflag:$0x1], $0x80, s5, s17, $0xb8;
	[tilespmem:$0x1FF80] =	vst v63  }
0x19: {  	_ =	swait.ge [sflag:s28], $0x1400  }
0x1a: {  	[sflag:s28] =	ssyncset.done $0x0  }
0x1b: {  	[sflag:s28] =	ssyncadd.s32 $0xFFFFEC00  }
0x1c: {  	_ =	swait.ge [sflag:s30], $0x1400  }
0x1d: {  	[sflag:s30] =	ssyncset.done $0x0  }
0x1e: {  	s22 =	simm.s32 $0x4E18;
	[sflag:s30] =	ssyncadd.s32 $0xFFFFEC00  }
0x1f: {  	[spmem:s2] =	stream.indirect.scatter.add.f32 [tilespmem:s19], [sflag:$0x2], $0x80, s22, s17, $0xb8;
	[tilespmem:$0x1FF80] =	vst v63  }
0x20: {  	_ =	swait.ge [sflag:s26], $0x1400  }
0x21: {  	[sflag:s26] =	ssyncset.done $0x0  }
0x22: {  	[sflag:s26] =	ssyncadd.s32 $0xFFFFEC00  }
0x23: {  	_ =	swait.ge [sflag:s1], $0x1400  }
0x24: {  	[sflag:s1] =	ssyncset.done $0x0  }
0x25: {  	s20 =	simm.s32 $0x4E40;
	[sflag:s1] =	ssyncadd.s32 $0xFFFFEC00  }
0x26: {  	[spmem:s2] =	stream.indirect.scatter.add.f32 [tilespmem:s21], [sflag:$0x3], $0x80, s20, s17, $0xb8;
	[tilespmem:$0x1FF80] =	vst v63  }
0x27: {  	_ =	swait.ge [sflag:s30], $0x1400  }
0x28: {  	[sflag:s30] =	ssyncset.done $0x0  }
0x29: {  	[sflag:s30] =	ssyncadd.s32 $0xFFFFEC00  }
0x2a: {  	_ =	swait.ge [sflag:s24], $0x1400  }
0x2b: {  	[sflag:s24] =	ssyncset.done $0x0  }
0x2c: {  	s22 =	simm.s32 $0x4E68;
	[sflag:s24] =	ssyncadd.s32 $0xFFFFEC00  }
0x2d: {  	[spmem:s2] =	stream.indirect.scatter.add.f32 [tilespmem:s23], [sflag:$0x4], $0x80, s22, s17, $0xb8;
	[tilespmem:$0x1FF80] =	vst v63  }
0x2e: {  	_ =	swait.ge [sflag:s1], $0x1400  }
0x2f: {  	[sflag:s1] =	ssyncset.done $0x0  }
0x30: {  	[sflag:s1] =	ssyncadd.s32 $0xFFFFEC00  }
0x31: {  	_ =	swait.ge [sflag:s24], $0x1400  }
0x32: {  	[sflag:s24] =	ssyncset.done $0x0  }
0x33: {  	[sflag:s24] =	ssyncadd.s32 $0xFFFFEC00  }
0x34: {  	s5 =	simm.s32 @p0 $0x1FC7;
	[bflag:$0x0] =	sbarrier.arrive $0xFFFF  }
0x35: {  	[hbm:s10], [sflag:s5] =	dma.local @p0 [spmem:s12], $0x2080  }
0x36: {  	s5 =	simm.s32 @p0 $0x7  }
0x37: {  	s31 =	sadd.s32 $0x1, s31;
	_ =	swait.ge @p0 [sflag:s5], $0x2080  }
0x38: {  	p1 =	sne.s32 s31, s11;
	[sflag:s5] =	ssyncset.done @p0 $0x0  }
.Ltmp1:
0x39: {  	[sflag:s5] =	ssyncadd.s32 @p0 $0xFFFFDF80;
	s5 =	simm.s32 @!p0 $0x7;
	(pc) =	sbr.rel @!p1 .LBB2_5-.Ltmp1, $4  }
0x3a: {  	[hbm:s9], [sflag:s13] =	dma.local @!p0 [spmem:s14], $0x2780  }
0x3b: {  	_ =	swait.ge @!p0 [sflag:s5], $0x2780  }
0x3c: {  	[sflag:s5] =	ssyncset.done @!p0 $0x0  }
0x3d: {  	[sflag:s5] =	ssyncadd.s32 @!p0 $0xFFFFD880  }
.LBB2_1:
0x3e: {  	s20 =	simm.s32 @p0 $0x1FC7  }
0x3f: {  	[spmem:s12], [sflag:s20] =	dma.local @p0 [hbm:s6], $0x2080  }
0x40: {  	s20 =	simm.s32 @p0 $0x7  }
0x41: {  	_ =	swait.ge @p0 [sflag:s20], $0x2080  }
0x42: {  	[sflag:s20] =	ssyncset.done @p0 $0x0  }
0x43: {  	s5 =	rddreg [dreg:$0x3];
	[sflag:s20] =	ssyncadd.s32 @p0 $0xFFFFDF80;
	s20 =	simm.s32 @!p0 $0x7  }
0x44: {  	[spmem:s14], [sflag:s13] =	dma.local @!p0 [hbm:s5], $0x2780  }
0x45: {  	_ =	swait.ge @!p0 [sflag:s20], $0x2780  }
0x46: {  	[sflag:s20] =	ssyncset.done @!p0 $0x0  }
0x47: {  	[sflag:s20] =	ssyncadd.s32 @!p0 $0xFFFFD880  }
0x48: {  	[tilespmem:s3], [sflag:$0x7] =	stream.linear.gather [hbm4b:s7+s3], $0x2710, $0x38;
	[tilespmem:$0x1FF80] =	vst v63  }
0x49: {  	_ =	swait.ge [sflag:s15], $0x2710  }
0x4a: {  	[sflag:s15] =	ssyncset.done $0x0  }
0x4b: {  	[sflag:s15] =	ssyncadd.s32 $0xFFFFD8F0  }
0x4c: {  	[tilespmem:s16], [sflag:$0x7] =	stream.linear.gather [hbm4b:s8+s3], $0x2710, $0x38;
	[tilespmem:$0x1FF80] =	vst v63  }
0x4d: {  	_ =	swait.ge [sflag:s15], $0x2710  }
0x4e: {  	[sflag:s15] =	ssyncset.done $0x0  }
0x4f: {  	[sflag:s15] =	ssyncadd.s32 $0xFFFFD8F0  }
0x50: {  	[bflag:$0x0] =	sbarrier.arrive $0xFFFF  }
0x51: {  	[tilespmem:s18], [sflag:$0x1] =	stream.indirect.gather [hbm4b:s4+s17], $0x80, s3, s17, $0xb8;
	[tilespmem:$0x1FF80] =	vst v63  }
0x52: {  	_ = 	snop  }
0x53: {  	[tilespmem:s19], [sflag:$0x2] =	stream.indirect.gather [hbm4b:s4+s17], $0x80, s17, s17, $0xb8;
	[tilespmem:$0x1FF80] =	vst v63  }
0x54: {  	s20 =	simm.s32 $0x50  }
0x55: {  	[tilespmem:s21], [sflag:$0x3] =	stream.indirect.gather [hbm4b:s4+s17], $0x80, s20, s17, $0xb8;
	[tilespmem:$0x1FF80] =	vst v63  }
0x56: {  	s22 =	simm.s32 $0x78  }
0x57: {  	[tilespmem:s23], [sflag:$0x4] =	stream.indirect.gather [hbm4b:s4+s17], $0x80, s22, s17, $0xb8;
	[tilespmem:$0x1FF80] =	vst v63  }
0x58: {  	s20 =	simm.s32 $0xA0  }
0x59: {  	[tilespmem:s25], [sflag:$0x5] =	stream.indirect.gather [hbm4b:s4+s17], $0x80, s20, s17, $0xb8;
	[tilespmem:$0x1FF80] =	vst v63  }
0x5a: {  	_ =	swait.ge [sflag:s26], $0x1400  }
0x5b: {  	[sflag:s26] =	ssyncset.done $0x0  }
0x5c: {  	[sflag:s26] =	ssyncadd.s32 $0xFFFFEC00  }
0x5d: {  	[spmem:s2] =	stream.indirect.scatter.add.f32 [tilespmem:s18], [sflag:$0x1], $0x80, s16, s17, $0xb8;
	[tilespmem:$0x1FF80] =	vst v63  }
0x5e: {  	s22 =	simm.s32 $0xC8  }
0x5f: {  	[tilespmem:s29], [sflag:$0x6] =	stream.indirect.gather [hbm4b:s4+s17], $0x80, s22, s17, $0xb8;
	[tilespmem:$0x1FF80] =	vst v63  }
0x60: {  	_ =	swait.ge [sflag:s30], $0x1400  }
0x61: {  	[sflag:s30] =	ssyncset.done $0x0  }
0x62: {  	s20 =	simm.s32 $0x27A8;
	[sflag:s30] =	ssyncadd.s32 $0xFFFFEC00  }
0x63: {  	[spmem:s2] =	stream.indirect.scatter.add.f32 [tilespmem:s19], [sflag:$0x2], $0x80, s20, s17, $0xb8;
	[tilespmem:$0x1FF80] =	vst v63  }
0x64: {  	_ =	swait.ge [sflag:s26], $0x1400  }
0x65: {  	[sflag:s26] =	ssyncset.done $0x0  }
0x66: {  	s22 =	simm.s32 $0xF0;
	[sflag:s26] =	ssyncadd.s32 $0xFFFFEC00  }
0x67: {  	[tilespmem:s18], [sflag:$0x1] =	stream.indirect.gather [hbm4b:s4+s17], $0x80, s22, s17, $0xb8;
	[tilespmem:$0x1FF80] =	vst v63  }
0x68: {  	_ =	swait.ge [sflag:s1], $0x1400  }
0x69: {  	[sflag:s1] =	ssyncset.done $0x0  }
0x6a: {  	s20 =	simm.s32 $0x27D0;
	[sflag:s1] =	ssyncadd.s32 $0xFFFFEC00  }
0x6b: {  	[spmem:s2] =	stream.indirect.scatter.add.f32 [tilespmem:s21], [sflag:$0x3], $0x80, s20, s17, $0xb8;
	[tilespmem:$0x1FF80] =	vst v63  }
0x6c: {  	_ =	swait.ge [sflag:s30], $0x1400  }
0x6d: {  	[sflag:s30] =	ssyncset.done $0x0  }
0x6e: {  	s22 =	simm.s32 $0x118;
	[sflag:s30] =	ssyncadd.s32 $0xFFFFEC00  }
0x6f: {  	[tilespmem:s19], [sflag:$0x2] =	stream.indirect.gather [hbm4b:s4+s17], $0x80, s22, s17, $0xb8;
	[tilespmem:$0x1FF80] =	vst v63  }
0x70: {  	_ =	swait.ge [sflag:s24], $0x1400  }
0x71: {  	[sflag:s24] =	ssyncset.done $0x0  }
0x72: {  	s20 =	simm.s32 $0x27F8;
	[sflag:s24] =	ssyncadd.s32 $0xFFFFEC00  }
0x73: {  	[spmem:s2] =	stream.indirect.scatter.add.f32 [tilespmem:s23], [sflag:$0x4], $0x80, s20, s17, $0xb8;
	[tilespmem:$0x1FF80] =	vst v63  }
0x74: {  	_ =	swait.ge [sflag:s1], $0x1400  }
0x75: {  	[sflag:s1] =	ssyncset.done $0x0  }
0x76: {  	s22 =	simm.s32 $0x140;
	[sflag:s1] =	ssyncadd.s32 $0xFFFFEC00  }
0x77: {  	[tilespmem:s21], [sflag:$0x3] =	stream.indirect.gather [hbm4b:s4+s17], $0x80, s22, s17, $0xb8;
	[tilespmem:$0x1FF80] =	vst v63  }
0x78: {  	_ =	swait.ge [sflag:s0], $0x1400  }
0x79: {  	[sflag:s0] =	ssyncset.done $0x0  }
0x7a: {  	s20 =	simm.s32 $0x2820;
	[sflag:s0] =	ssyncadd.s32 $0xFFFFEC00  }
0x7b: {  	[spmem:s2] =	stream.indirect.scatter.add.f32 [tilespmem:s25], [sflag:$0x5], $0x80, s20, s17, $0xb8;
	[tilespmem:$0x1FF80] =	vst v63  }
0x7c: {  	_ =	swait.ge [sflag:s24], $0x1400  }
0x7d: {  	[sflag:s24] =	ssyncset.done $0x0  }
0x7e: {  	s22 =	simm.s32 $0x168;
	[sflag:s24] =	ssyncadd.s32 $0xFFFFEC00  }
0x7f: {  	[tilespmem:s23], [sflag:$0x4] =	stream.indirect.gather [hbm4b:s4+s17], $0x80, s22, s17, $0xb8;
	[tilespmem:$0x1FF80] =	vst v63  }
0x80: {  	_ =	swait.ge [sflag:s28], $0x1400  }
0x81: {  	[sflag:s28] =	ssyncset.done $0x0  }
0x82: {  	s20 =	simm.s32 $0x2848;
	[sflag:s28] =	ssyncadd.s32 $0xFFFFEC00  }
0x83: {  	[spmem:s2] =	stream.indirect.scatter.add.f32 [tilespmem:s29], [sflag:$0x6], $0x80, s20, s17, $0xb8;
	[tilespmem:$0x1FF80] =	vst v63  }
0x84: {  	_ =	swait.ge [sflag:s0], $0x1400  }
0x85: {  	[sflag:s0] =	ssyncset.done $0x0  }
0x86: {  	s22 =	simm.s32 $0x190;
	s20 =	simm.s32 $0x0;
	[sflag:s0] =	ssyncadd.s32 $0xFFFFEC00  }
0x87: {  	[tilespmem:s25], [sflag:$0x5] =	stream.indirect.gather [hbm4b:s4+s17], $0x80, s22, s17, $0xb8;
	[tilespmem:$0x1FF80] =	vst v63  }
.LBB2_2:
0x88: {  	_ =	swait.ge [sflag:s26], $0x1400  }
0x89: {  	s22 =	sshra.s32 s20, $0x2;
	[sflag:s26] =	ssyncset.done $0x0  }
0x8a: {  	s5 =	sadd.s32 $0x2870, s22;
	[sflag:s26] =	ssyncadd.s32 $0xFFFFEC00  }
0x8b: {  	[spmem:s2] =	stream.indirect.scatter.add.f32 [tilespmem:s18], [sflag:$0x1], $0x80, s5, s17, $0xb8;
	[tilespmem:$0x1FF80] =	vst v63  }
0x8c: {  	_ =	swait.ge [sflag:s28], $0x1400  }
0x8d: {  	[sflag:s28] =	ssyncset.done $0x0  }
0x8e: {  	s5 =	sadd.s32 $0x1B8, s22;
	[sflag:s28] =	ssyncadd.s32 $0xFFFFEC00  }
0x8f: {  	[tilespmem:s29], [sflag:$0x6] =	stream.indirect.gather [hbm4b:s4+s17], $0x80, s5, s17, $0xb8;
	[tilespmem:$0x1FF80] =	vst v63  }
0x90: {  	_ =	swait.ge [sflag:s30], $0x1400  }
0x91: {  	[sflag:s30] =	ssyncset.done $0x0  }
0x92: {  	s5 =	sadd.s32 $0x2898, s22;
	[sflag:s30] =	ssyncadd.s32 $0xFFFFEC00  }
0x93: {  	[spmem:s2] =	stream.indirect.scatter.add.f32 [tilespmem:s19], [sflag:$0x2], $0x80, s5, s17, $0xb8;
	[tilespmem:$0x1FF80] =	vst v63  }
0x94: {  	_ =	swait.ge [sflag:s26], $0x1400  }
0x95: {  	[sflag:s26] =	ssyncset.done $0x0  }
0x96: {  	s5 =	sadd.s32 $0x1E0, s22;
	[sflag:s26] =	ssyncadd.s32 $0xFFFFEC00  }
0x97: {  	[tilespmem:s18], [sflag:$0x1] =	stream.indirect.gather [hbm4b:s4+s17], $0x80, s5, s17, $0xb8;
	[tilespmem:$0x1FF80] =	vst v63  }
0x98: {  	_ =	swait.ge [sflag:s1], $0x1400  }
0x99: {  	[sflag:s1] =	ssyncset.done $0x0  }
0x9a: {  	s5 =	sadd.s32 $0x28C0, s22;
	[sflag:s1] =	ssyncadd.s32 $0xFFFFEC00  }
0x9b: {  	[spmem:s2] =	stream.indirect.scatter.add.f32 [tilespmem:s21], [sflag:$0x3], $0x80, s5, s17, $0xb8;
	[tilespmem:$0x1FF80] =	vst v63  }
0x9c: {  	_ =	swait.ge [sflag:s30], $0x1400  }
0x9d: {  	[sflag:s30] =	ssyncset.done $0x0  }
0x9e: {  	s5 =	sadd.s32 $0x208, s22;
	[sflag:s30] =	ssyncadd.s32 $0xFFFFEC00  }
0x9f: {  	[tilespmem:s19], [sflag:$0x2] =	stream.indirect.gather [hbm4b:s4+s17], $0x80, s5, s17, $0xb8;
	[tilespmem:$0x1FF80] =	vst v63  }
0xa0: {  	_ =	swait.ge [sflag:s24], $0x1400  }
0xa1: {  	[sflag:s24] =	ssyncset.done $0x0  }
0xa2: {  	s5 =	sadd.s32 $0x28E8, s22;
	[sflag:s24] =	ssyncadd.s32 $0xFFFFEC00  }
0xa3: {  	[spmem:s2] =	stream.indirect.scatter.add.f32 [tilespmem:s23], [sflag:$0x4], $0x80, s5, s17, $0xb8;
	[tilespmem:$0x1FF80] =	vst v63  }
0xa4: {  	_ =	swait.ge [sflag:s1], $0x1400  }
0xa5: {  	[sflag:s1] =	ssyncset.done $0x0  }
0xa6: {  	s5 =	sadd.s32 $0x230, s22;
	[sflag:s1] =	ssyncadd.s32 $0xFFFFEC00  }
0xa7: {  	[tilespmem:s21], [sflag:$0x3] =	stream.indirect.gather [hbm4b:s4+s17], $0x80, s5, s17, $0xb8;
	[tilespmem:$0x1FF80] =	vst v63  }
0xa8: {  	_ =	swait.ge [sflag:s0], $0x1400  }
0xa9: {  	[sflag:s0] =	ssyncset.done $0x0  }
0xaa: {  	s5 =	sadd.s32 $0x2910, s22;
	[sflag:s0] =	ssyncadd.s32 $0xFFFFEC00  }
0xab: {  	[spmem:s2] =	stream.indirect.scatter.add.f32 [tilespmem:s25], [sflag:$0x5], $0x80, s5, s17, $0xb8;
	[tilespmem:$0x1FF80] =	vst v63  }
0xac: {  	_ =	swait.ge [sflag:s24], $0x1400  }
0xad: {  	[sflag:s24] =	ssyncset.done $0x0  }
0xae: {  	s5 =	sadd.s32 $0x258, s22;
	[sflag:s24] =	ssyncadd.s32 $0xFFFFEC00  }
0xaf: {  	[tilespmem:s23], [sflag:$0x4] =	stream.indirect.gather [hbm4b:s4+s17], $0x80, s5, s17, $0xb8;
	[tilespmem:$0x1FF80] =	vst v63  }
0xb0: {  	_ =	swait.ge [sflag:s28], $0x1400  }
0xb1: {  	p1 =	seq.s32 s20, $0x9240;
	[sflag:s28] =	ssyncset.done $0x0  }
.Ltmp2:
0xb2: {  	s5 =	sadd.s32 $0x2938, s22;
	[sflag:s28] =	ssyncadd.s32 $0xFFFFEC00;
	(pc) =	sbr.rel @p1 .LBB2_4-.Ltmp2, $4  }
0xb3: {  	[spmem:s2] =	stream.indirect.scatter.add.f32 [tilespmem:s29], [sflag:$0x6], $0x80, s5, s17, $0xb8;
	[tilespmem:$0x1FF80] =	vst v63  }
0xb4: {  	_ =	swait.ge [sflag:s0], $0x1400  }
0xb5: {  	[sflag:s0] =	ssyncset.done $0x0  }
0xb6: {  	[sflag:s0] =	ssyncadd.s32 $0xFFFFEC00  }
.Ltmp3:
0xb7: {  	(pc) =	sbr.rel .LBB2_2-.Ltmp3, $3  }
0xb8: {  	_ =	sdelay $0x1  }
0xb9: {  	s5 =	sadd.s32 $0x280, s22;
	s20 =	sadd.s32 $0x3C0, s20  }
0xba: {  	[tilespmem:s25], [sflag:$0x5] =	stream.indirect.gather [hbm4b:s4+s17], $0x80, s5, s17, $0xb8;
	[tilespmem:$0x1FF80] =	vst v63  }
.LBB2_5:
0xbb: {  	_ =	sfence.sel $0x180000  }
0xbc: {  	[bflag:$0x0] =	sbarrier.arrive $0xFFFF  }
0xbd: {  	_ =	strace $0x9000004D  }
0xbe: {  	s0 =	stileid.u32;
	[bflag:$0x2] =	sbarrier.arrive $0xFFFF  }
0xbf: {  	p0 =	sne.s32 s0, $0x0;
	s0 =	rddreg [dreg:$0x2]  }
0xc0: {  	s0 =	sadd.s32 @!p0 $0x100000, s0  }
0xc1: {  	[sflag:s0] =	ssyncadd.tile.s32 @!p0 $0x1;
	_ =	shalt  }
.Lfunc_end2:
_tile_overlayer_lowered:
.L_overlay_start_2:
0xc2: {  	(tag) =	ssettag $0x2  }
0xc3: {  	s0 =	rddreg [dreg:$0x0];
	s2 =	stileid.u32  }
0xc4: {  	s1 =	rddreg [dreg:$0x1];
	p0 =	sne.s32 s2, $0x0  }
0xc5: {  	s3 =	rddreg [dreg:$0x2];
	[bflag:$0x3] =	sbarrier.arrive $0xFFFF;
	s2 =	simm.s32 @!p0 $0x1C07  }
0xc6: {  	[timem:s3], [sflag:s2] =	dma.local @!p0 [hbm:s0], s1  }
0xc7: {  	s0 =	simm.s32 @!p0 $0x7  }
0xc8: {  	_ =	swait.ge @!p0 [sflag:s0], s1  }
0xc9: {  	s1 =	ssub.s32 @!p0 $0x0, s1;
	[sflag:s0] =	ssyncset.done @!p0 $0x0  }
0xca: {  	[sflag:s0] =	ssyncadd.s32 @!p0 s1  }
0xcb: {  	[bflag:$0x3] =	sbarrier.arrive $0xFFFF  }
0xcc: {  	_ =	shalt  }

// kernel: kernel.8.cloned.1.call-start
scs
__scs_entry_jumppad:
0x0: {  	(pc) =	sbr.rel $0x88, $3  }
0x1: {  	(tag) =	ssettag $0x0;
	lr =	simm.s32 $0x1  }
0x2: {  	[smem:$0x3F98] =	sst lr;
	_ =	strace $0xD0000000  }
0x3: {  	_ = 	snop  }
0x4: {  	_ = 	snop  }
0x5: {  	_ = 	snop  }
0x6: {  	_ = 	snop  }
0x7: {  	_ = 	snop  }
__scs_overlays_trampoline_lowered:
0x8: {  	[smem:$0x3FA7] =	sst s0  }
0x9: {  	[smem:$0x3FA8] =	sst s1  }
0xa: {  	[smem:$0x3FA9] =	sst s2  }
0xb: {  	[smem:$0x3FAA] =	sst s3  }
0xc: {  	[smem:$0x3FAB] =	sst s4  }
0xd: {  	[smem:$0x3FAC] =	sst s5  }
0xe: {  	[smem:$0x3FAD] =	sst s6  }
0xf: {  	[smem:$0x3FAE] =	sst s7  }
0x10: {  	[smem:$0x3FAF] =	sst s8  }
0x11: {  	[smem:$0x3FB0] =	sst s9;
	s0 =	simm.s32 @!p0 $0x0  }
0x12: {  	s1 =	sld [smem:$0x3F96];
	s0 =	simm.s32 @p0 $0x1  }
0x13: {  	[smem:$0x3FB1] =	sst s0;
	s0 =	simm.s32 @!p1 $0x0  }
0x14: {  	s2 =	sld [smem:$0x3F95];
	s0 =	simm.s32 @p1 $0x1  }
0x15: {  	[smem:$0x3FB2] =	sst s0;
	s0 =	simm.s32 @!p2 $0x0  }
0x16: {  	s3 =	sld [smem:$0x3FDB];
	s0 =	simm.s32 @p2 $0x1  }
0x17: {  	s4 =	simm.s32 $0x1BF5;
	[smem:$0x3FB4] =	sst s0  }
0x18: {  	s0 =	sld [smem:$0x3F97];
	_ =	swait.ge [sflag:s4], $0x0  }
0x19: {  	s7 =	sld [smem:$0x3F98]  }
0x1a: {  	s8 =	sadd.s32 $0xFFFFE003, lr  }
0x1b: {  	s9 =	sadd.s32 $0xFFFFFEF7, lr;
	s5 =	simm.s32 $0xFFFFFFFF;
	p2 =	slt.u32 s8, $0xFFFFF086  }
0x1c: {  	p1 =	slt.u32 s9, $0xF7A;
	s5 =	simm.s32 @!p2 $0x0  }
0x1d: {  	s5 =	simm.s32 @p1 $0x1;
	p0 =	seq.s32 s7, s2  }
0x1e: {  	s7 =	smul.u32 @!p0 $0xF7A, s2;
	p2 =	seq.s32 @!p0 s5, $0x0  }
0x1f: {  	s9 =	smul.u32 $0xF7A, s1;
	s8 =	simm.s32 @!p0 $0x1BF5;
	p2 =	por !p2, p0  }
0x20: {  	[sflag:s8] =	ssyncset.s32 @!p0 $0xFFFFF086;
	s6 =	sadd.s32 @!p0 s3, s7;
	s7 =	simm.s32 @!p0 $0x108  }
0x21: {  	s3 =	sadd.s32 s3, s9;
	s6 =	sadd.s32 @!p0 $0x88, s6;
	s7 =	simm.s32 @p2 $0x1082  }
0x22: {  	[simem:s7], [sflag:s8] =	dma.local @!p0 [hbm:s6], $0xF7A  }
0x23: {  	s9 =	sor.u32 $0xD0000000, s2;
	s6 =	simm.s32 $0x108;
	_ =	swait.ge @!p0 [sflag:s8], $0x0  }
0x24: {  	s3 =	sadd.s32 $0x88, s3;
	s6 =	simm.s32 @!p1 $0x1082;
	[sflag:s4] =	ssyncset.s32 $0xFFFFF086  }
0x25: {  	[simem:s6], [sflag:s4] =	dma.local [hbm:s3], $0xF7A  }
0x26: {  	[smem:$0x3F98] =	sst s1;
	(tag) =	ssettag s2;
	_ =	strace s9  }
0x27: {  	s1 =	sld [smem:$0x3FA8]  }
0x28: {  	s2 =	sld [smem:$0x3FA9]  }
0x29: {  	s4 =	sld [smem:$0x3FAB]  }
0x2a: {  	p0 =	seq.s32 s5, $0x0;
	s5 =	sld [smem:$0x3FAC]  }
0x2b: {  	s6 =	sld [smem:$0x3FAD]  }
0x2c: {  	s7 =	sld [smem:$0x3FAE]  }
0x2d: {  	s3 =	simm.s32 $0x108;
	s8 =	sld [smem:$0x3FAF]  }
0x2e: {  	s3 =	simm.s32 @!p0 $0x1082;
	s9 =	sld [smem:$0x3FB0]  }
0x2f: {  	lr =	sadd.s32 s0, s3;
	s0 =	sld [smem:$0x3FA7]  }
0x30: {  	s3 =	sld [smem:$0x3FAA]  }
0x31: {  	[smem:$0x3FB3] =	sst s10  }
0x32: {  	s10 =	sld [smem:$0x3FB1];
	_ =	sdelay $0x3  }
0x33: {  	p0 =	seq.s32 s10, $0x1;
	s10 =	sld [smem:$0x3FB3];
	_ =	sdelay $0x3  }
0x34: {  	[smem:$0x3FB3] =	sst s10  }
0x35: {  	s10 =	sld [smem:$0x3FB2];
	_ =	sdelay $0x3  }
0x36: {  	p1 =	seq.s32 s10, $0x1;
	s10 =	sld [smem:$0x3FB3];
	_ =	sdelay $0x3  }
0x37: {  	[smem:$0x3FB3] =	sst s10  }
0x38: {  	s10 =	sld [smem:$0x3FB4]  }
0x39: {  	_ = 	snop;
	(pc) =	sbr.ind lr, $3  }
0x3a: {  	_ = 	snop  }
0x3b: {  	_ = 	snop  }
0x3c: {  	p2 =	seq.s32 s10, $0x1;
	s10 =	sld [smem:$0x3FB3]  }
0x3d: {  	_ =	shalt  }
0x3e: {  	_ =	shalt  }
0x3f: {  	_ =	shalt  }
0x40: {  	_ =	shalt  }
0x41: {  	_ =	shalt  }
0x42: {  	_ =	shalt  }
0x43: {  	_ =	shalt  }
0x44: {  	_ =	shalt  }
0x45: {  	_ =	shalt  }
0x46: {  	_ =	shalt  }
0x47: {  	_ =	shalt  }
0x48: {  	_ =	shalt  }
0x49: {  	_ =	shalt  }
0x4a: {  	_ =	shalt  }
0x4b: {  	_ =	shalt  }
0x4c: {  	_ =	shalt  }
0x4d: {  	_ =	shalt  }
0x4e: {  	_ =	shalt  }
0x4f: {  	_ =	shalt  }
0x50: {  	_ =	shalt  }
0x51: {  	_ =	shalt  }
0x52: {  	_ =	shalt  }
0x53: {  	_ =	shalt  }
0x54: {  	_ =	shalt  }
0x55: {  	_ =	shalt  }
0x56: {  	_ =	shalt  }
0x57: {  	_ =	shalt  }
0x58: {  	_ =	shalt  }
0x59: {  	_ =	shalt  }
0x5a: {  	_ =	shalt  }
0x5b: {  	_ =	shalt  }
0x5c: {  	_ =	shalt  }
0x5d: {  	_ =	shalt  }
0x5e: {  	_ =	shalt  }
0x5f: {  	_ =	shalt  }
0x60: {  	_ =	shalt  }
0x61: {  	_ =	shalt  }
0x62: {  	_ =	shalt  }
0x63: {  	_ =	shalt  }
0x64: {  	_ =	shalt  }
0x65: {  	_ =	shalt  }
0x66: {  	_ =	shalt  }
0x67: {  	_ =	shalt  }
0x68: {  	_ =	shalt  }
0x69: {  	_ =	shalt  }
0x6a: {  	_ =	shalt  }
0x6b: {  	_ =	shalt  }
0x6c: {  	_ =	shalt  }
0x6d: {  	_ =	shalt  }
0x6e: {  	_ =	shalt  }
0x6f: {  	_ =	shalt  }
0x70: {  	_ =	shalt  }
0x71: {  	_ =	shalt  }
0x72: {  	_ =	shalt  }
0x73: {  	_ =	shalt  }
0x74: {  	_ =	shalt  }
0x75: {  	_ =	shalt  }
0x76: {  	_ =	shalt  }
0x77: {  	_ =	shalt  }
0x78: {  	_ =	shalt  }
0x79: {  	_ =	shalt  }
0x7a: {  	_ =	shalt  }
0x7b: {  	_ =	shalt  }
0x7c: {  	_ =	shalt  }
0x7d: {  	_ =	shalt  }
0x7e: {  	_ =	shalt  }
0x7f: {  	_ =	shalt  }
0x80: {  	_ =	shalt  }
0x81: {  	_ =	shalt  }
0x82: {  	_ =	shalt  }
0x83: {  	_ =	shalt  }
0x84: {  	_ =	shalt  }
0x85: {  	_ =	shalt  }
0x86: {  	_ =	shalt  }
0x87: {  	_ =	shalt  }
.Lfunc_end0:
.L_simem_size_0:
called_computation_lowered:
.L_overlay_start_0:
0x88: {  	s2 =	sld [smem:$0x3FD9]  }
0x89: {  	s3 =	sld [smem:$0x3FFE];
	_ =	sdelay $0x1  }
0x8a: {  	s1 =	srdreg.scid  }
0x8b: {  	s0 =	sand.u32 $0x1, s1  }
0x8c: {  	s16 =	sshll.u32 s0, $0xA;
	s2 =	sadd.s32 s3, s2  }
0x8d: {  	s2 =	sadd.s32 s2, s16  }
0x8e: {  	[smem:$0x3FBF] =	sst s2  }
0x8f: {  	_ = 	snop  }
0x90: {  	(tm) =	ssettm $0x1  }
0x91: {  	s17 =	sld [smem:$0x3FFB];
	_ =	sdelay $0x3  }
0x92: {  	_ =	strace s17  }
0x93: {  	s2 =	sld [smem:$0x3FFC];
	_ =	sdelay $0x3  }
0x94: {  	_ =	strace s2  }
0x95: {  	s2 =	sld [smem:$0x3FFD];
	_ =	sdelay $0x3  }
0x96: {  	_ =	strace s2  }
0x97: {  	_ =	strace $0x8FFFFFFF  }
0x98: {  	s18 =	sld [smem:$0x3FDB];
	_ =	sdelay $0x1  }
0x99: {  	s19 =	simm.s32 $_scs_section_size  }
0x9a: {  	s4 =	simm.s32 $_size__tile_overlayer_lowered;
	s5 =	simm.s32 $_tile_overlayer_lowered  }
0x9b: {  	s22 =	simm.s32 $0x1BFF;
	s21 =	sshll.u32 s5, $0x1;
	s2 =	sadd.s32 s19, s18  }
0x9c: {  	s6 =	simm.s32 $0x0;
	s20 =	sshll.u32 s4, $0x1;
	s4 =	sadd.s32 s21, s2  }
0x9d: {  	[timem:s6], [sflag:s22] =	dma.local [hbm:s4], s20  }
0x9e: {  	_ =	swait.ge [sflag:s22], s20  }
0x9f: {  	s3 =	ssub.s32 $0x0, s20;
	[sflag:s22] =	ssyncset.done $0x0  }
0xa0: {  	[sflag:s22] =	ssyncadd.s32 s3;
	_ =	sdelay $0x1  }
0xa1: {  	s23 =	simm.s32 $0x1B8B  }
0xa2: {  	_ =	swait.ge [sflag:s23], $0x1  }
0xa3: {  	[sflag:s23] =	ssyncset.done $0x0  }
0xa4: {  	s25 =	simm.s32 $0x1B8E;
	s24 =	sld [smem:$0x3FFE];
	[sflag:s23] =	ssyncadd.s32 $0xFFFFFFFF  }
0xa5: {  	s26 =	simm.s32 $execute0_lowered;
	[smem:$0x3FD2] =	sst s25  }
0xa6: {  	s4 =	sshll.u32 s26, $0x1;
	_ =	strace $0x80000046;
	[dreg:$0x1] =	wrdreg $0xFFFFFFFF  }
0xa7: {  	s28 =	simm.s32 $_size_execute0_lowered;
	s2 =	sadd.s32 s2, s4;
	[dreg:$0x0] =	wrdreg $0x0  }
0xa8: {  	s4 =	sshll.u32 s28, $0x1;
	[dreg:$0x2] =	wrdreg s2  }
0xa9: {  	[dreg:$0x3] =	wrdreg s4  }
0xaa: {  	[dreg:$0x4] =	wrdreg $0xC0  }
0xab: {  	_ =	task [dreg:s6], $0x5FFFF  }
0xac: {  	[dreg:$0x1] =	wrdreg $0xFFFFFFFF  }
0xad: {  	[dreg:$0x0] =	wrdreg $0x60  }
0xae: {  	[dreg:$0x2] =	wrdreg s24  }
0xaf: {  	[dreg:$0x3] =	wrdreg $0x9  }
0xb0: {  	_ =	task.clear_ibuf [dreg:s6], $0x4FFFF;
	_ =	strace $0x90000046  }
0xb1: {  	s29 =	simm.s32 $0x9;
	_ =	strace $0x80000048  }
0xb2: {  	_ =	swait.ge [sflag:s29], $0x1  }
0xb3: {  	[sflag:s29] =	ssyncadd.s32 $0xFFFFFFFF  }
0xb4: {  	_ =	strace $0x90000048  }
0xb5: {  	_ =	sfence  }
0xb6: {  	s30 =	sld [smem:$0x0];
	_ =	sdelay $0x2  }
0xb7: {  	s31 =	sshll.u32 s1, $0xD;
	s1 =	sshrl.u32 s1, $0x2  }
0xb8: {  	s3 =	sand.u32 $0x4000, s31;
	s1 =	sadd.s32 s1, s30  }
0xb9: {  	s0 =	sor.u32 s3, s0;
	s1 =	sshll.u32 s1, $0x11  }
0xba: {  	s0 =	sor.u32 s1, s0  }
0xbb: {  	s0 =	sadd.s32 $0x8F2B, s0  }
0xbc: {  	[sflag:s0] =	ssyncadd.remote.s32 $0x1  }
0xbd: {  	_ =	sfence.sel $0xFFFF  }
0xbe: {  	[dreg:$0x0] =	wrdreg $0xFFFFFFFF;
	(pc) =	sbr.abs _section_cstart, $3  }
0xbf: {  	[dreg:$0x1] =	wrdreg $0xFFFFFFFF  }
0xc0: {  	_ =	task.clear_ibuf [dreg:s6], $0x2FFFF;
	_ =	strace $0x9FFFFFFF  }
0xc1: {  	(tm) =	ssettm $0x7FFFFFFF  }
tec
execute0_lowered:
.L_overlay_start_1:
0x0: {  	(tag) =	ssettag $0x1  }
0x1: {  	s0 =	srdreg.scid;
	s4 =	rddreg [dreg:$0x0]  }
0x2: {  	s2 =	simm.s32 $0x0;
	s8 =	simm.s32 $0x2780;
	s3 =	sand.u32 $0x1, s0  }
0x3: {  	s9 =	simm.s32 $0x16000;
	s0 =	stileid.u32;
	s1 =	sshll.u32 s3, $0x4  }
0x4: {  	s10 =	simm.s32 $0x0;
	[smem:$0x7FF] =	sst s2;
	s5 =	sor.u32 s0, s1  }
0x5: {  	s6 =	ssub.s32 $0x2, s3;
	s3 =	sadd.s32 $0x16000, s4;
	s5 =	smul.u32 $0x4E2, s5  }
0x6: {  	v0 =	vlaneseq.u32;
	s1 =	rddreg [dreg:$0x1];
	_ =	strace $0x80000047;
	s7 =	sshrl.u32 s6, $0x1  }
0x7: {  	v0 =	vand.u32 $0x7, v0;
	s6 =	ssub.s32 s6, s7;
	s7 =	simm.s32 $0x1;
	s5 =	sadd.s32 s5, s4  }
0x8: {  	v1 =	vimm.f32 $1.000000000e+00;
	vm0 =	vcmask $0x3F20;
	v0 =	vmul.u32 $0x2710, v0;
	s6 =	smax.u32 s6, $0x1;
	s4 =	sadd.s32 $0x2400, s5;
	s5 =	sadd.s32 $0x18800, s5  }
.LBB2_1:
0x9: {  	[tilespmem:s2], [sflag:$0x1] =	stream.linear.gather [hbm4b:s4+s2], $0x2710, $0x38;
	[tilespmem:$0x18780] =	vst v63  }
0xa: {  	_ =	swait.ge [sflag:s7], $0x2710  }
0xb: {  	[sflag:s7] =	ssyncset.done $0x0  }
0xc: {  	[sflag:s7] =	ssyncadd.s32 $0xFFFFD8F0  }
0xd: {  	[tilespmem:s8], [sflag:$0x1] =	stream.linear.gather [hbm4b:s3+s2], $0x13880, $0x38;
	[tilespmem:$0x18780] =	vst v63  }
0xe: {  	_ =	swait.ge [sflag:s7], $0x13880  }
0xf: {  	[sflag:s7] =	ssyncset.done $0x0  }
0x10: {  	s11 =	simm.s32 $0x0;
	[sflag:s7] =	ssyncadd.s32 $0xFFFEC780  }
.LBB2_2:
0x11: {  	s12 =	sshra.s32 s11, $0x2  }
0x12: {  	v2 =	vld [tilespmem:s12+$0x0];
	_ =	sdelay $0x4  }
0x13: {  	v2 =	vadd.s32 v0, v2  }
0x14: {  	p0 =	sne.s32 s11, $0x9C00  }
.Ltmp0:
0x15: {  	_ = 	snop;
	(pc) =	sbr.rel @p0 .LBB2_2-.Ltmp0, $3  }
0x16: {  	_ =	sdelay $0x1  }
0x17: {  	[tilespmem:v2+s8+$0x0] =	vst.idx.add.f32.msk $0xff, v1  }
0x18: {  	s11 =	sadd.s32 $0x40, s11;
	[tilespmem:v2+s8+$0x0] =	vst.idx.add.f32.msk vm0, v1  }
0x19: {  	s12 =	simm.s32 $0x0  }
0x1a: {  	v2 =	vld [tilespmem:s12+$0x2780]  }
0x1b: {  	v3 =	vld [tilespmem:s12+$0x4E90];
	_ =	sdelay $0x1  }
0x1c: {  	v4 =	vld [tilespmem:s12+$0x75A0];
	_ =	sdelay $0x1  }
0x1d: {  	v5 =	vld [tilespmem:s12+$0x9CB0]  }
0x1e: {  	v6 =	vld [tilespmem:s12+$0xEAD0];
	v2 =	vadd.f32 v3, v2  }
0x1f: {  	s11 =	simm.s32 $0x10;
	v3 =	vld [tilespmem:s12+$0xC3C0]  }
0x20: {  	v7 =	vld [tilespmem:s11+$0x2780];
	v2 =	vadd.f32 v4, v2  }
0x21: {  	v8 =	vld [tilespmem:s11+$0x4E90]  }
0x22: {  	v9 =	vld [tilespmem:s12+$0x111E0];
	v2 =	vadd.f32 v5, v2  }
0x23: {  	v10 =	vld [tilespmem:s11+$0x75A0]  }
0x24: {  	v4 =	vld [tilespmem:s12+$0x138F0];
	v5 =	vadd.f32 v3, v2  }
0x25: {  	v3 =	vld [tilespmem:s11+$0x9CB0]  }
0x26: {  	v7 =	vadd.f32 v8, v7;
	v2 =	vld [tilespmem:s11+$0xEAD0];
	v8 =	vadd.f32 v6, v5  }
0x27: {  	s13 =	simm.s32 $0x20;
	v5 =	vld [tilespmem:s11+$0xC3C0]  }
0x28: {  	s14 =	simm.s32 $0xC0;
	v7 =	vadd.f32 v10, v7;
	v6 =	vld [tilespmem:s13+$0x2780];
	v8 =	vadd.f32 v9, v8  }
.LBB2_4:
0x29: {  	p0 =	sne.s32 s14, $0x9C00;
	v9 =	vld [tilespmem:s13+$0x4E90]  }
0x2a: {  	v3 =	vadd.f32 v3, v7;
	v10 =	vld [tilespmem:s11+$0x111E0];
	v7 =	vadd.f32 v4, v8  }
0x2b: {  	v8 =	vld [tilespmem:s13+$0x75A0]  }
.Ltmp1:
0x2c: {  	v5 =	vadd.f32 v5, v3;
	v4 =	vld [tilespmem:s11+$0x138F0];
	[tilespmem:s12+$0x16000] =	vst v7;
	s12 =	smov.u32 s11;
	s11 =	smov.u32 s13;
	(pc) =	sbr.rel @p0 .LBB2_4-.Ltmp1, $4  }
0x2d: {  	v3 =	vld [tilespmem:s11+$0x9CB0]  }
0x2e: {  	v7 =	vadd.f32 v9, v6;
	v9 =	vadd.f32 v2, v5;
	v2 =	vld [tilespmem:s11+$0xEAD0]  }
0x2f: {  	s13 =	sshra.s32 s14, $0x2;
	v5 =	vld [tilespmem:s11+$0xC3C0]  }
0x30: {  	s14 =	sadd.s32 $0x40, s14;
	v6 =	vld [tilespmem:s13+$0x2780];
	v7 =	vadd.f32 v8, v7;
	v8 =	vadd.f32 v10, v9  }
0x31: {  	v9 =	vld [tilespmem:s13+$0x4E90]  }
0x32: {  	v10 =	vld [tilespmem:s11+$0x111E0];
	v4 =	vadd.f32 v4, v8  }
0x33: {  	v60 =	vld [tilespmem:s13+$0x75A0]  }
0x34: {  	v11 =	vld [tilespmem:s11+$0x138F0];
	[tilespmem:s12+$0x16000] =	vst v4  }
0x35: {  	v4 =	vld [tilespmem:s13+$0x9CB0]  }
0x36: {  	v6 =	vadd.f32 v9, v6  }
0x37: {  	v61 =	vld [tilespmem:s13+$0xC3C0]  }
0x38: {  	v6 =	vadd.f32 v60, v6  }
0x39: {  	v3 =	vadd.f32 v3, v7;
	v62 =	vld [tilespmem:s13+$0xEAD0]  }
0x3a: {  	v4 =	vadd.f32 v4, v6  }
0x3b: {  	v3 =	vadd.f32 v5, v3;
	v63 =	vld [tilespmem:s13+$0x111E0]  }
0x3c: {  	v4 =	vadd.f32 v61, v4  }
0x3d: {  	v2 =	vadd.f32 v2, v3;
	v3 =	vld [tilespmem:s13+$0x138F0]  }
0x3e: {  	v4 =	vadd.f32 v62, v4  }
0x3f: {  	v2 =	vadd.f32 v10, v2  }
0x40: {  	v4 =	vadd.f32 v63, v4  }
0x41: {  	v2 =	vadd.f32 v11, v2  }
0x42: {  	s10 =	sadd.s32 $0x1, s10;
	v3 =	vadd.f32 v3, v4  }
0x43: {  	p0 =	sne.s32 s10, s6;
	[tilespmem:s11+$0x16000] =	vst v2  }
.Ltmp2:
0x44: {  	[tilespmem:s13+$0x16000] =	vst v3;
	(pc) =	sbr.rel @p0 .LBB2_1-.Ltmp2, $4  }
0x45: {  	[hbm4b:s5+s2] =	stream.linear.scatter [tilespmem:s9], [sflag:$0x1], $0x2710, $0x38;
	[tilespmem:$0x18780] =	vst v63  }
0x46: {  	_ =	swait.ge [sflag:s7], $0x2710  }
0x47: {  	[sflag:s7] =	ssyncset.done $0x0  }
0x48: {  	[sflag:s7] =	ssyncadd.s32 $0xFFFFD8F0  }
0x49: {  	_ =	sfence.sel $0x180000  }
0x4a: {  	[bflag:$0x0] =	sbarrier.arrive $0xFFFF  }
0x4b: {  	p0 =	sne.s32 s0, $0x0;
	_ =	strace $0x90000047  }
0x4c: {  	s0 =	sadd.s32 @!p0 $0x100000, s1;
	[bflag:$0x2] =	sbarrier.arrive $0xFFFF  }
0x4d: {  	[sflag:s0] =	ssyncadd.tile.s32 @!p0 $0x1;
	_ =	shalt  }
.Lfunc_end2:
_tile_overlayer_lowered:
.L_overlay_start_2:
0x4e: {  	(tag) =	ssettag $0x2  }
0x4f: {  	s0 =	rddreg [dreg:$0x0];
	s2 =	stileid.u32  }
0x50: {  	s1 =	rddreg [dreg:$0x1];
	p0 =	sne.s32 s2, $0x0  }
0x51: {  	s3 =	rddreg [dreg:$0x2];
	[bflag:$0x3] =	sbarrier.arrive $0xFFFF;
	s2 =	simm.s32 @!p0 $0x1C01  }
0x52: {  	[timem:s3], [sflag:s2] =	dma.local @!p0 [hbm:s0], s1  }
0x53: {  	s0 =	simm.s32 @!p0 $0x1  }
0x54: {  	_ =	swait.ge @!p0 [sflag:s0], s1  }
0x55: {  	s1 =	ssub.s32 @!p0 $0x0, s1;
	[sflag:s0] =	ssyncset.done @!p0 $0x0  }
0x56: {  	[sflag:s0] =	ssyncadd.s32 @!p0 s1  }
0x57: {  	[bflag:$0x3] =	sbarrier.arrive $0xFFFF  }
0x58: {  	_ =	shalt  }

</sc_bundles>
